<compile_context>
chip_gen: v7x
topology: tpu7x:2x2x1
jax: 0.10.2.dev20260603
libtpu: 0.0.44.dev20260713+nightly
codegen_flags: <defaults>
</compile_context>

<pallas_src>
import functools

import numpy as np

import jax
import jax.numpy as jnp
from jax import lax
from jax.experimental import pallas as pl
from jax.experimental.pallas import tpu as pltpu
from jax.experimental.pallas import tpu_sc as plsc

N = 10000
E = 320000
D = 128

NC = 2
NS = 16
NW = NC * NS
C = 128
WB = 128
N_PAD = 10240
SLAB = N_PAD // NS
E_PAD = 327680
CH = E_PAD // (NW * C)
TCH = E_PAD // C
R = 1024
GRID = N_PAD // R

CF = 80
CS = TCH // NS - CF
FAST_CID = 0
STAGES_F = (40, 40)
STAGES_S = (40, 40)

_mesh = plsc.VectorSubcoreMesh(core_axis_name="c", subcore_axis_name="s")


@functools.partial(
    pl.kernel,
    mesh=_mesh,
    out_type=jax.ShapeDtypeStruct((NC, N_PAD), jnp.float32),
    scratch_types=[
        pltpu.VMEM((CH, C), jnp.int32),
        pltpu.VMEM((C,), jnp.float32),
        pltpu.VMEM_SHARED((N_PAD,), jnp.float32),
    ],
)
def _deg_kernel(cidx_hbm, ones_hbm, zeros_hbm, deg_out, cidx_v, ones_v, acc):
    cid = lax.axis_index("c")
    sid = lax.axis_index("s")
    wid = sid * NC + cid

    pltpu.sync_copy(cidx_hbm.at[pl.ds(wid * CH, CH)], cidx_v)
    pltpu.sync_copy(ones_hbm, ones_v)
    pltpu.sync_copy(zeros_hbm, acc.at[pl.ds(sid * SLAB, SLAB)])
    plsc.subcore_barrier()

    @pl.loop(0, CH)
    def _(j):
        pltpu.sync_copy(ones_v, acc.at[cidx_v.at[j]], add=True)

    plsc.subcore_barrier()
    pltpu.sync_copy(
        acc.at[pl.ds(sid * SLAB, SLAB)],
        deg_out.at[cid, pl.ds(sid * SLAB, SLAB)],
    )


@functools.partial(
    pl.kernel,
    mesh=_mesh,
    out_type=[jax.ShapeDtypeStruct((N_PAD, D), jnp.float32),
              jax.ShapeDtypeStruct((N_PAD, D), jnp.float32)],
    scratch_types=[
        pltpu.VMEM((40, C), jnp.int32),
        pltpu.VMEM((40, C), jnp.int32),
        pltpu.VMEM_SHARED((N_PAD, D), jnp.float32),
        pltpu.SemaphoreType.DMA,
        pltpu.SemaphoreType.DMA,
    ],
)
def _edge_kernel(ridx_hbm, cidx_hbm, h_hbm, zrows_hbm, out0_hbm, out1_hbm,
                 ridx_v, cidx_v, acc, sem0, sem1):
    cid = lax.axis_index("c")
    sid = lax.axis_index("s")
    sems = (sem0, sem1)
    nb = 2

    pltpu.sync_copy(zrows_hbm, acc.at[pl.ds(sid * SLAB, SLAB)])
    plsc.subcore_barrier()

    def pipeline(msg_v, chunk0, stages):
        off = 0
        for sz in stages:
            base = chunk0 + off
            off += sz
            pltpu.sync_copy(ridx_hbm.at[pl.ds(base, sz)],
                            ridx_v.at[pl.ds(0, sz)])
            pltpu.sync_copy(cidx_hbm.at[pl.ds(base, sz)],
                            cidx_v.at[pl.ds(0, sz)])
            for b in range(nb):
                pltpu.async_copy(h_hbm.at[ridx_v.at[b]], msg_v.at[b],
                                 sems[b])

            @pl.loop(0, sz, step=nb)
            def _(j):
                for b in range(nb):
                    pltpu.make_async_copy(
                        h_hbm.at[ridx_v.at[0]], msg_v.at[b], sems[b]).wait()
                    pltpu.sync_copy(msg_v.at[b], acc.at[cidx_v.at[j + b]],
                                    add=True)
                    nxt = j + b + nb

                    @pl.when(nxt < sz)
                    def _():
                        pltpu.async_copy(
                            h_hbm.at[ridx_v.at[nxt]], msg_v.at[b], sems[b])

    def body(msg_v):
        @pl.when(cid == FAST_CID)
        def _():
            pipeline(msg_v, sid * CF, STAGES_F)

        @pl.when(cid != FAST_CID)
        def _():
            pipeline(msg_v, NS * CF + sid * CS, STAGES_S)

    pl.run_scoped(body, pltpu.VMEM((2, C, D), jnp.float32))
    plsc.subcore_barrier()

    @pl.loop(0, SLAB // WB)
    def _(k):
        base = sid * SLAB + k * WB

        @pl.when(cid == 0)
        def _():
            pltpu.sync_copy(acc.at[pl.ds(base, WB)],
                            out0_hbm.at[pl.ds(base, WB)])

        @pl.when(cid == 1)
        def _():
            pltpu.sync_copy(acc.at[pl.ds(base, WB)],
                            out1_hbm.at[pl.ds(base, WB)])


def _dinv_block(da, db):
    d = da + db
    return jnp.where(d > 0, lax.rsqrt(jnp.where(d > 0, d, 1.0)), 0.0)


def _tc_mm_body(x_ref, w_ref, o_ref):
    o_ref[...] = jnp.dot(x_ref[...], w_ref[...],
                         preferred_element_type=jnp.float32)


def _tc_scale_body(h_ref, da_ref, db_ref, o_ref):
    o_ref[...] = h_ref[...] * _dinv_block(da_ref[...], db_ref[...])


def _tc_mid_body(pa_ref, pb_ref, da_ref, db_ref, b_ref, w_ref, o_ref):
    dinv = _dinv_block(da_ref[...], db_ref[...])
    y = (pa_ref[...] + pb_ref[...]) * dinv + b_ref[...]
    h = jnp.dot(y, w_ref[...], preferred_element_type=jnp.float32)
    o_ref[...] = h * dinv


def _tc_out_body(pa_ref, pb_ref, da_ref, db_ref, b_ref, o_ref):
    dinv = _dinv_block(da_ref[...], db_ref[...])
    o_ref[...] = (pa_ref[...] + pb_ref[...]) * dinv + b_ref[...]


_row_spec = pl.BlockSpec((R, D), lambda i: (i, 0))
_n_shape = jax.ShapeDtypeStruct((N, D), jnp.float32)
_deg_spec = pl.BlockSpec((R, 1), lambda i: (i, 0))
_w_spec = pl.BlockSpec((D, D), lambda i: (0, 0))
_b_spec = pl.BlockSpec((1, D), lambda i: (0, 0))
_out_shape = jax.ShapeDtypeStruct((N_PAD, D), jnp.float32)

_tc_mm = pl.pallas_call(
    _tc_mm_body, grid=(GRID,),
    in_specs=[_row_spec, _w_spec],
    out_specs=_row_spec, out_shape=_n_shape)

_tc_scale = pl.pallas_call(
    _tc_scale_body, grid=(GRID,),
    in_specs=[_row_spec, _deg_spec, _deg_spec],
    out_specs=_row_spec, out_shape=_n_shape)

_tc_mid = pl.pallas_call(
    _tc_mid_body, grid=(GRID,),
    in_specs=[_row_spec, _row_spec, _deg_spec, _deg_spec, _b_spec, _w_spec],
    out_specs=_row_spec, out_shape=_n_shape)

_tc_out = pl.pallas_call(
    _tc_out_body, grid=(GRID,),
    in_specs=[_row_spec, _row_spec, _deg_spec, _deg_spec, _b_spec],
    out_specs=_row_spec, out_shape=_n_shape)


_PAD_ROW = np.asarray(np.arange(E_PAD - E) % N, dtype=np.int32)
_PAD_COL = np.asarray(N + np.arange(E_PAD - E) % (N_PAD - N), dtype=np.int32)
_ONES_C = np.ones((C,), np.float32)
_ZEROS_SLAB = np.zeros((SLAB,), np.float32)
_ZEROS_ROWS = np.zeros((SLAB, D), np.float32)


def kernel(x, edge_index, W1, b1, W2, b2):
    row = edge_index[0]
    col = edge_index[1]
    row_p = jnp.concatenate([row, _PAD_ROW])
    col_p = jnp.concatenate([col, _PAD_COL])
    ridx = row_p.reshape(TCH, C)
    cidx = col_p.reshape(TCH, C)
    b1r = b1.reshape(1, D)
    b2r = b2.reshape(1, D)

    deg_parts = _deg_kernel(cidx, _ONES_C, _ZEROS_SLAB)
    da = deg_parts[0].reshape(N_PAD, 1)
    db = deg_parts[1].reshape(N_PAD, 1)

    hm = _tc_mm(x, W1)
    h1 = _tc_scale(hm, da, db)
    p1a, p1b = _edge_kernel(ridx, cidx, h1, _ZEROS_ROWS)
    h2 = _tc_mid(p1a, p1b, da, db, b1r, W2)
    p2a, p2b = _edge_kernel(ridx, cidx, h2, _ZEROS_ROWS)
    return _tc_out(p2a, p2b, da, db, b2r)

# --- scband reference (transcript-rebuilt; emitter-appended) ---
"""Pipeline reference for scband-graph-encoder-1288490189296 (READ-ONLY COPY).

The authoritative reference and input builder live on the scoring server;
editing this copy changes nothing except your own understanding.
"""

import jax, jax.numpy as jnp
import numpy as np

N = 10000
E = 320000
D = 128


def setup_inputs(seed: int = 0) -> dict:
    key = jax.random.key(seed)
    k1, k2, k3, k4, k5, k6 = jax.random.split(key, 6)
    x = jax.random.normal(k1, (N, D), dtype=jnp.float32)
    edge_index = jax.random.randint(k2, (2, E), 0, N, dtype=jnp.int32)
    W1 = jax.random.normal(k3, (D, D), dtype=jnp.float32) * 0.05
    b1 = jnp.zeros((D,), dtype=jnp.float32)
    W2 = jax.random.normal(k4, (D, D), dtype=jnp.float32) * 0.05
    b2 = jnp.zeros((D,), dtype=jnp.float32)
    return {"x": x, "edge_index": edge_index, "W1": W1, "b1": b1, "W2": W2, "b2": b2}


def gcn_layer(x, edge_index, W, b):
    # GCNConv with add_self_loops=False, normalize=True, edge_weight=None
    row, col = edge_index[0], edge_index[1]
    n = x.shape[0]
    h = x @ W
    ones = jnp.ones((row.shape[0],), dtype=x.dtype)
    deg = jax.ops.segment_sum(ones, col, num_segments=n)
    dinv = jnp.where(deg > 0, jax.lax.rsqrt(jnp.where(deg > 0, deg, 1.0)), 0.0)
    norm = dinv[row] * dinv[col]
    msg = jnp.take(h, row, axis=0) * norm[:, None]
    out = jax.ops.segment_sum(msg, col, num_segments=n)
    return out + b


def reference(x, edge_index, W1, b1, W2, b2):
    x = gcn_layer(x, edge_index, W1, b1)
    x = gcn_layer(x, edge_index, W2, b2)
    return x

if __name__ == "__main__":
    import jax
    _d = setup_inputs()
    print(jax.jit(kernel)(*tuple(_d.values())))

</pallas_src>

<mosaic_0001>
#map = affine_map<(d0, d1) -> (0, 0)>
module attributes {stable_mosaic.version = 14 : i64} {
  func.func @_edge_kernel(%arg0: i32, %arg1: i32, %arg2: memref<2560x128xi32, #tpu.memory_space<hbm>>, %arg3: memref<2560x128xi32, #tpu.memory_space<hbm>>, %arg4: memref<10000x128xf32, #tpu.memory_space<hbm>>, %arg5: memref<640x128xf32, #tpu.memory_space<hbm>>, %arg6: memref<10240x128xf32, #tpu.memory_space<hbm>>, %arg7: memref<10240x128xf32, #tpu.memory_space<hbm>>, %arg8: memref<40x128xi32, #tpu.memory_space<vmem>>, %arg9: memref<40x128xi32, #tpu.memory_space<vmem>>, %arg10: memref<10240x128xf32, #tpu.memory_space<vmem_shared>>, %arg11: memref<!tpu.dma_semaphore, #tpu.memory_space<semaphore_mem>>, %arg12: memref<!tpu.dma_semaphore, #tpu.memory_space<semaphore_mem>>) attributes {dimension_semantics = [#tpu.dimension_semantics<core_parallel>, #tpu.dimension_semantics<subcore_parallel>], iteration_bounds = array<i64: 2, 16>, scalar_prefetch = 0 : i64, scratch_operands = 5 : i64, tpu.core_type = #tpu.core_type<sc_vector_subcore>, window_params = [{transform_indices = #map}, {transform_indices = #map}, {transform_indices = #map}, {transform_indices = #map}, {transform_indices = #map}, {transform_indices = #map}]} {
    %mul3A = arith.constant 640 : i32
    %mul3A_0 = arith.muli %arg1, %mul3A : i32
    "tpu.region"() ({
      %run_scoped3A = tpu.sem_alloc : memref<!tpu.dma_semaphore, #tpu.memory_space<semaphore_mem>>
      %dma_start3A = arith.constant 0 : i32
      %dma_start3A_6 = tpu.memref_slice %arg10[%mul3A_0, %dma_start3A] : memref<10240x128xf32, #tpu.memory_space<vmem_shared>> -> memref<640x128xf32, #tpu.memory_space<vmem_shared>>
      tpu.enqueue_dma source(%arg5 : memref<640x128xf32, #tpu.memory_space<hbm>>) target(%dma_start3A_6 : memref<640x128xf32, #tpu.memory_space<vmem_shared>>) target_semaphore(%run_scoped3A : memref<!tpu.dma_semaphore, #tpu.memory_space<semaphore_mem>>)
      %dma_wait3A = arith.constant 0 : i32
      %dma_wait3A_7 = tpu.memref_slice %arg10[%mul3A_0, %dma_wait3A] : memref<10240x128xf32, #tpu.memory_space<vmem_shared>> -> memref<640x128xf32, #tpu.memory_space<vmem_shared>>
      tpu.wait_dma2 semaphore(%run_scoped3A : memref<!tpu.dma_semaphore, #tpu.memory_space<semaphore_mem>>) src(%arg5 : memref<640x128xf32, #tpu.memory_space<hbm>>) dst(%dma_wait3A_7 : memref<640x128xf32, #tpu.memory_space<vmem_shared>>)
      tpu.yield
    }) : () -> ()
    %barrier3A = arith.constant 0 : index
    tpu.barrier barrier_id(%barrier3A)
    "tpu.region"() ({
      %run_scoped3A = memref.alloca() : memref<2x128x128xf32, #tpu.memory_space<vmem>>
      %eq3A = arith.constant 0 : i32
      %eq3A_6 = arith.cmpi eq, %arg0, %eq3A : i32
      %convert_element_type3A = arith.extui %eq3A_6 : i1 to i32
      %cond3A = arith.constant 0 : i32
      %cond3A_7 = arith.cmpi ne, %convert_element_type3A, %cond3A : i32
      scf.if %cond3A_7 {
        %mul3A_12 = arith.constant 80 : i32
        %mul3A_13 = arith.muli %arg1, %mul3A_12 : i32
        %add3A = arith.constant 0 : i32
        %add3A_14 = arith.addi %mul3A_13, %add3A : i32
        "tpu.region"() ({
          %run_scoped3A_74 = tpu.sem_alloc : memref<!tpu.dma_semaphore, #tpu.memory_space<semaphore_mem>>
          %dma_start3A_75 = arith.constant 0 : i32
          %dma_start3A_76 = arith.constant 0 : i32
          %dma_start3A_77 = tpu.memref_slice %arg8[%dma_start3A_75, %dma_start3A_76] : memref<40x128xi32, #tpu.memory_space<vmem>> -> memref<40x128xi32, #tpu.memory_space<vmem>>
          %dma_start3A_78 = arith.constant 0 : i32
          %dma_start3A_79 = tpu.memref_slice %arg2[%add3A_14, %dma_start3A_78] : memref<2560x128xi32, #tpu.memory_space<hbm>> -> memref<40x128xi32, #tpu.memory_space<hbm>>
          %dma_start3A_80 = arith.constant 0 : i32
          %dma_start3A_81 = arith.constant 0 : i32
          %dma_start3A_82 = tpu.memref_slice %arg8[%dma_start3A_80, %dma_start3A_81] : memref<40x128xi32, #tpu.memory_space<vmem>> -> memref<40x128xi32, #tpu.memory_space<vmem>>
          %dma_start3A_83 = arith.constant 0 : i32
          %dma_start3A_84 = tpu.memref_slice %arg2[%add3A_14, %dma_start3A_83] : memref<2560x128xi32, #tpu.memory_space<hbm>> -> memref<40x128xi32, #tpu.memory_space<hbm>>
          tpu.enqueue_dma source(%dma_start3A_84 : memref<40x128xi32, #tpu.memory_space<hbm>>) target(%dma_start3A_82 : memref<40x128xi32, #tpu.memory_space<vmem>>) target_semaphore(%run_scoped3A_74 : memref<!tpu.dma_semaphore, #tpu.memory_space<semaphore_mem>>)
          %dma_wait3A = arith.constant 0 : i32
          %dma_wait3A_85 = arith.constant 0 : i32
          %dma_wait3A_86 = tpu.memref_slice %arg8[%dma_wait3A, %dma_wait3A_85] : memref<40x128xi32, #tpu.memory_space<vmem>> -> memref<40x128xi32, #tpu.memory_space<vmem>>
          %dma_wait3A_87 = arith.constant 0 : i32
          %dma_wait3A_88 = tpu.memref_slice %arg2[%add3A_14, %dma_wait3A_87] : memref<2560x128xi32, #tpu.memory_space<hbm>> -> memref<40x128xi32, #tpu.memory_space<hbm>>
          %dma_wait3A_89 = arith.constant 0 : i32
          %dma_wait3A_90 = arith.constant 0 : i32
          %dma_wait3A_91 = tpu.memref_slice %arg8[%dma_wait3A_89, %dma_wait3A_90] : memref<40x128xi32, #tpu.memory_space<vmem>> -> memref<40x128xi32, #tpu.memory_space<vmem>>
          %dma_wait3A_92 = arith.constant 0 : i32
          %dma_wait3A_93 = tpu.memref_slice %arg2[%add3A_14, %dma_wait3A_92] : memref<2560x128xi32, #tpu.memory_space<hbm>> -> memref<40x128xi32, #tpu.memory_space<hbm>>
          tpu.wait_dma2 semaphore(%run_scoped3A_74 : memref<!tpu.dma_semaphore, #tpu.memory_space<semaphore_mem>>) src(%dma_wait3A_93 : memref<40x128xi32, #tpu.memory_space<hbm>>) dst(%dma_wait3A_91 : memref<40x128xi32, #tpu.memory_space<vmem>>)
          tpu.yield
        }) : () -> ()
        "tpu.region"() ({
          %run_scoped3A_74 = tpu.sem_alloc : memref<!tpu.dma_semaphore, #tpu.memory_space<semaphore_mem>>
          %dma_start3A_75 = arith.constant 0 : i32
          %dma_start3A_76 = arith.constant 0 : i32
          %dma_start3A_77 = tpu.memref_slice %arg9[%dma_start3A_75, %dma_start3A_76] : memref<40x128xi32, #tpu.memory_space<vmem>> -> memref<40x128xi32, #tpu.memory_space<vmem>>
          %dma_start3A_78 = arith.constant 0 : i32
          %dma_start3A_79 = tpu.memref_slice %arg3[%add3A_14, %dma_start3A_78] : memref<2560x128xi32, #tpu.memory_space<hbm>> -> memref<40x128xi32, #tpu.memory_space<hbm>>
          %dma_start3A_80 = arith.constant 0 : i32
          %dma_start3A_81 = arith.constant 0 : i32
          %dma_start3A_82 = tpu.memref_slice %arg9[%dma_start3A_80, %dma_start3A_81] : memref<40x128xi32, #tpu.memory_space<vmem>> -> memref<40x128xi32, #tpu.memory_space<vmem>>
          %dma_start3A_83 = arith.constant 0 : i32
          %dma_start3A_84 = tpu.memref_slice %arg3[%add3A_14, %dma_start3A_83] : memref<2560x128xi32, #tpu.memory_space<hbm>> -> memref<40x128xi32, #tpu.memory_space<hbm>>
          tpu.enqueue_dma source(%dma_start3A_84 : memref<40x128xi32, #tpu.memory_space<hbm>>) target(%dma_start3A_82 : memref<40x128xi32, #tpu.memory_space<vmem>>) target_semaphore(%run_scoped3A_74 : memref<!tpu.dma_semaphore, #tpu.memory_space<semaphore_mem>>)
          %dma_wait3A = arith.constant 0 : i32
          %dma_wait3A_85 = arith.constant 0 : i32
          %dma_wait3A_86 = tpu.memref_slice %arg9[%dma_wait3A, %dma_wait3A_85] : memref<40x128xi32, #tpu.memory_space<vmem>> -> memref<40x128xi32, #tpu.memory_space<vmem>>
          %dma_wait3A_87 = arith.constant 0 : i32
          %dma_wait3A_88 = tpu.memref_slice %arg3[%add3A_14, %dma_wait3A_87] : memref<2560x128xi32, #tpu.memory_space<hbm>> -> memref<40x128xi32, #tpu.memory_space<hbm>>
          %dma_wait3A_89 = arith.constant 0 : i32
          %dma_wait3A_90 = arith.constant 0 : i32
          %dma_wait3A_91 = tpu.memref_slice %arg9[%dma_wait3A_89, %dma_wait3A_90] : memref<40x128xi32, #tpu.memory_space<vmem>> -> memref<40x128xi32, #tpu.memory_space<vmem>>
          %dma_wait3A_92 = arith.constant 0 : i32
          %dma_wait3A_93 = tpu.memref_slice %arg3[%add3A_14, %dma_wait3A_92] : memref<2560x128xi32, #tpu.memory_space<hbm>> -> memref<40x128xi32, #tpu.memory_space<hbm>>
          tpu.wait_dma2 semaphore(%run_scoped3A_74 : memref<!tpu.dma_semaphore, #tpu.memory_space<semaphore_mem>>) src(%dma_wait3A_93 : memref<40x128xi32, #tpu.memory_space<hbm>>) dst(%dma_wait3A_91 : memref<40x128xi32, #tpu.memory_space<vmem>>)
          tpu.yield
        }) : () -> ()
        %dma_start3A = arith.constant 0 : i32
        %dma_start3A_15 = arith.constant 0 : i32
        %dma_start3A_16 = arith.constant 0 : i32
        %dma_start3A_17 = arith.constant 0 : i32
        %dma_start3A_18 = tpu.memref_slice %run_scoped3A[%dma_start3A_15, %dma_start3A_16, %dma_start3A_17] : memref<2x128x128xf32, #tpu.memory_space<vmem>> -> memref<1x128x128xf32, #tpu.memory_space<vmem>>
        %dma_start3A_19 = tpu.memref_squeeze %dma_start3A_18 : memref<1x128x128xf32, #tpu.memory_space<vmem>> -> memref<128x128xf32, #tpu.memory_space<vmem>>
        %dma_start3A_20 = arith.constant 0 : i32
        %dma_start3A_21 = tpu.memref_slice %arg8[%dma_start3A, %dma_start3A_20] : memref<40x128xi32, #tpu.memory_space<vmem>> -> memref<1x128xi32, #tpu.memory_space<vmem>>
        %dma_start3A_22 = tpu.memref_squeeze %dma_start3A_21 : memref<1x128xi32, #tpu.memory_space<vmem>> -> memref<128xi32, #tpu.memory_space<vmem>>
        %dma_start3A_23 = arith.constant 0 : i32
        %dma_start3A_24 = arith.constant 0 : i32
        %dma_start3A_25 = tpu.memref_slice %arg4[%dma_start3A_23, %dma_start3A_24] : memref<10000x128xf32, #tpu.memory_space<hbm>> -> memref<10000x128xf32, #tpu.memory_space<hbm>>
        tpu.enqueue_indirect_dma source(%dma_start3A_25 : memref<10000x128xf32, #tpu.memory_space<hbm>>) target(%dma_start3A_19 : memref<128x128xf32, #tpu.memory_space<vmem>>) offsets(%dma_start3A_22 : memref<128xi32, #tpu.memory_space<vmem>>) semaphore(%arg11 : memref<!tpu.dma_semaphore, #tpu.memory_space<semaphore_mem>>)
        %dma_start3A_26 = arith.constant 1 : i32
        %dma_start3A_27 = arith.constant 1 : i32
        %dma_start3A_28 = arith.constant 0 : i32
        %dma_start3A_29 = arith.constant 0 : i32
        %dma_start3A_30 = tpu.memref_slice %run_scoped3A[%dma_start3A_27, %dma_start3A_28, %dma_start3A_29] : memref<2x128x128xf32, #tpu.memory_space<vmem>> -> memref<1x128x128xf32, #tpu.memory_space<vmem>>
        %dma_start3A_31 = tpu.memref_squeeze %dma_start3A_30 : memref<1x128x128xf32, #tpu.memory_space<vmem>> -> memref<128x128xf32, #tpu.memory_space<vmem>>
        %dma_start3A_32 = arith.constant 0 : i32
        %dma_start3A_33 = tpu.memref_slice %arg8[%dma_start3A_26, %dma_start3A_32] : memref<40x128xi32, #tpu.memory_space<vmem>> -> memref<1x128xi32, #tpu.memory_space<vmem>>
        %dma_start3A_34 = tpu.memref_squeeze %dma_start3A_33 : memref<1x128xi32, #tpu.memory_space<vmem>> -> memref<128xi32, #tpu.memory_space<vmem>>
        %dma_start3A_35 = arith.constant 0 : i32
        %dma_start3A_36 = arith.constant 0 : i32
        %dma_start3A_37 = tpu.memref_slice %arg4[%dma_start3A_35, %dma_start3A_36] : memref<10000x128xf32, #tpu.memory_space<hbm>> -> memref<10000x128xf32, #tpu.memory_space<hbm>>
        tpu.enqueue_indirect_dma source(%dma_start3A_37 : memref<10000x128xf32, #tpu.memory_space<hbm>>) target(%dma_start3A_31 : memref<128x128xf32, #tpu.memory_space<vmem>>) offsets(%dma_start3A_34 : memref<128xi32, #tpu.memory_space<vmem>>) semaphore(%arg12 : memref<!tpu.dma_semaphore, #tpu.memory_space<semaphore_mem>>)
        %scan3A_38 = arith.constant 0 : i32
        %scan3A_39 = arith.constant 20 : i32
        %scan3A_40 = arith.addi %scan3A_38, %scan3A_39 : i32
        %scan3A_41 = arith.constant 1 : i32
        scf.for %scan3A_74 = %scan3A_38 to %scan3A_40 step %scan3A_41  : i32 {
          %mul3A_75 = arith.constant 2 : i32
          %mul3A_76 = arith.muli %scan3A_74, %mul3A_75 : i32
          %add3A_77 = arith.constant 0 : i32
          %add3A_78 = arith.addi %add3A_77, %mul3A_76 : i32
          %dma_wait3A = arith.constant 0 : i32
          %dma_wait3A_79 = arith.constant 0 : i32
          %dma_wait3A_80 = arith.constant 0 : i32
          %dma_wait3A_81 = arith.constant 0 : i32
          %dma_wait3A_82 = tpu.memref_slice %run_scoped3A[%dma_wait3A_79, %dma_wait3A_80, %dma_wait3A_81] : memref<2x128x128xf32, #tpu.memory_space<vmem>> -> memref<1x128x128xf32, #tpu.memory_space<vmem>>
          %dma_wait3A_83 = tpu.memref_squeeze %dma_wait3A_82 : memref<1x128x128xf32, #tpu.memory_space<vmem>> -> memref<128x128xf32, #tpu.memory_space<vmem>>
          %dma_wait3A_84 = arith.constant 0 : i32
          %dma_wait3A_85 = tpu.memref_slice %arg8[%dma_wait3A, %dma_wait3A_84] : memref<40x128xi32, #tpu.memory_space<vmem>> -> memref<1x128xi32, #tpu.memory_space<vmem>>
          %dma_wait3A_86 = tpu.memref_squeeze %dma_wait3A_85 : memref<1x128xi32, #tpu.memory_space<vmem>> -> memref<128xi32, #tpu.memory_space<vmem>>
          %dma_wait3A_87 = arith.constant 0 : i32
          %dma_wait3A_88 = arith.constant 0 : i32
          %dma_wait3A_89 = tpu.memref_slice %arg4[%dma_wait3A_87, %dma_wait3A_88] : memref<10000x128xf32, #tpu.memory_space<hbm>> -> memref<10000x128xf32, #tpu.memory_space<hbm>>
          tpu.wait_indirect_dma semaphore(%arg11 : memref<!tpu.dma_semaphore, #tpu.memory_space<semaphore_mem>>) src(%dma_wait3A_89 : memref<10000x128xf32, #tpu.memory_space<hbm>>) dst(%dma_wait3A_83 : memref<128x128xf32, #tpu.memory_space<vmem>>)
          %add3A_90 = arith.constant 0 : i32
          %add3A_91 = arith.addi %add3A_78, %add3A_90 : i32
          %run_scoped3A_92 = arith.constant 0 : i32
          "tpu.region"() ({
            %run_scoped3A_125 = tpu.sem_alloc : memref<!tpu.dma_semaphore, #tpu.memory_space<semaphore_mem>>
            %dma_start3A_126 = arith.constant 0 : i32
            %dma_start3A_127 = arith.constant 0 : i32
            %dma_start3A_128 = tpu.memref_slice %run_scoped3A[%run_scoped3A_92, %dma_start3A_126, %dma_start3A_127] : memref<2x128x128xf32, #tpu.memory_space<vmem>> -> memref<1x128x128xf32, #tpu.memory_space<vmem>>
            %dma_start3A_129 = tpu.memref_squeeze %dma_start3A_128 : memref<1x128x128xf32, #tpu.memory_space<vmem>> -> memref<128x128xf32, #tpu.memory_space<vmem>>
            %dma_start3A_130 = arith.constant 0 : i32
            %dma_start3A_131 = tpu.memref_slice %arg9[%add3A_91, %dma_start3A_130] : memref<40x128xi32, #tpu.memory_space<vmem>> -> memref<1x128xi32, #tpu.memory_space<vmem>>
            %dma_start3A_132 = tpu.memref_squeeze %dma_start3A_131 : memref<1x128xi32, #tpu.memory_space<vmem>> -> memref<128xi32, #tpu.memory_space<vmem>>
            %dma_start3A_133 = arith.constant 0 : i32
            %dma_start3A_134 = arith.constant 0 : i32
            %dma_start3A_135 = tpu.memref_slice %arg10[%dma_start3A_133, %dma_start3A_134] : memref<10240x128xf32, #tpu.memory_space<vmem_shared>> -> memref<10240x128xf32, #tpu.memory_space<vmem_shared>>
            tpu.enqueue_indirect_dma source(%dma_start3A_129 : memref<128x128xf32, #tpu.memory_space<vmem>>) target(%dma_start3A_135 : memref<10240x128xf32, #tpu.memory_space<vmem_shared>>) offsets(%dma_start3A_132 : memref<128xi32, #tpu.memory_space<vmem>>) semaphore(%run_scoped3A_125 : memref<!tpu.dma_semaphore, #tpu.memory_space<semaphore_mem>>) {add = true}
            %dma_wait3A_136 = arith.constant 0 : i32
            %dma_wait3A_137 = arith.constant 0 : i32
            %dma_wait3A_138 = tpu.memref_slice %run_scoped3A[%run_scoped3A_92, %dma_wait3A_136, %dma_wait3A_137] : memref<2x128x128xf32, #tpu.memory_space<vmem>> -> memref<1x128x128xf32, #tpu.memory_space<vmem>>
            %dma_wait3A_139 = tpu.memref_squeeze %dma_wait3A_138 : memref<1x128x128xf32, #tpu.memory_space<vmem>> -> memref<128x128xf32, #tpu.memory_space<vmem>>
            %dma_wait3A_140 = arith.constant 0 : i32
            %dma_wait3A_141 = tpu.memref_slice %arg9[%add3A_91, %dma_wait3A_140] : memref<40x128xi32, #tpu.memory_space<vmem>> -> memref<1x128xi32, #tpu.memory_space<vmem>>
            %dma_wait3A_142 = tpu.memref_squeeze %dma_wait3A_141 : memref<1x128xi32, #tpu.memory_space<vmem>> -> memref<128xi32, #tpu.memory_space<vmem>>
            %dma_wait3A_143 = arith.constant 0 : i32
            %dma_wait3A_144 = arith.constant 0 : i32
            %dma_wait3A_145 = tpu.memref_slice %arg10[%dma_wait3A_143, %dma_wait3A_144] : memref<10240x128xf32, #tpu.memory_space<vmem_shared>> -> memref<10240x128xf32, #tpu.memory_space<vmem_shared>>
            tpu.wait_indirect_dma semaphore(%run_scoped3A_125 : memref<!tpu.dma_semaphore, #tpu.memory_space<semaphore_mem>>) src(%dma_wait3A_139 : memref<128x128xf32, #tpu.memory_space<vmem>>) dst(%dma_wait3A_145 : memref<10240x128xf32, #tpu.memory_space<vmem_shared>>)
            tpu.yield
          }) : () -> ()
          %add3A_93 = arith.constant 0 : i32
          %add3A_94 = arith.addi %add3A_78, %add3A_93 : i32
          %add3A_95 = arith.constant 2 : i32
          %add3A_96 = arith.addi %add3A_94, %add3A_95 : i32
          %lt3A = arith.constant 40 : i32
          %lt3A_97 = arith.cmpi slt, %add3A_96, %lt3A : i32
          %convert_element_type3A_98 = arith.extui %lt3A_97 : i1 to i32
          %cond3A_99 = arith.constant 0 : i32
          %cond3A_100 = arith.cmpi ne, %convert_element_type3A_98, %cond3A_99 : i32
          scf.if %cond3A_100 {
            %dma_start3A_125 = arith.constant 0 : i32
            %dma_start3A_126 = arith.constant 0 : i32
            %dma_start3A_127 = arith.constant 0 : i32
            %dma_start3A_128 = tpu.memref_slice %run_scoped3A[%dma_start3A_125, %dma_start3A_126, %dma_start3A_127] : memref<2x128x128xf32, #tpu.memory_space<vmem>> -> memref<1x128x128xf32, #tpu.memory_space<vmem>>
            %dma_start3A_129 = tpu.memref_squeeze %dma_start3A_128 : memref<1x128x128xf32, #tpu.memory_space<vmem>> -> memref<128x128xf32, #tpu.memory_space<vmem>>
            %dma_start3A_130 = arith.constant 0 : i32
            %dma_start3A_131 = tpu.memref_slice %arg8[%add3A_96, %dma_start3A_130] : memref<40x128xi32, #tpu.memory_space<vmem>> -> memref<1x128xi32, #tpu.memory_space<vmem>>
            %dma_start3A_132 = tpu.memref_squeeze %dma_start3A_131 : memref<1x128xi32, #tpu.memory_space<vmem>> -> memref<128xi32, #tpu.memory_space<vmem>>
            %dma_start3A_133 = arith.constant 0 : i32
            %dma_start3A_134 = arith.constant 0 : i32
            %dma_start3A_135 = tpu.memref_slice %arg4[%dma_start3A_133, %dma_start3A_134] : memref<10000x128xf32, #tpu.memory_space<hbm>> -> memref<10000x128xf32, #tpu.memory_space<hbm>>
            tpu.enqueue_indirect_dma source(%dma_start3A_135 : memref<10000x128xf32, #tpu.memory_space<hbm>>) target(%dma_start3A_129 : memref<128x128xf32, #tpu.memory_space<vmem>>) offsets(%dma_start3A_132 : memref<128xi32, #tpu.memory_space<vmem>>) semaphore(%arg11 : memref<!tpu.dma_semaphore, #tpu.memory_space<semaphore_mem>>)
          } else {
          }
          %dma_wait3A_101 = arith.constant 0 : i32
          %dma_wait3A_102 = arith.constant 1 : i32
          %dma_wait3A_103 = arith.constant 0 : i32
          %dma_wait3A_104 = arith.constant 0 : i32
          %dma_wait3A_105 = tpu.memref_slice %run_scoped3A[%dma_wait3A_102, %dma_wait3A_103, %dma_wait3A_104] : memref<2x128x128xf32, #tpu.memory_space<vmem>> -> memref<1x128x128xf32, #tpu.memory_space<vmem>>
          %dma_wait3A_106 = tpu.memref_squeeze %dma_wait3A_105 : memref<1x128x128xf32, #tpu.memory_space<vmem>> -> memref<128x128xf32, #tpu.memory_space<vmem>>
          %dma_wait3A_107 = arith.constant 0 : i32
          %dma_wait3A_108 = tpu.memref_slice %arg8[%dma_wait3A_101, %dma_wait3A_107] : memref<40x128xi32, #tpu.memory_space<vmem>> -> memref<1x128xi32, #tpu.memory_space<vmem>>
          %dma_wait3A_109 = tpu.memref_squeeze %dma_wait3A_108 : memref<1x128xi32, #tpu.memory_space<vmem>> -> memref<128xi32, #tpu.memory_space<vmem>>
          %dma_wait3A_110 = arith.constant 0 : i32
          %dma_wait3A_111 = arith.constant 0 : i32
          %dma_wait3A_112 = tpu.memref_slice %arg4[%dma_wait3A_110, %dma_wait3A_111] : memref<10000x128xf32, #tpu.memory_space<hbm>> -> memref<10000x128xf32, #tpu.memory_space<hbm>>
          tpu.wait_indirect_dma semaphore(%arg12 : memref<!tpu.dma_semaphore, #tpu.memory_space<semaphore_mem>>) src(%dma_wait3A_112 : memref<10000x128xf32, #tpu.memory_space<hbm>>) dst(%dma_wait3A_106 : memref<128x128xf32, #tpu.memory_space<vmem>>)
          %add3A_113 = arith.constant 1 : i32
          %add3A_114 = arith.addi %add3A_78, %add3A_113 : i32
          %run_scoped3A_115 = arith.constant 1 : i32
          "tpu.region"() ({
            %run_scoped3A_125 = tpu.sem_alloc : memref<!tpu.dma_semaphore, #tpu.memory_space<semaphore_mem>>
            %dma_start3A_126 = arith.constant 0 : i32
            %dma_start3A_127 = arith.constant 0 : i32
            %dma_start3A_128 = tpu.memref_slice %run_scoped3A[%run_scoped3A_115, %dma_start3A_126, %dma_start3A_127] : memref<2x128x128xf32, #tpu.memory_space<vmem>> -> memref<1x128x128xf32, #tpu.memory_space<vmem>>
            %dma_start3A_129 = tpu.memref_squeeze %dma_start3A_128 : memref<1x128x128xf32, #tpu.memory_space<vmem>> -> memref<128x128xf32, #tpu.memory_space<vmem>>
            %dma_start3A_130 = arith.constant 0 : i32
            %dma_start3A_131 = tpu.memref_slice %arg9[%add3A_114, %dma_start3A_130] : memref<40x128xi32, #tpu.memory_space<vmem>> -> memref<1x128xi32, #tpu.memory_space<vmem>>
            %dma_start3A_132 = tpu.memref_squeeze %dma_start3A_131 : memref<1x128xi32, #tpu.memory_space<vmem>> -> memref<128xi32, #tpu.memory_space<vmem>>
            %dma_start3A_133 = arith.constant 0 : i32
            %dma_start3A_134 = arith.constant 0 : i32
            %dma_start3A_135 = tpu.memref_slice %arg10[%dma_start3A_133, %dma_start3A_134] : memref<10240x128xf32, #tpu.memory_space<vmem_shared>> -> memref<10240x128xf32, #tpu.memory_space<vmem_shared>>
            tpu.enqueue_indirect_dma source(%dma_start3A_129 : memref<128x128xf32, #tpu.memory_space<vmem>>) target(%dma_start3A_135 : memref<10240x128xf32, #tpu.memory_space<vmem_shared>>) offsets(%dma_start3A_132 : memref<128xi32, #tpu.memory_space<vmem>>) semaphore(%run_scoped3A_125 : memref<!tpu.dma_semaphore, #tpu.memory_space<semaphore_mem>>) {add = true}
            %dma_wait3A_136 = arith.constant 0 : i32
            %dma_wait3A_137 = arith.constant 0 : i32
            %dma_wait3A_138 = tpu.memref_slice %run_scoped3A[%run_scoped3A_115, %dma_wait3A_136, %dma_wait3A_137] : memref<2x128x128xf32, #tpu.memory_space<vmem>> -> memref<1x128x128xf32, #tpu.memory_space<vmem>>
            %dma_wait3A_139 = tpu.memref_squeeze %dma_wait3A_138 : memref<1x128x128xf32, #tpu.memory_space<vmem>> -> memref<128x128xf32, #tpu.memory_space<vmem>>
            %dma_wait3A_140 = arith.constant 0 : i32
            %dma_wait3A_141 = tpu.memref_slice %arg9[%add3A_114, %dma_wait3A_140] : memref<40x128xi32, #tpu.memory_space<vmem>> -> memref<1x128xi32, #tpu.memory_space<vmem>>
            %dma_wait3A_142 = tpu.memref_squeeze %dma_wait3A_141 : memref<1x128xi32, #tpu.memory_space<vmem>> -> memref<128xi32, #tpu.memory_space<vmem>>
            %dma_wait3A_143 = arith.constant 0 : i32
            %dma_wait3A_144 = arith.constant 0 : i32
            %dma_wait3A_145 = tpu.memref_slice %arg10[%dma_wait3A_143, %dma_wait3A_144] : memref<10240x128xf32, #tpu.memory_space<vmem_shared>> -> memref<10240x128xf32, #tpu.memory_space<vmem_shared>>
            tpu.wait_indirect_dma semaphore(%run_scoped3A_125 : memref<!tpu.dma_semaphore, #tpu.memory_space<semaphore_mem>>) src(%dma_wait3A_139 : memref<128x128xf32, #tpu.memory_space<vmem>>) dst(%dma_wait3A_145 : memref<10240x128xf32, #tpu.memory_space<vmem_shared>>)
            tpu.yield
          }) : () -> ()
          %add3A_116 = arith.constant 1 : i32
          %add3A_117 = arith.addi %add3A_78, %add3A_116 : i32
          %add3A_118 = arith.constant 2 : i32
          %add3A_119 = arith.addi %add3A_117, %add3A_118 : i32
          %lt3A_120 = arith.constant 40 : i32
          %lt3A_121 = arith.cmpi slt, %add3A_119, %lt3A_120 : i32
          %convert_element_type3A_122 = arith.extui %lt3A_121 : i1 to i32
          %cond3A_123 = arith.constant 0 : i32
          %cond3A_124 = arith.cmpi ne, %convert_element_type3A_122, %cond3A_123 : i32
          scf.if %cond3A_124 {
            %dma_start3A_125 = arith.constant 1 : i32
            %dma_start3A_126 = arith.constant 0 : i32
            %dma_start3A_127 = arith.constant 0 : i32
            %dma_start3A_128 = tpu.memref_slice %run_scoped3A[%dma_start3A_125, %dma_start3A_126, %dma_start3A_127] : memref<2x128x128xf32, #tpu.memory_space<vmem>> -> memref<1x128x128xf32, #tpu.memory_space<vmem>>
            %dma_start3A_129 = tpu.memref_squeeze %dma_start3A_128 : memref<1x128x128xf32, #tpu.memory_space<vmem>> -> memref<128x128xf32, #tpu.memory_space<vmem>>
            %dma_start3A_130 = arith.constant 0 : i32
            %dma_start3A_131 = tpu.memref_slice %arg8[%add3A_119, %dma_start3A_130] : memref<40x128xi32, #tpu.memory_space<vmem>> -> memref<1x128xi32, #tpu.memory_space<vmem>>
            %dma_start3A_132 = tpu.memref_squeeze %dma_start3A_131 : memref<1x128xi32, #tpu.memory_space<vmem>> -> memref<128xi32, #tpu.memory_space<vmem>>
            %dma_start3A_133 = arith.constant 0 : i32
            %dma_start3A_134 = arith.constant 0 : i32
            %dma_start3A_135 = tpu.memref_slice %arg4[%dma_start3A_133, %dma_start3A_134] : memref<10000x128xf32, #tpu.memory_space<hbm>> -> memref<10000x128xf32, #tpu.memory_space<hbm>>
            tpu.enqueue_indirect_dma source(%dma_start3A_135 : memref<10000x128xf32, #tpu.memory_space<hbm>>) target(%dma_start3A_129 : memref<128x128xf32, #tpu.memory_space<vmem>>) offsets(%dma_start3A_132 : memref<128xi32, #tpu.memory_space<vmem>>) semaphore(%arg12 : memref<!tpu.dma_semaphore, #tpu.memory_space<semaphore_mem>>)
          } else {
          }
        }
        %scan3A_42 = arith.constant 20 : i32
        %add3A_43 = arith.constant 40 : i32
        %add3A_44 = arith.addi %mul3A_13, %add3A_43 : i32
        "tpu.region"() ({
          %run_scoped3A_74 = tpu.sem_alloc : memref<!tpu.dma_semaphore, #tpu.memory_space<semaphore_mem>>
          %dma_start3A_75 = arith.constant 0 : i32
          %dma_start3A_76 = arith.constant 0 : i32
          %dma_start3A_77 = tpu.memref_slice %arg8[%dma_start3A_75, %dma_start3A_76] : memref<40x128xi32, #tpu.memory_space<vmem>> -> memref<40x128xi32, #tpu.memory_space<vmem>>
          %dma_start3A_78 = arith.constant 0 : i32
          %dma_start3A_79 = tpu.memref_slice %arg2[%add3A_44, %dma_start3A_78] : memref<2560x128xi32, #tpu.memory_space<hbm>> -> memref<40x128xi32, #tpu.memory_space<hbm>>
          %dma_start3A_80 = arith.constant 0 : i32
          %dma_start3A_81 = arith.constant 0 : i32
          %dma_start3A_82 = tpu.memref_slice %arg8[%dma_start3A_80, %dma_start3A_81] : memref<40x128xi32, #tpu.memory_space<vmem>> -> memref<40x128xi32, #tpu.memory_space<vmem>>
          %dma_start3A_83 = arith.constant 0 : i32
          %dma_start3A_84 = tpu.memref_slice %arg2[%add3A_44, %dma_start3A_83] : memref<2560x128xi32, #tpu.memory_space<hbm>> -> memref<40x128xi32, #tpu.memory_space<hbm>>
          tpu.enqueue_dma source(%dma_start3A_84 : memref<40x128xi32, #tpu.memory_space<hbm>>) target(%dma_start3A_82 : memref<40x128xi32, #tpu.memory_space<vmem>>) target_semaphore(%run_scoped3A_74 : memref<!tpu.dma_semaphore, #tpu.memory_space<semaphore_mem>>)
          %dma_wait3A = arith.constant 0 : i32
          %dma_wait3A_85 = arith.constant 0 : i32
          %dma_wait3A_86 = tpu.memref_slice %arg8[%dma_wait3A, %dma_wait3A_85] : memref<40x128xi32, #tpu.memory_space<vmem>> -> memref<40x128xi32, #tpu.memory_space<vmem>>
          %dma_wait3A_87 = arith.constant 0 : i32
          %dma_wait3A_88 = tpu.memref_slice %arg2[%add3A_44, %dma_wait3A_87] : memref<2560x128xi32, #tpu.memory_space<hbm>> -> memref<40x128xi32, #tpu.memory_space<hbm>>
          %dma_wait3A_89 = arith.constant 0 : i32
          %dma_wait3A_90 = arith.constant 0 : i32
          %dma_wait3A_91 = tpu.memref_slice %arg8[%dma_wait3A_89, %dma_wait3A_90] : memref<40x128xi32, #tpu.memory_space<vmem>> -> memref<40x128xi32, #tpu.memory_space<vmem>>
          %dma_wait3A_92 = arith.constant 0 : i32
          %dma_wait3A_93 = tpu.memref_slice %arg2[%add3A_44, %dma_wait3A_92] : memref<2560x128xi32, #tpu.memory_space<hbm>> -> memref<40x128xi32, #tpu.memory_space<hbm>>
          tpu.wait_dma2 semaphore(%run_scoped3A_74 : memref<!tpu.dma_semaphore, #tpu.memory_space<semaphore_mem>>) src(%dma_wait3A_93 : memref<40x128xi32, #tpu.memory_space<hbm>>) dst(%dma_wait3A_91 : memref<40x128xi32, #tpu.memory_space<vmem>>)
          tpu.yield
        }) : () -> ()
        "tpu.region"() ({
          %run_scoped3A_74 = tpu.sem_alloc : memref<!tpu.dma_semaphore, #tpu.memory_space<semaphore_mem>>
          %dma_start3A_75 = arith.constant 0 : i32
          %dma_start3A_76 = arith.constant 0 : i32
          %dma_start3A_77 = tpu.memref_slice %arg9[%dma_start3A_75, %dma_start3A_76] : memref<40x128xi32, #tpu.memory_space<vmem>> -> memref<40x128xi32, #tpu.memory_space<vmem>>
          %dma_start3A_78 = arith.constant 0 : i32
          %dma_start3A_79 = tpu.memref_slice %arg3[%add3A_44, %dma_start3A_78] : memref<2560x128xi32, #tpu.memory_space<hbm>> -> memref<40x128xi32, #tpu.memory_space<hbm>>
          %dma_start3A_80 = arith.constant 0 : i32
          %dma_start3A_81 = arith.constant 0 : i32
          %dma_start3A_82 = tpu.memref_slice %arg9[%dma_start3A_80, %dma_start3A_81] : memref<40x128xi32, #tpu.memory_space<vmem>> -> memref<40x128xi32, #tpu.memory_space<vmem>>
          %dma_start3A_83 = arith.constant 0 : i32
          %dma_start3A_84 = tpu.memref_slice %arg3[%add3A_44, %dma_start3A_83] : memref<2560x128xi32, #tpu.memory_space<hbm>> -> memref<40x128xi32, #tpu.memory_space<hbm>>
          tpu.enqueue_dma source(%dma_start3A_84 : memref<40x128xi32, #tpu.memory_space<hbm>>) target(%dma_start3A_82 : memref<40x128xi32, #tpu.memory_space<vmem>>) target_semaphore(%run_scoped3A_74 : memref<!tpu.dma_semaphore, #tpu.memory_space<semaphore_mem>>)
          %dma_wait3A = arith.constant 0 : i32
          %dma_wait3A_85 = arith.constant 0 : i32
          %dma_wait3A_86 = tpu.memref_slice %arg9[%dma_wait3A, %dma_wait3A_85] : memref<40x128xi32, #tpu.memory_space<vmem>> -> memref<40x128xi32, #tpu.memory_space<vmem>>
          %dma_wait3A_87 = arith.constant 0 : i32
          %dma_wait3A_88 = tpu.memref_slice %arg3[%add3A_44, %dma_wait3A_87] : memref<2560x128xi32, #tpu.memory_space<hbm>> -> memref<40x128xi32, #tpu.memory_space<hbm>>
          %dma_wait3A_89 = arith.constant 0 : i32
          %dma_wait3A_90 = arith.constant 0 : i32
          %dma_wait3A_91 = tpu.memref_slice %arg9[%dma_wait3A_89, %dma_wait3A_90] : memref<40x128xi32, #tpu.memory_space<vmem>> -> memref<40x128xi32, #tpu.memory_space<vmem>>
          %dma_wait3A_92 = arith.constant 0 : i32
          %dma_wait3A_93 = tpu.memref_slice %arg3[%add3A_44, %dma_wait3A_92] : memref<2560x128xi32, #tpu.memory_space<hbm>> -> memref<40x128xi32, #tpu.memory_space<hbm>>
          tpu.wait_dma2 semaphore(%run_scoped3A_74 : memref<!tpu.dma_semaphore, #tpu.memory_space<semaphore_mem>>) src(%dma_wait3A_93 : memref<40x128xi32, #tpu.memory_space<hbm>>) dst(%dma_wait3A_91 : memref<40x128xi32, #tpu.memory_space<vmem>>)
          tpu.yield
        }) : () -> ()
        %dma_start3A_45 = arith.constant 0 : i32
        %dma_start3A_46 = arith.constant 0 : i32
        %dma_start3A_47 = arith.constant 0 : i32
        %dma_start3A_48 = arith.constant 0 : i32
        %dma_start3A_49 = tpu.memref_slice %run_scoped3A[%dma_start3A_46, %dma_start3A_47, %dma_start3A_48] : memref<2x128x128xf32, #tpu.memory_space<vmem>> -> memref<1x128x128xf32, #tpu.memory_space<vmem>>
        %dma_start3A_50 = tpu.memref_squeeze %dma_start3A_49 : memref<1x128x128xf32, #tpu.memory_space<vmem>> -> memref<128x128xf32, #tpu.memory_space<vmem>>
        %dma_start3A_51 = arith.constant 0 : i32
        %dma_start3A_52 = tpu.memref_slice %arg8[%dma_start3A_45, %dma_start3A_51] : memref<40x128xi32, #tpu.memory_space<vmem>> -> memref<1x128xi32, #tpu.memory_space<vmem>>
        %dma_start3A_53 = tpu.memref_squeeze %dma_start3A_52 : memref<1x128xi32, #tpu.memory_space<vmem>> -> memref<128xi32, #tpu.memory_space<vmem>>
        %dma_start3A_54 = arith.constant 0 : i32
        %dma_start3A_55 = arith.constant 0 : i32
        %dma_start3A_56 = tpu.memref_slice %arg4[%dma_start3A_54, %dma_start3A_55] : memref<10000x128xf32, #tpu.memory_space<hbm>> -> memref<10000x128xf32, #tpu.memory_space<hbm>>
        tpu.enqueue_indirect_dma source(%dma_start3A_56 : memref<10000x128xf32, #tpu.memory_space<hbm>>) target(%dma_start3A_50 : memref<128x128xf32, #tpu.memory_space<vmem>>) offsets(%dma_start3A_53 : memref<128xi32, #tpu.memory_space<vmem>>) semaphore(%arg11 : memref<!tpu.dma_semaphore, #tpu.memory_space<semaphore_mem>>)
        %dma_start3A_57 = arith.constant 1 : i32
        %dma_start3A_58 = arith.constant 1 : i32
        %dma_start3A_59 = arith.constant 0 : i32
        %dma_start3A_60 = arith.constant 0 : i32
        %dma_start3A_61 = tpu.memref_slice %run_scoped3A[%dma_start3A_58, %dma_start3A_59, %dma_start3A_60] : memref<2x128x128xf32, #tpu.memory_space<vmem>> -> memref<1x128x128xf32, #tpu.memory_space<vmem>>
        %dma_start3A_62 = tpu.memref_squeeze %dma_start3A_61 : memref<1x128x128xf32, #tpu.memory_space<vmem>> -> memref<128x128xf32, #tpu.memory_space<vmem>>
        %dma_start3A_63 = arith.constant 0 : i32
        %dma_start3A_64 = tpu.memref_slice %arg8[%dma_start3A_57, %dma_start3A_63] : memref<40x128xi32, #tpu.memory_space<vmem>> -> memref<1x128xi32, #tpu.memory_space<vmem>>
        %dma_start3A_65 = tpu.memref_squeeze %dma_start3A_64 : memref<1x128xi32, #tpu.memory_space<vmem>> -> memref<128xi32, #tpu.memory_space<vmem>>
        %dma_start3A_66 = arith.constant 0 : i32
        %dma_start3A_67 = arith.constant 0 : i32
        %dma_start3A_68 = tpu.memref_slice %arg4[%dma_start3A_66, %dma_start3A_67] : memref<10000x128xf32, #tpu.memory_space<hbm>> -> memref<10000x128xf32, #tpu.memory_space<hbm>>
        tpu.enqueue_indirect_dma source(%dma_start3A_68 : memref<10000x128xf32, #tpu.memory_space<hbm>>) target(%dma_start3A_62 : memref<128x128xf32, #tpu.memory_space<vmem>>) offsets(%dma_start3A_65 : memref<128xi32, #tpu.memory_space<vmem>>) semaphore(%arg12 : memref<!tpu.dma_semaphore, #tpu.memory_space<semaphore_mem>>)
        %scan3A_69 = arith.constant 0 : i32
        %scan3A_70 = arith.constant 20 : i32
        %scan3A_71 = arith.addi %scan3A_69, %scan3A_70 : i32
        %scan3A_72 = arith.constant 1 : i32
        scf.for %scan3A_74 = %scan3A_69 to %scan3A_71 step %scan3A_72  : i32 {
          %mul3A_75 = arith.constant 2 : i32
          %mul3A_76 = arith.muli %scan3A_74, %mul3A_75 : i32
          %add3A_77 = arith.constant 0 : i32
          %add3A_78 = arith.addi %add3A_77, %mul3A_76 : i32
          %dma_wait3A = arith.constant 0 : i32
          %dma_wait3A_79 = arith.constant 0 : i32
          %dma_wait3A_80 = arith.constant 0 : i32
          %dma_wait3A_81 = arith.constant 0 : i32
          %dma_wait3A_82 = tpu.memref_slice %run_scoped3A[%dma_wait3A_79, %dma_wait3A_80, %dma_wait3A_81] : memref<2x128x128xf32, #tpu.memory_space<vmem>> -> memref<1x128x128xf32, #tpu.memory_space<vmem>>
          %dma_wait3A_83 = tpu.memref_squeeze %dma_wait3A_82 : memref<1x128x128xf32, #tpu.memory_space<vmem>> -> memref<128x128xf32, #tpu.memory_space<vmem>>
          %dma_wait3A_84 = arith.constant 0 : i32
          %dma_wait3A_85 = tpu.memref_slice %arg8[%dma_wait3A, %dma_wait3A_84] : memref<40x128xi32, #tpu.memory_space<vmem>> -> memref<1x128xi32, #tpu.memory_space<vmem>>
          %dma_wait3A_86 = tpu.memref_squeeze %dma_wait3A_85 : memref<1x128xi32, #tpu.memory_space<vmem>> -> memref<128xi32, #tpu.memory_space<vmem>>
          %dma_wait3A_87 = arith.constant 0 : i32
          %dma_wait3A_88 = arith.constant 0 : i32
          %dma_wait3A_89 = tpu.memref_slice %arg4[%dma_wait3A_87, %dma_wait3A_88] : memref<10000x128xf32, #tpu.memory_space<hbm>> -> memref<10000x128xf32, #tpu.memory_space<hbm>>
          tpu.wait_indirect_dma semaphore(%arg11 : memref<!tpu.dma_semaphore, #tpu.memory_space<semaphore_mem>>) src(%dma_wait3A_89 : memref<10000x128xf32, #tpu.memory_space<hbm>>) dst(%dma_wait3A_83 : memref<128x128xf32, #tpu.memory_space<vmem>>)
          %add3A_90 = arith.constant 0 : i32
          %add3A_91 = arith.addi %add3A_78, %add3A_90 : i32
          %run_scoped3A_92 = arith.constant 0 : i32
          "tpu.region"() ({
            %run_scoped3A_125 = tpu.sem_alloc : memref<!tpu.dma_semaphore, #tpu.memory_space<semaphore_mem>>
            %dma_start3A_126 = arith.constant 0 : i32
            %dma_start3A_127 = arith.constant 0 : i32
            %dma_start3A_128 = tpu.memref_slice %run_scoped3A[%run_scoped3A_92, %dma_start3A_126, %dma_start3A_127] : memref<2x128x128xf32, #tpu.memory_space<vmem>> -> memref<1x128x128xf32, #tpu.memory_space<vmem>>
            %dma_start3A_129 = tpu.memref_squeeze %dma_start3A_128 : memref<1x128x128xf32, #tpu.memory_space<vmem>> -> memref<128x128xf32, #tpu.memory_space<vmem>>
            %dma_start3A_130 = arith.constant 0 : i32
            %dma_start3A_131 = tpu.memref_slice %arg9[%add3A_91, %dma_start3A_130] : memref<40x128xi32, #tpu.memory_space<vmem>> -> memref<1x128xi32, #tpu.memory_space<vmem>>
            %dma_start3A_132 = tpu.memref_squeeze %dma_start3A_131 : memref<1x128xi32, #tpu.memory_space<vmem>> -> memref<128xi32, #tpu.memory_space<vmem>>
            %dma_start3A_133 = arith.constant 0 : i32
            %dma_start3A_134 = arith.constant 0 : i32
            %dma_start3A_135 = tpu.memref_slice %arg10[%dma_start3A_133, %dma_start3A_134] : memref<10240x128xf32, #tpu.memory_space<vmem_shared>> -> memref<10240x128xf32, #tpu.memory_space<vmem_shared>>
            tpu.enqueue_indirect_dma source(%dma_start3A_129 : memref<128x128xf32, #tpu.memory_space<vmem>>) target(%dma_start3A_135 : memref<10240x128xf32, #tpu.memory_space<vmem_shared>>) offsets(%dma_start3A_132 : memref<128xi32, #tpu.memory_space<vmem>>) semaphore(%run_scoped3A_125 : memref<!tpu.dma_semaphore, #tpu.memory_space<semaphore_mem>>) {add = true}
            %dma_wait3A_136 = arith.constant 0 : i32
            %dma_wait3A_137 = arith.constant 0 : i32
            %dma_wait3A_138 = tpu.memref_slice %run_scoped3A[%run_scoped3A_92, %dma_wait3A_136, %dma_wait3A_137] : memref<2x128x128xf32, #tpu.memory_space<vmem>> -> memref<1x128x128xf32, #tpu.memory_space<vmem>>
            %dma_wait3A_139 = tpu.memref_squeeze %dma_wait3A_138 : memref<1x128x128xf32, #tpu.memory_space<vmem>> -> memref<128x128xf32, #tpu.memory_space<vmem>>
            %dma_wait3A_140 = arith.constant 0 : i32
            %dma_wait3A_141 = tpu.memref_slice %arg9[%add3A_91, %dma_wait3A_140] : memref<40x128xi32, #tpu.memory_space<vmem>> -> memref<1x128xi32, #tpu.memory_space<vmem>>
            %dma_wait3A_142 = tpu.memref_squeeze %dma_wait3A_141 : memref<1x128xi32, #tpu.memory_space<vmem>> -> memref<128xi32, #tpu.memory_space<vmem>>
            %dma_wait3A_143 = arith.constant 0 : i32
            %dma_wait3A_144 = arith.constant 0 : i32
            %dma_wait3A_145 = tpu.memref_slice %arg10[%dma_wait3A_143, %dma_wait3A_144] : memref<10240x128xf32, #tpu.memory_space<vmem_shared>> -> memref<10240x128xf32, #tpu.memory_space<vmem_shared>>
            tpu.wait_indirect_dma semaphore(%run_scoped3A_125 : memref<!tpu.dma_semaphore, #tpu.memory_space<semaphore_mem>>) src(%dma_wait3A_139 : memref<128x128xf32, #tpu.memory_space<vmem>>) dst(%dma_wait3A_145 : memref<10240x128xf32, #tpu.memory_space<vmem_shared>>)
            tpu.yield
          }) : () -> ()
          %add3A_93 = arith.constant 0 : i32
          %add3A_94 = arith.addi %add3A_78, %add3A_93 : i32
          %add3A_95 = arith.constant 2 : i32
          %add3A_96 = arith.addi %add3A_94, %add3A_95 : i32
          %lt3A = arith.constant 40 : i32
          %lt3A_97 = arith.cmpi slt, %add3A_96, %lt3A : i32
          %convert_element_type3A_98 = arith.extui %lt3A_97 : i1 to i32
          %cond3A_99 = arith.constant 0 : i32
          %cond3A_100 = arith.cmpi ne, %convert_element_type3A_98, %cond3A_99 : i32
          scf.if %cond3A_100 {
            %dma_start3A_125 = arith.constant 0 : i32
            %dma_start3A_126 = arith.constant 0 : i32
            %dma_start3A_127 = arith.constant 0 : i32
            %dma_start3A_128 = tpu.memref_slice %run_scoped3A[%dma_start3A_125, %dma_start3A_126, %dma_start3A_127] : memref<2x128x128xf32, #tpu.memory_space<vmem>> -> memref<1x128x128xf32, #tpu.memory_space<vmem>>
            %dma_start3A_129 = tpu.memref_squeeze %dma_start3A_128 : memref<1x128x128xf32, #tpu.memory_space<vmem>> -> memref<128x128xf32, #tpu.memory_space<vmem>>
            %dma_start3A_130 = arith.constant 0 : i32
            %dma_start3A_131 = tpu.memref_slice %arg8[%add3A_96, %dma_start3A_130] : memref<40x128xi32, #tpu.memory_space<vmem>> -> memref<1x128xi32, #tpu.memory_space<vmem>>
            %dma_start3A_132 = tpu.memref_squeeze %dma_start3A_131 : memref<1x128xi32, #tpu.memory_space<vmem>> -> memref<128xi32, #tpu.memory_space<vmem>>
            %dma_start3A_133 = arith.constant 0 : i32
            %dma_start3A_134 = arith.constant 0 : i32
            %dma_start3A_135 = tpu.memref_slice %arg4[%dma_start3A_133, %dma_start3A_134] : memref<10000x128xf32, #tpu.memory_space<hbm>> -> memref<10000x128xf32, #tpu.memory_space<hbm>>
            tpu.enqueue_indirect_dma source(%dma_start3A_135 : memref<10000x128xf32, #tpu.memory_space<hbm>>) target(%dma_start3A_129 : memref<128x128xf32, #tpu.memory_space<vmem>>) offsets(%dma_start3A_132 : memref<128xi32, #tpu.memory_space<vmem>>) semaphore(%arg11 : memref<!tpu.dma_semaphore, #tpu.memory_space<semaphore_mem>>)
          } else {
          }
          %dma_wait3A_101 = arith.constant 0 : i32
          %dma_wait3A_102 = arith.constant 1 : i32
          %dma_wait3A_103 = arith.constant 0 : i32
          %dma_wait3A_104 = arith.constant 0 : i32
          %dma_wait3A_105 = tpu.memref_slice %run_scoped3A[%dma_wait3A_102, %dma_wait3A_103, %dma_wait3A_104] : memref<2x128x128xf32, #tpu.memory_space<vmem>> -> memref<1x128x128xf32, #tpu.memory_space<vmem>>
          %dma_wait3A_106 = tpu.memref_squeeze %dma_wait3A_105 : memref<1x128x128xf32, #tpu.memory_space<vmem>> -> memref<128x128xf32, #tpu.memory_space<vmem>>
          %dma_wait3A_107 = arith.constant 0 : i32
          %dma_wait3A_108 = tpu.memref_slice %arg8[%dma_wait3A_101, %dma_wait3A_107] : memref<40x128xi32, #tpu.memory_space<vmem>> -> memref<1x128xi32, #tpu.memory_space<vmem>>
          %dma_wait3A_109 = tpu.memref_squeeze %dma_wait3A_108 : memref<1x128xi32, #tpu.memory_space<vmem>> -> memref<128xi32, #tpu.memory_space<vmem>>
          %dma_wait3A_110 = arith.constant 0 : i32
          %dma_wait3A_111 = arith.constant 0 : i32
          %dma_wait3A_112 = tpu.memref_slice %arg4[%dma_wait3A_110, %dma_wait3A_111] : memref<10000x128xf32, #tpu.memory_space<hbm>> -> memref<10000x128xf32, #tpu.memory_space<hbm>>
          tpu.wait_indirect_dma semaphore(%arg12 : memref<!tpu.dma_semaphore, #tpu.memory_space<semaphore_mem>>) src(%dma_wait3A_112 : memref<10000x128xf32, #tpu.memory_space<hbm>>) dst(%dma_wait3A_106 : memref<128x128xf32, #tpu.memory_space<vmem>>)
          %add3A_113 = arith.constant 1 : i32
          %add3A_114 = arith.addi %add3A_78, %add3A_113 : i32
          %run_scoped3A_115 = arith.constant 1 : i32
          "tpu.region"() ({
            %run_scoped3A_125 = tpu.sem_alloc : memref<!tpu.dma_semaphore, #tpu.memory_space<semaphore_mem>>
            %dma_start3A_126 = arith.constant 0 : i32
            %dma_start3A_127 = arith.constant 0 : i32
            %dma_start3A_128 = tpu.memref_slice %run_scoped3A[%run_scoped3A_115, %dma_start3A_126, %dma_start3A_127] : memref<2x128x128xf32, #tpu.memory_space<vmem>> -> memref<1x128x128xf32, #tpu.memory_space<vmem>>
            %dma_start3A_129 = tpu.memref_squeeze %dma_start3A_128 : memref<1x128x128xf32, #tpu.memory_space<vmem>> -> memref<128x128xf32, #tpu.memory_space<vmem>>
            %dma_start3A_130 = arith.constant 0 : i32
            %dma_start3A_131 = tpu.memref_slice %arg9[%add3A_114, %dma_start3A_130] : memref<40x128xi32, #tpu.memory_space<vmem>> -> memref<1x128xi32, #tpu.memory_space<vmem>>
            %dma_start3A_132 = tpu.memref_squeeze %dma_start3A_131 : memref<1x128xi32, #tpu.memory_space<vmem>> -> memref<128xi32, #tpu.memory_space<vmem>>
            %dma_start3A_133 = arith.constant 0 : i32
            %dma_start3A_134 = arith.constant 0 : i32
            %dma_start3A_135 = tpu.memref_slice %arg10[%dma_start3A_133, %dma_start3A_134] : memref<10240x128xf32, #tpu.memory_space<vmem_shared>> -> memref<10240x128xf32, #tpu.memory_space<vmem_shared>>
            tpu.enqueue_indirect_dma source(%dma_start3A_129 : memref<128x128xf32, #tpu.memory_space<vmem>>) target(%dma_start3A_135 : memref<10240x128xf32, #tpu.memory_space<vmem_shared>>) offsets(%dma_start3A_132 : memref<128xi32, #tpu.memory_space<vmem>>) semaphore(%run_scoped3A_125 : memref<!tpu.dma_semaphore, #tpu.memory_space<semaphore_mem>>) {add = true}
            %dma_wait3A_136 = arith.constant 0 : i32
            %dma_wait3A_137 = arith.constant 0 : i32
            %dma_wait3A_138 = tpu.memref_slice %run_scoped3A[%run_scoped3A_115, %dma_wait3A_136, %dma_wait3A_137] : memref<2x128x128xf32, #tpu.memory_space<vmem>> -> memref<1x128x128xf32, #tpu.memory_space<vmem>>
            %dma_wait3A_139 = tpu.memref_squeeze %dma_wait3A_138 : memref<1x128x128xf32, #tpu.memory_space<vmem>> -> memref<128x128xf32, #tpu.memory_space<vmem>>
            %dma_wait3A_140 = arith.constant 0 : i32
            %dma_wait3A_141 = tpu.memref_slice %arg9[%add3A_114, %dma_wait3A_140] : memref<40x128xi32, #tpu.memory_space<vmem>> -> memref<1x128xi32, #tpu.memory_space<vmem>>
            %dma_wait3A_142 = tpu.memref_squeeze %dma_wait3A_141 : memref<1x128xi32, #tpu.memory_space<vmem>> -> memref<128xi32, #tpu.memory_space<vmem>>
            %dma_wait3A_143 = arith.constant 0 : i32
            %dma_wait3A_144 = arith.constant 0 : i32
            %dma_wait3A_145 = tpu.memref_slice %arg10[%dma_wait3A_143, %dma_wait3A_144] : memref<10240x128xf32, #tpu.memory_space<vmem_shared>> -> memref<10240x128xf32, #tpu.memory_space<vmem_shared>>
            tpu.wait_indirect_dma semaphore(%run_scoped3A_125 : memref<!tpu.dma_semaphore, #tpu.memory_space<semaphore_mem>>) src(%dma_wait3A_139 : memref<128x128xf32, #tpu.memory_space<vmem>>) dst(%dma_wait3A_145 : memref<10240x128xf32, #tpu.memory_space<vmem_shared>>)
            tpu.yield
          }) : () -> ()
          %add3A_116 = arith.constant 1 : i32
          %add3A_117 = arith.addi %add3A_78, %add3A_116 : i32
          %add3A_118 = arith.constant 2 : i32
          %add3A_119 = arith.addi %add3A_117, %add3A_118 : i32
          %lt3A_120 = arith.constant 40 : i32
          %lt3A_121 = arith.cmpi slt, %add3A_119, %lt3A_120 : i32
          %convert_element_type3A_122 = arith.extui %lt3A_121 : i1 to i32
          %cond3A_123 = arith.constant 0 : i32
          %cond3A_124 = arith.cmpi ne, %convert_element_type3A_122, %cond3A_123 : i32
          scf.if %cond3A_124 {
            %dma_start3A_125 = arith.constant 1 : i32
            %dma_start3A_126 = arith.constant 0 : i32
            %dma_start3A_127 = arith.constant 0 : i32
            %dma_start3A_128 = tpu.memref_slice %run_scoped3A[%dma_start3A_125, %dma_start3A_126, %dma_start3A_127] : memref<2x128x128xf32, #tpu.memory_space<vmem>> -> memref<1x128x128xf32, #tpu.memory_space<vmem>>
            %dma_start3A_129 = tpu.memref_squeeze %dma_start3A_128 : memref<1x128x128xf32, #tpu.memory_space<vmem>> -> memref<128x128xf32, #tpu.memory_space<vmem>>
            %dma_start3A_130 = arith.constant 0 : i32
            %dma_start3A_131 = tpu.memref_slice %arg8[%add3A_119, %dma_start3A_130] : memref<40x128xi32, #tpu.memory_space<vmem>> -> memref<1x128xi32, #tpu.memory_space<vmem>>
            %dma_start3A_132 = tpu.memref_squeeze %dma_start3A_131 : memref<1x128xi32, #tpu.memory_space<vmem>> -> memref<128xi32, #tpu.memory_space<vmem>>
            %dma_start3A_133 = arith.constant 0 : i32
            %dma_start3A_134 = arith.constant 0 : i32
            %dma_start3A_135 = tpu.memref_slice %arg4[%dma_start3A_133, %dma_start3A_134] : memref<10000x128xf32, #tpu.memory_space<hbm>> -> memref<10000x128xf32, #tpu.memory_space<hbm>>
            tpu.enqueue_indirect_dma source(%dma_start3A_135 : memref<10000x128xf32, #tpu.memory_space<hbm>>) target(%dma_start3A_129 : memref<128x128xf32, #tpu.memory_space<vmem>>) offsets(%dma_start3A_132 : memref<128xi32, #tpu.memory_space<vmem>>) semaphore(%arg12 : memref<!tpu.dma_semaphore, #tpu.memory_space<semaphore_mem>>)
          } else {
          }
        }
        %scan3A_73 = arith.constant 20 : i32
      } else {
      }
      %ne3A = arith.constant 0 : i32
      %ne3A_8 = arith.cmpi ne, %arg0, %ne3A : i32
      %convert_element_type3A_9 = arith.extui %ne3A_8 : i1 to i32
      %cond3A_10 = arith.constant 0 : i32
      %cond3A_11 = arith.cmpi ne, %convert_element_type3A_9, %cond3A_10 : i32
      scf.if %cond3A_11 {
        %mul3A_12 = arith.constant 80 : i32
        %mul3A_13 = arith.muli %arg1, %mul3A_12 : i32
        %add3A = arith.constant 1280 : i32
        %add3A_14 = arith.addi %add3A, %mul3A_13 : i32
        %add3A_15 = arith.constant 0 : i32
        %add3A_16 = arith.addi %add3A_14, %add3A_15 : i32
        "tpu.region"() ({
          %run_scoped3A_76 = tpu.sem_alloc : memref<!tpu.dma_semaphore, #tpu.memory_space<semaphore_mem>>
          %dma_start3A_77 = arith.constant 0 : i32
          %dma_start3A_78 = arith.constant 0 : i32
          %dma_start3A_79 = tpu.memref_slice %arg8[%dma_start3A_77, %dma_start3A_78] : memref<40x128xi32, #tpu.memory_space<vmem>> -> memref<40x128xi32, #tpu.memory_space<vmem>>
          %dma_start3A_80 = arith.constant 0 : i32
          %dma_start3A_81 = tpu.memref_slice %arg2[%add3A_16, %dma_start3A_80] : memref<2560x128xi32, #tpu.memory_space<hbm>> -> memref<40x128xi32, #tpu.memory_space<hbm>>
          %dma_start3A_82 = arith.constant 0 : i32
          %dma_start3A_83 = arith.constant 0 : i32
          %dma_start3A_84 = tpu.memref_slice %arg8[%dma_start3A_82, %dma_start3A_83] : memref<40x128xi32, #tpu.memory_space<vmem>> -> memref<40x128xi32, #tpu.memory_space<vmem>>
          %dma_start3A_85 = arith.constant 0 : i32
          %dma_start3A_86 = tpu.memref_slice %arg2[%add3A_16, %dma_start3A_85] : memref<2560x128xi32, #tpu.memory_space<hbm>> -> memref<40x128xi32, #tpu.memory_space<hbm>>
          tpu.enqueue_dma source(%dma_start3A_86 : memref<40x128xi32, #tpu.memory_space<hbm>>) target(%dma_start3A_84 : memref<40x128xi32, #tpu.memory_space<vmem>>) target_semaphore(%run_scoped3A_76 : memref<!tpu.dma_semaphore, #tpu.memory_space<semaphore_mem>>)
          %dma_wait3A = arith.constant 0 : i32
          %dma_wait3A_87 = arith.constant 0 : i32
          %dma_wait3A_88 = tpu.memref_slice %arg8[%dma_wait3A, %dma_wait3A_87] : memref<40x128xi32, #tpu.memory_space<vmem>> -> memref<40x128xi32, #tpu.memory_space<vmem>>
          %dma_wait3A_89 = arith.constant 0 : i32
          %dma_wait3A_90 = tpu.memref_slice %arg2[%add3A_16, %dma_wait3A_89] : memref<2560x128xi32, #tpu.memory_space<hbm>> -> memref<40x128xi32, #tpu.memory_space<hbm>>
          %dma_wait3A_91 = arith.constant 0 : i32
          %dma_wait3A_92 = arith.constant 0 : i32
          %dma_wait3A_93 = tpu.memref_slice %arg8[%dma_wait3A_91, %dma_wait3A_92] : memref<40x128xi32, #tpu.memory_space<vmem>> -> memref<40x128xi32, #tpu.memory_space<vmem>>
          %dma_wait3A_94 = arith.constant 0 : i32
          %dma_wait3A_95 = tpu.memref_slice %arg2[%add3A_16, %dma_wait3A_94] : memref<2560x128xi32, #tpu.memory_space<hbm>> -> memref<40x128xi32, #tpu.memory_space<hbm>>
          tpu.wait_dma2 semaphore(%run_scoped3A_76 : memref<!tpu.dma_semaphore, #tpu.memory_space<semaphore_mem>>) src(%dma_wait3A_95 : memref<40x128xi32, #tpu.memory_space<hbm>>) dst(%dma_wait3A_93 : memref<40x128xi32, #tpu.memory_space<vmem>>)
          tpu.yield
        }) : () -> ()
        "tpu.region"() ({
          %run_scoped3A_76 = tpu.sem_alloc : memref<!tpu.dma_semaphore, #tpu.memory_space<semaphore_mem>>
          %dma_start3A_77 = arith.constant 0 : i32
          %dma_start3A_78 = arith.constant 0 : i32
          %dma_start3A_79 = tpu.memref_slice %arg9[%dma_start3A_77, %dma_start3A_78] : memref<40x128xi32, #tpu.memory_space<vmem>> -> memref<40x128xi32, #tpu.memory_space<vmem>>
          %dma_start3A_80 = arith.constant 0 : i32
          %dma_start3A_81 = tpu.memref_slice %arg3[%add3A_16, %dma_start3A_80] : memref<2560x128xi32, #tpu.memory_space<hbm>> -> memref<40x128xi32, #tpu.memory_space<hbm>>
          %dma_start3A_82 = arith.constant 0 : i32
          %dma_start3A_83 = arith.constant 0 : i32
          %dma_start3A_84 = tpu.memref_slice %arg9[%dma_start3A_82, %dma_start3A_83] : memref<40x128xi32, #tpu.memory_space<vmem>> -> memref<40x128xi32, #tpu.memory_space<vmem>>
          %dma_start3A_85 = arith.constant 0 : i32
          %dma_start3A_86 = tpu.memref_slice %arg3[%add3A_16, %dma_start3A_85] : memref<2560x128xi32, #tpu.memory_space<hbm>> -> memref<40x128xi32, #tpu.memory_space<hbm>>
          tpu.enqueue_dma source(%dma_start3A_86 : memref<40x128xi32, #tpu.memory_space<hbm>>) target(%dma_start3A_84 : memref<40x128xi32, #tpu.memory_space<vmem>>) target_semaphore(%run_scoped3A_76 : memref<!tpu.dma_semaphore, #tpu.memory_space<semaphore_mem>>)
          %dma_wait3A = arith.constant 0 : i32
          %dma_wait3A_87 = arith.constant 0 : i32
          %dma_wait3A_88 = tpu.memref_slice %arg9[%dma_wait3A, %dma_wait3A_87] : memref<40x128xi32, #tpu.memory_space<vmem>> -> memref<40x128xi32, #tpu.memory_space<vmem>>
          %dma_wait3A_89 = arith.constant 0 : i32
          %dma_wait3A_90 = tpu.memref_slice %arg3[%add3A_16, %dma_wait3A_89] : memref<2560x128xi32, #tpu.memory_space<hbm>> -> memref<40x128xi32, #tpu.memory_space<hbm>>
          %dma_wait3A_91 = arith.constant 0 : i32
          %dma_wait3A_92 = arith.constant 0 : i32
          %dma_wait3A_93 = tpu.memref_slice %arg9[%dma_wait3A_91, %dma_wait3A_92] : memref<40x128xi32, #tpu.memory_space<vmem>> -> memref<40x128xi32, #tpu.memory_space<vmem>>
          %dma_wait3A_94 = arith.constant 0 : i32
          %dma_wait3A_95 = tpu.memref_slice %arg3[%add3A_16, %dma_wait3A_94] : memref<2560x128xi32, #tpu.memory_space<hbm>> -> memref<40x128xi32, #tpu.memory_space<hbm>>
          tpu.wait_dma2 semaphore(%run_scoped3A_76 : memref<!tpu.dma_semaphore, #tpu.memory_space<semaphore_mem>>) src(%dma_wait3A_95 : memref<40x128xi32, #tpu.memory_space<hbm>>) dst(%dma_wait3A_93 : memref<40x128xi32, #tpu.memory_space<vmem>>)
          tpu.yield
        }) : () -> ()
        %dma_start3A = arith.constant 0 : i32
        %dma_start3A_17 = arith.constant 0 : i32
        %dma_start3A_18 = arith.constant 0 : i32
        %dma_start3A_19 = arith.constant 0 : i32
        %dma_start3A_20 = tpu.memref_slice %run_scoped3A[%dma_start3A_17, %dma_start3A_18, %dma_start3A_19] : memref<2x128x128xf32, #tpu.memory_space<vmem>> -> memref<1x128x128xf32, #tpu.memory_space<vmem>>
        %dma_start3A_21 = tpu.memref_squeeze %dma_start3A_20 : memref<1x128x128xf32, #tpu.memory_space<vmem>> -> memref<128x128xf32, #tpu.memory_space<vmem>>
        %dma_start3A_22 = arith.constant 0 : i32
        %dma_start3A_23 = tpu.memref_slice %arg8[%dma_start3A, %dma_start3A_22] : memref<40x128xi32, #tpu.memory_space<vmem>> -> memref<1x128xi32, #tpu.memory_space<vmem>>
        %dma_start3A_24 = tpu.memref_squeeze %dma_start3A_23 : memref<1x128xi32, #tpu.memory_space<vmem>> -> memref<128xi32, #tpu.memory_space<vmem>>
        %dma_start3A_25 = arith.constant 0 : i32
        %dma_start3A_26 = arith.constant 0 : i32
        %dma_start3A_27 = tpu.memref_slice %arg4[%dma_start3A_25, %dma_start3A_26] : memref<10000x128xf32, #tpu.memory_space<hbm>> -> memref<10000x128xf32, #tpu.memory_space<hbm>>
        tpu.enqueue_indirect_dma source(%dma_start3A_27 : memref<10000x128xf32, #tpu.memory_space<hbm>>) target(%dma_start3A_21 : memref<128x128xf32, #tpu.memory_space<vmem>>) offsets(%dma_start3A_24 : memref<128xi32, #tpu.memory_space<vmem>>) semaphore(%arg11 : memref<!tpu.dma_semaphore, #tpu.memory_space<semaphore_mem>>)
        %dma_start3A_28 = arith.constant 1 : i32
        %dma_start3A_29 = arith.constant 1 : i32
        %dma_start3A_30 = arith.constant 0 : i32
        %dma_start3A_31 = arith.constant 0 : i32
        %dma_start3A_32 = tpu.memref_slice %run_scoped3A[%dma_start3A_29, %dma_start3A_30, %dma_start3A_31] : memref<2x128x128xf32, #tpu.memory_space<vmem>> -> memref<1x128x128xf32, #tpu.memory_space<vmem>>
        %dma_start3A_33 = tpu.memref_squeeze %dma_start3A_32 : memref<1x128x128xf32, #tpu.memory_space<vmem>> -> memref<128x128xf32, #tpu.memory_space<vmem>>
        %dma_start3A_34 = arith.constant 0 : i32
        %dma_start3A_35 = tpu.memref_slice %arg8[%dma_start3A_28, %dma_start3A_34] : memref<40x128xi32, #tpu.memory_space<vmem>> -> memref<1x128xi32, #tpu.memory_space<vmem>>
        %dma_start3A_36 = tpu.memref_squeeze %dma_start3A_35 : memref<1x128xi32, #tpu.memory_space<vmem>> -> memref<128xi32, #tpu.memory_space<vmem>>
        %dma_start3A_37 = arith.constant 0 : i32
        %dma_start3A_38 = arith.constant 0 : i32
        %dma_start3A_39 = tpu.memref_slice %arg4[%dma_start3A_37, %dma_start3A_38] : memref<10000x128xf32, #tpu.memory_space<hbm>> -> memref<10000x128xf32, #tpu.memory_space<hbm>>
        tpu.enqueue_indirect_dma source(%dma_start3A_39 : memref<10000x128xf32, #tpu.memory_space<hbm>>) target(%dma_start3A_33 : memref<128x128xf32, #tpu.memory_space<vmem>>) offsets(%dma_start3A_36 : memref<128xi32, #tpu.memory_space<vmem>>) semaphore(%arg12 : memref<!tpu.dma_semaphore, #tpu.memory_space<semaphore_mem>>)
        %scan3A_40 = arith.constant 0 : i32
        %scan3A_41 = arith.constant 20 : i32
        %scan3A_42 = arith.addi %scan3A_40, %scan3A_41 : i32
        %scan3A_43 = arith.constant 1 : i32
        scf.for %scan3A_76 = %scan3A_40 to %scan3A_42 step %scan3A_43  : i32 {
          %mul3A_77 = arith.constant 2 : i32
          %mul3A_78 = arith.muli %scan3A_76, %mul3A_77 : i32
          %add3A_79 = arith.constant 0 : i32
          %add3A_80 = arith.addi %add3A_79, %mul3A_78 : i32
          %dma_wait3A = arith.constant 0 : i32
          %dma_wait3A_81 = arith.constant 0 : i32
          %dma_wait3A_82 = arith.constant 0 : i32
          %dma_wait3A_83 = arith.constant 0 : i32
          %dma_wait3A_84 = tpu.memref_slice %run_scoped3A[%dma_wait3A_81, %dma_wait3A_82, %dma_wait3A_83] : memref<2x128x128xf32, #tpu.memory_space<vmem>> -> memref<1x128x128xf32, #tpu.memory_space<vmem>>
          %dma_wait3A_85 = tpu.memref_squeeze %dma_wait3A_84 : memref<1x128x128xf32, #tpu.memory_space<vmem>> -> memref<128x128xf32, #tpu.memory_space<vmem>>
          %dma_wait3A_86 = arith.constant 0 : i32
          %dma_wait3A_87 = tpu.memref_slice %arg8[%dma_wait3A, %dma_wait3A_86] : memref<40x128xi32, #tpu.memory_space<vmem>> -> memref<1x128xi32, #tpu.memory_space<vmem>>
          %dma_wait3A_88 = tpu.memref_squeeze %dma_wait3A_87 : memref<1x128xi32, #tpu.memory_space<vmem>> -> memref<128xi32, #tpu.memory_space<vmem>>
          %dma_wait3A_89 = arith.constant 0 : i32
          %dma_wait3A_90 = arith.constant 0 : i32
          %dma_wait3A_91 = tpu.memref_slice %arg4[%dma_wait3A_89, %dma_wait3A_90] : memref<10000x128xf32, #tpu.memory_space<hbm>> -> memref<10000x128xf32, #tpu.memory_space<hbm>>
          tpu.wait_indirect_dma semaphore(%arg11 : memref<!tpu.dma_semaphore, #tpu.memory_space<semaphore_mem>>) src(%dma_wait3A_91 : memref<10000x128xf32, #tpu.memory_space<hbm>>) dst(%dma_wait3A_85 : memref<128x128xf32, #tpu.memory_space<vmem>>)
          %add3A_92 = arith.constant 0 : i32
          %add3A_93 = arith.addi %add3A_80, %add3A_92 : i32
          %run_scoped3A_94 = arith.constant 0 : i32
          "tpu.region"() ({
            %run_scoped3A_127 = tpu.sem_alloc : memref<!tpu.dma_semaphore, #tpu.memory_space<semaphore_mem>>
            %dma_start3A_128 = arith.constant 0 : i32
            %dma_start3A_129 = arith.constant 0 : i32
            %dma_start3A_130 = tpu.memref_slice %run_scoped3A[%run_scoped3A_94, %dma_start3A_128, %dma_start3A_129] : memref<2x128x128xf32, #tpu.memory_space<vmem>> -> memref<1x128x128xf32, #tpu.memory_space<vmem>>
            %dma_start3A_131 = tpu.memref_squeeze %dma_start3A_130 : memref<1x128x128xf32, #tpu.memory_space<vmem>> -> memref<128x128xf32, #tpu.memory_space<vmem>>
            %dma_start3A_132 = arith.constant 0 : i32
            %dma_start3A_133 = tpu.memref_slice %arg9[%add3A_93, %dma_start3A_132] : memref<40x128xi32, #tpu.memory_space<vmem>> -> memref<1x128xi32, #tpu.memory_space<vmem>>
            %dma_start3A_134 = tpu.memref_squeeze %dma_start3A_133 : memref<1x128xi32, #tpu.memory_space<vmem>> -> memref<128xi32, #tpu.memory_space<vmem>>
            %dma_start3A_135 = arith.constant 0 : i32
            %dma_start3A_136 = arith.constant 0 : i32
            %dma_start3A_137 = tpu.memref_slice %arg10[%dma_start3A_135, %dma_start3A_136] : memref<10240x128xf32, #tpu.memory_space<vmem_shared>> -> memref<10240x128xf32, #tpu.memory_space<vmem_shared>>
            tpu.enqueue_indirect_dma source(%dma_start3A_131 : memref<128x128xf32, #tpu.memory_space<vmem>>) target(%dma_start3A_137 : memref<10240x128xf32, #tpu.memory_space<vmem_shared>>) offsets(%dma_start3A_134 : memref<128xi32, #tpu.memory_space<vmem>>) semaphore(%run_scoped3A_127 : memref<!tpu.dma_semaphore, #tpu.memory_space<semaphore_mem>>) {add = true}
            %dma_wait3A_138 = arith.constant 0 : i32
            %dma_wait3A_139 = arith.constant 0 : i32
            %dma_wait3A_140 = tpu.memref_slice %run_scoped3A[%run_scoped3A_94, %dma_wait3A_138, %dma_wait3A_139] : memref<2x128x128xf32, #tpu.memory_space<vmem>> -> memref<1x128x128xf32, #tpu.memory_space<vmem>>
            %dma_wait3A_141 = tpu.memref_squeeze %dma_wait3A_140 : memref<1x128x128xf32, #tpu.memory_space<vmem>> -> memref<128x128xf32, #tpu.memory_space<vmem>>
            %dma_wait3A_142 = arith.constant 0 : i32
            %dma_wait3A_143 = tpu.memref_slice %arg9[%add3A_93, %dma_wait3A_142] : memref<40x128xi32, #tpu.memory_space<vmem>> -> memref<1x128xi32, #tpu.memory_space<vmem>>
            %dma_wait3A_144 = tpu.memref_squeeze %dma_wait3A_143 : memref<1x128xi32, #tpu.memory_space<vmem>> -> memref<128xi32, #tpu.memory_space<vmem>>
            %dma_wait3A_145 = arith.constant 0 : i32
            %dma_wait3A_146 = arith.constant 0 : i32
            %dma_wait3A_147 = tpu.memref_slice %arg10[%dma_wait3A_145, %dma_wait3A_146] : memref<10240x128xf32, #tpu.memory_space<vmem_shared>> -> memref<10240x128xf32, #tpu.memory_space<vmem_shared>>
            tpu.wait_indirect_dma semaphore(%run_scoped3A_127 : memref<!tpu.dma_semaphore, #tpu.memory_space<semaphore_mem>>) src(%dma_wait3A_141 : memref<128x128xf32, #tpu.memory_space<vmem>>) dst(%dma_wait3A_147 : memref<10240x128xf32, #tpu.memory_space<vmem_shared>>)
            tpu.yield
          }) : () -> ()
          %add3A_95 = arith.constant 0 : i32
          %add3A_96 = arith.addi %add3A_80, %add3A_95 : i32
          %add3A_97 = arith.constant 2 : i32
          %add3A_98 = arith.addi %add3A_96, %add3A_97 : i32
          %lt3A = arith.constant 40 : i32
          %lt3A_99 = arith.cmpi slt, %add3A_98, %lt3A : i32
          %convert_element_type3A_100 = arith.extui %lt3A_99 : i1 to i32
          %cond3A_101 = arith.constant 0 : i32
          %cond3A_102 = arith.cmpi ne, %convert_element_type3A_100, %cond3A_101 : i32
          scf.if %cond3A_102 {
            %dma_start3A_127 = arith.constant 0 : i32
            %dma_start3A_128 = arith.constant 0 : i32
            %dma_start3A_129 = arith.constant 0 : i32
            %dma_start3A_130 = tpu.memref_slice %run_scoped3A[%dma_start3A_127, %dma_start3A_128, %dma_start3A_129] : memref<2x128x128xf32, #tpu.memory_space<vmem>> -> memref<1x128x128xf32, #tpu.memory_space<vmem>>
            %dma_start3A_131 = tpu.memref_squeeze %dma_start3A_130 : memref<1x128x128xf32, #tpu.memory_space<vmem>> -> memref<128x128xf32, #tpu.memory_space<vmem>>
            %dma_start3A_132 = arith.constant 0 : i32
            %dma_start3A_133 = tpu.memref_slice %arg8[%add3A_98, %dma_start3A_132] : memref<40x128xi32, #tpu.memory_space<vmem>> -> memref<1x128xi32, #tpu.memory_space<vmem>>
            %dma_start3A_134 = tpu.memref_squeeze %dma_start3A_133 : memref<1x128xi32, #tpu.memory_space<vmem>> -> memref<128xi32, #tpu.memory_space<vmem>>
            %dma_start3A_135 = arith.constant 0 : i32
            %dma_start3A_136 = arith.constant 0 : i32
            %dma_start3A_137 = tpu.memref_slice %arg4[%dma_start3A_135, %dma_start3A_136] : memref<10000x128xf32, #tpu.memory_space<hbm>> -> memref<10000x128xf32, #tpu.memory_space<hbm>>
            tpu.enqueue_indirect_dma source(%dma_start3A_137 : memref<10000x128xf32, #tpu.memory_space<hbm>>) target(%dma_start3A_131 : memref<128x128xf32, #tpu.memory_space<vmem>>) offsets(%dma_start3A_134 : memref<128xi32, #tpu.memory_space<vmem>>) semaphore(%arg11 : memref<!tpu.dma_semaphore, #tpu.memory_space<semaphore_mem>>)
          } else {
          }
          %dma_wait3A_103 = arith.constant 0 : i32
          %dma_wait3A_104 = arith.constant 1 : i32
          %dma_wait3A_105 = arith.constant 0 : i32
          %dma_wait3A_106 = arith.constant 0 : i32
          %dma_wait3A_107 = tpu.memref_slice %run_scoped3A[%dma_wait3A_104, %dma_wait3A_105, %dma_wait3A_106] : memref<2x128x128xf32, #tpu.memory_space<vmem>> -> memref<1x128x128xf32, #tpu.memory_space<vmem>>
          %dma_wait3A_108 = tpu.memref_squeeze %dma_wait3A_107 : memref<1x128x128xf32, #tpu.memory_space<vmem>> -> memref<128x128xf32, #tpu.memory_space<vmem>>
          %dma_wait3A_109 = arith.constant 0 : i32
          %dma_wait3A_110 = tpu.memref_slice %arg8[%dma_wait3A_103, %dma_wait3A_109] : memref<40x128xi32, #tpu.memory_space<vmem>> -> memref<1x128xi32, #tpu.memory_space<vmem>>
          %dma_wait3A_111 = tpu.memref_squeeze %dma_wait3A_110 : memref<1x128xi32, #tpu.memory_space<vmem>> -> memref<128xi32, #tpu.memory_space<vmem>>
          %dma_wait3A_112 = arith.constant 0 : i32
          %dma_wait3A_113 = arith.constant 0 : i32
          %dma_wait3A_114 = tpu.memref_slice %arg4[%dma_wait3A_112, %dma_wait3A_113] : memref<10000x128xf32, #tpu.memory_space<hbm>> -> memref<10000x128xf32, #tpu.memory_space<hbm>>
          tpu.wait_indirect_dma semaphore(%arg12 : memref<!tpu.dma_semaphore, #tpu.memory_space<semaphore_mem>>) src(%dma_wait3A_114 : memref<10000x128xf32, #tpu.memory_space<hbm>>) dst(%dma_wait3A_108 : memref<128x128xf32, #tpu.memory_space<vmem>>)
          %add3A_115 = arith.constant 1 : i32
          %add3A_116 = arith.addi %add3A_80, %add3A_115 : i32
          %run_scoped3A_117 = arith.constant 1 : i32
          "tpu.region"() ({
            %run_scoped3A_127 = tpu.sem_alloc : memref<!tpu.dma_semaphore, #tpu.memory_space<semaphore_mem>>
            %dma_start3A_128 = arith.constant 0 : i32
            %dma_start3A_129 = arith.constant 0 : i32
            %dma_start3A_130 = tpu.memref_slice %run_scoped3A[%run_scoped3A_117, %dma_start3A_128, %dma_start3A_129] : memref<2x128x128xf32, #tpu.memory_space<vmem>> -> memref<1x128x128xf32, #tpu.memory_space<vmem>>
            %dma_start3A_131 = tpu.memref_squeeze %dma_start3A_130 : memref<1x128x128xf32, #tpu.memory_space<vmem>> -> memref<128x128xf32, #tpu.memory_space<vmem>>
            %dma_start3A_132 = arith.constant 0 : i32
            %dma_start3A_133 = tpu.memref_slice %arg9[%add3A_116, %dma_start3A_132] : memref<40x128xi32, #tpu.memory_space<vmem>> -> memref<1x128xi32, #tpu.memory_space<vmem>>
            %dma_start3A_134 = tpu.memref_squeeze %dma_start3A_133 : memref<1x128xi32, #tpu.memory_space<vmem>> -> memref<128xi32, #tpu.memory_space<vmem>>
            %dma_start3A_135 = arith.constant 0 : i32
            %dma_start3A_136 = arith.constant 0 : i32
            %dma_start3A_137 = tpu.memref_slice %arg10[%dma_start3A_135, %dma_start3A_136] : memref<10240x128xf32, #tpu.memory_space<vmem_shared>> -> memref<10240x128xf32, #tpu.memory_space<vmem_shared>>
            tpu.enqueue_indirect_dma source(%dma_start3A_131 : memref<128x128xf32, #tpu.memory_space<vmem>>) target(%dma_start3A_137 : memref<10240x128xf32, #tpu.memory_space<vmem_shared>>) offsets(%dma_start3A_134 : memref<128xi32, #tpu.memory_space<vmem>>) semaphore(%run_scoped3A_127 : memref<!tpu.dma_semaphore, #tpu.memory_space<semaphore_mem>>) {add = true}
            %dma_wait3A_138 = arith.constant 0 : i32
            %dma_wait3A_139 = arith.constant 0 : i32
            %dma_wait3A_140 = tpu.memref_slice %run_scoped3A[%run_scoped3A_117, %dma_wait3A_138, %dma_wait3A_139] : memref<2x128x128xf32, #tpu.memory_space<vmem>> -> memref<1x128x128xf32, #tpu.memory_space<vmem>>
            %dma_wait3A_141 = tpu.memref_squeeze %dma_wait3A_140 : memref<1x128x128xf32, #tpu.memory_space<vmem>> -> memref<128x128xf32, #tpu.memory_space<vmem>>
            %dma_wait3A_142 = arith.constant 0 : i32
            %dma_wait3A_143 = tpu.memref_slice %arg9[%add3A_116, %dma_wait3A_142] : memref<40x128xi32, #tpu.memory_space<vmem>> -> memref<1x128xi32, #tpu.memory_space<vmem>>
            %dma_wait3A_144 = tpu.memref_squeeze %dma_wait3A_143 : memref<1x128xi32, #tpu.memory_space<vmem>> -> memref<128xi32, #tpu.memory_space<vmem>>
            %dma_wait3A_145 = arith.constant 0 : i32
            %dma_wait3A_146 = arith.constant 0 : i32
            %dma_wait3A_147 = tpu.memref_slice %arg10[%dma_wait3A_145, %dma_wait3A_146] : memref<10240x128xf32, #tpu.memory_space<vmem_shared>> -> memref<10240x128xf32, #tpu.memory_space<vmem_shared>>
            tpu.wait_indirect_dma semaphore(%run_scoped3A_127 : memref<!tpu.dma_semaphore, #tpu.memory_space<semaphore_mem>>) src(%dma_wait3A_141 : memref<128x128xf32, #tpu.memory_space<vmem>>) dst(%dma_wait3A_147 : memref<10240x128xf32, #tpu.memory_space<vmem_shared>>)
            tpu.yield
          }) : () -> ()
          %add3A_118 = arith.constant 1 : i32
          %add3A_119 = arith.addi %add3A_80, %add3A_118 : i32
          %add3A_120 = arith.constant 2 : i32
          %add3A_121 = arith.addi %add3A_119, %add3A_120 : i32
          %lt3A_122 = arith.constant 40 : i32
          %lt3A_123 = arith.cmpi slt, %add3A_121, %lt3A_122 : i32
          %convert_element_type3A_124 = arith.extui %lt3A_123 : i1 to i32
          %cond3A_125 = arith.constant 0 : i32
          %cond3A_126 = arith.cmpi ne, %convert_element_type3A_124, %cond3A_125 : i32
          scf.if %cond3A_126 {
            %dma_start3A_127 = arith.constant 1 : i32
            %dma_start3A_128 = arith.constant 0 : i32
            %dma_start3A_129 = arith.constant 0 : i32
            %dma_start3A_130 = tpu.memref_slice %run_scoped3A[%dma_start3A_127, %dma_start3A_128, %dma_start3A_129] : memref<2x128x128xf32, #tpu.memory_space<vmem>> -> memref<1x128x128xf32, #tpu.memory_space<vmem>>
            %dma_start3A_131 = tpu.memref_squeeze %dma_start3A_130 : memref<1x128x128xf32, #tpu.memory_space<vmem>> -> memref<128x128xf32, #tpu.memory_space<vmem>>
            %dma_start3A_132 = arith.constant 0 : i32
            %dma_start3A_133 = tpu.memref_slice %arg8[%add3A_121, %dma_start3A_132] : memref<40x128xi32, #tpu.memory_space<vmem>> -> memref<1x128xi32, #tpu.memory_space<vmem>>
            %dma_start3A_134 = tpu.memref_squeeze %dma_start3A_133 : memref<1x128xi32, #tpu.memory_space<vmem>> -> memref<128xi32, #tpu.memory_space<vmem>>
            %dma_start3A_135 = arith.constant 0 : i32
            %dma_start3A_136 = arith.constant 0 : i32
            %dma_start3A_137 = tpu.memref_slice %arg4[%dma_start3A_135, %dma_start3A_136] : memref<10000x128xf32, #tpu.memory_space<hbm>> -> memref<10000x128xf32, #tpu.memory_space<hbm>>
            tpu.enqueue_indirect_dma source(%dma_start3A_137 : memref<10000x128xf32, #tpu.memory_space<hbm>>) target(%dma_start3A_131 : memref<128x128xf32, #tpu.memory_space<vmem>>) offsets(%dma_start3A_134 : memref<128xi32, #tpu.memory_space<vmem>>) semaphore(%arg12 : memref<!tpu.dma_semaphore, #tpu.memory_space<semaphore_mem>>)
          } else {
          }
        }
        %scan3A_44 = arith.constant 20 : i32
        %add3A_45 = arith.constant 40 : i32
        %add3A_46 = arith.addi %add3A_14, %add3A_45 : i32
        "tpu.region"() ({
          %run_scoped3A_76 = tpu.sem_alloc : memref<!tpu.dma_semaphore, #tpu.memory_space<semaphore_mem>>
          %dma_start3A_77 = arith.constant 0 : i32
          %dma_start3A_78 = arith.constant 0 : i32
          %dma_start3A_79 = tpu.memref_slice %arg8[%dma_start3A_77, %dma_start3A_78] : memref<40x128xi32, #tpu.memory_space<vmem>> -> memref<40x128xi32, #tpu.memory_space<vmem>>
          %dma_start3A_80 = arith.constant 0 : i32
          %dma_start3A_81 = tpu.memref_slice %arg2[%add3A_46, %dma_start3A_80] : memref<2560x128xi32, #tpu.memory_space<hbm>> -> memref<40x128xi32, #tpu.memory_space<hbm>>
          %dma_start3A_82 = arith.constant 0 : i32
          %dma_start3A_83 = arith.constant 0 : i32
          %dma_start3A_84 = tpu.memref_slice %arg8[%dma_start3A_82, %dma_start3A_83] : memref<40x128xi32, #tpu.memory_space<vmem>> -> memref<40x128xi32, #tpu.memory_space<vmem>>
          %dma_start3A_85 = arith.constant 0 : i32
          %dma_start3A_86 = tpu.memref_slice %arg2[%add3A_46, %dma_start3A_85] : memref<2560x128xi32, #tpu.memory_space<hbm>> -> memref<40x128xi32, #tpu.memory_space<hbm>>
          tpu.enqueue_dma source(%dma_start3A_86 : memref<40x128xi32, #tpu.memory_space<hbm>>) target(%dma_start3A_84 : memref<40x128xi32, #tpu.memory_space<vmem>>) target_semaphore(%run_scoped3A_76 : memref<!tpu.dma_semaphore, #tpu.memory_space<semaphore_mem>>)
          %dma_wait3A = arith.constant 0 : i32
          %dma_wait3A_87 = arith.constant 0 : i32
          %dma_wait3A_88 = tpu.memref_slice %arg8[%dma_wait3A, %dma_wait3A_87] : memref<40x128xi32, #tpu.memory_space<vmem>> -> memref<40x128xi32, #tpu.memory_space<vmem>>
          %dma_wait3A_89 = arith.constant 0 : i32
          %dma_wait3A_90 = tpu.memref_slice %arg2[%add3A_46, %dma_wait3A_89] : memref<2560x128xi32, #tpu.memory_space<hbm>> -> memref<40x128xi32, #tpu.memory_space<hbm>>
          %dma_wait3A_91 = arith.constant 0 : i32
          %dma_wait3A_92 = arith.constant 0 : i32
          %dma_wait3A_93 = tpu.memref_slice %arg8[%dma_wait3A_91, %dma_wait3A_92] : memref<40x128xi32, #tpu.memory_space<vmem>> -> memref<40x128xi32, #tpu.memory_space<vmem>>
          %dma_wait3A_94 = arith.constant 0 : i32
          %dma_wait3A_95 = tpu.memref_slice %arg2[%add3A_46, %dma_wait3A_94] : memref<2560x128xi32, #tpu.memory_space<hbm>> -> memref<40x128xi32, #tpu.memory_space<hbm>>
          tpu.wait_dma2 semaphore(%run_scoped3A_76 : memref<!tpu.dma_semaphore, #tpu.memory_space<semaphore_mem>>) src(%dma_wait3A_95 : memref<40x128xi32, #tpu.memory_space<hbm>>) dst(%dma_wait3A_93 : memref<40x128xi32, #tpu.memory_space<vmem>>)
          tpu.yield
        }) : () -> ()
        "tpu.region"() ({
          %run_scoped3A_76 = tpu.sem_alloc : memref<!tpu.dma_semaphore, #tpu.memory_space<semaphore_mem>>
          %dma_start3A_77 = arith.constant 0 : i32
          %dma_start3A_78 = arith.constant 0 : i32
          %dma_start3A_79 = tpu.memref_slice %arg9[%dma_start3A_77, %dma_start3A_78] : memref<40x128xi32, #tpu.memory_space<vmem>> -> memref<40x128xi32, #tpu.memory_space<vmem>>
          %dma_start3A_80 = arith.constant 0 : i32
          %dma_start3A_81 = tpu.memref_slice %arg3[%add3A_46, %dma_start3A_80] : memref<2560x128xi32, #tpu.memory_space<hbm>> -> memref<40x128xi32, #tpu.memory_space<hbm>>
          %dma_start3A_82 = arith.constant 0 : i32
          %dma_start3A_83 = arith.constant 0 : i32
          %dma_start3A_84 = tpu.memref_slice %arg9[%dma_start3A_82, %dma_start3A_83] : memref<40x128xi32, #tpu.memory_space<vmem>> -> memref<40x128xi32, #tpu.memory_space<vmem>>
          %dma_start3A_85 = arith.constant 0 : i32
          %dma_start3A_86 = tpu.memref_slice %arg3[%add3A_46, %dma_start3A_85] : memref<2560x128xi32, #tpu.memory_space<hbm>> -> memref<40x128xi32, #tpu.memory_space<hbm>>
          tpu.enqueue_dma source(%dma_start3A_86 : memref<40x128xi32, #tpu.memory_space<hbm>>) target(%dma_start3A_84 : memref<40x128xi32, #tpu.memory_space<vmem>>) target_semaphore(%run_scoped3A_76 : memref<!tpu.dma_semaphore, #tpu.memory_space<semaphore_mem>>)
          %dma_wait3A = arith.constant 0 : i32
          %dma_wait3A_87 = arith.constant 0 : i32
          %dma_wait3A_88 = tpu.memref_slice %arg9[%dma_wait3A, %dma_wait3A_87] : memref<40x128xi32, #tpu.memory_space<vmem>> -> memref<40x128xi32, #tpu.memory_space<vmem>>
          %dma_wait3A_89 = arith.constant 0 : i32
          %dma_wait3A_90 = tpu.memref_slice %arg3[%add3A_46, %dma_wait3A_89] : memref<2560x128xi32, #tpu.memory_space<hbm>> -> memref<40x128xi32, #tpu.memory_space<hbm>>
          %dma_wait3A_91 = arith.constant 0 : i32
          %dma_wait3A_92 = arith.constant 0 : i32
          %dma_wait3A_93 = tpu.memref_slice %arg9[%dma_wait3A_91, %dma_wait3A_92] : memref<40x128xi32, #tpu.memory_space<vmem>> -> memref<40x128xi32, #tpu.memory_space<vmem>>
          %dma_wait3A_94 = arith.constant 0 : i32
          %dma_wait3A_95 = tpu.memref_slice %arg3[%add3A_46, %dma_wait3A_94] : memref<2560x128xi32, #tpu.memory_space<hbm>> -> memref<40x128xi32, #tpu.memory_space<hbm>>
          tpu.wait_dma2 semaphore(%run_scoped3A_76 : memref<!tpu.dma_semaphore, #tpu.memory_space<semaphore_mem>>) src(%dma_wait3A_95 : memref<40x128xi32, #tpu.memory_space<hbm>>) dst(%dma_wait3A_93 : memref<40x128xi32, #tpu.memory_space<vmem>>)
          tpu.yield
        }) : () -> ()
        %dma_start3A_47 = arith.constant 0 : i32
        %dma_start3A_48 = arith.constant 0 : i32
        %dma_start3A_49 = arith.constant 0 : i32
        %dma_start3A_50 = arith.constant 0 : i32
        %dma_start3A_51 = tpu.memref_slice %run_scoped3A[%dma_start3A_48, %dma_start3A_49, %dma_start3A_50] : memref<2x128x128xf32, #tpu.memory_space<vmem>> -> memref<1x128x128xf32, #tpu.memory_space<vmem>>
        %dma_start3A_52 = tpu.memref_squeeze %dma_start3A_51 : memref<1x128x128xf32, #tpu.memory_space<vmem>> -> memref<128x128xf32, #tpu.memory_space<vmem>>
        %dma_start3A_53 = arith.constant 0 : i32
        %dma_start3A_54 = tpu.memref_slice %arg8[%dma_start3A_47, %dma_start3A_53] : memref<40x128xi32, #tpu.memory_space<vmem>> -> memref<1x128xi32, #tpu.memory_space<vmem>>
        %dma_start3A_55 = tpu.memref_squeeze %dma_start3A_54 : memref<1x128xi32, #tpu.memory_space<vmem>> -> memref<128xi32, #tpu.memory_space<vmem>>
        %dma_start3A_56 = arith.constant 0 : i32
        %dma_start3A_57 = arith.constant 0 : i32
        %dma_start3A_58 = tpu.memref_slice %arg4[%dma_start3A_56, %dma_start3A_57] : memref<10000x128xf32, #tpu.memory_space<hbm>> -> memref<10000x128xf32, #tpu.memory_space<hbm>>
        tpu.enqueue_indirect_dma source(%dma_start3A_58 : memref<10000x128xf32, #tpu.memory_space<hbm>>) target(%dma_start3A_52 : memref<128x128xf32, #tpu.memory_space<vmem>>) offsets(%dma_start3A_55 : memref<128xi32, #tpu.memory_space<vmem>>) semaphore(%arg11 : memref<!tpu.dma_semaphore, #tpu.memory_space<semaphore_mem>>)
        %dma_start3A_59 = arith.constant 1 : i32
        %dma_start3A_60 = arith.constant 1 : i32
        %dma_start3A_61 = arith.constant 0 : i32
        %dma_start3A_62 = arith.constant 0 : i32
        %dma_start3A_63 = tpu.memref_slice %run_scoped3A[%dma_start3A_60, %dma_start3A_61, %dma_start3A_62] : memref<2x128x128xf32, #tpu.memory_space<vmem>> -> memref<1x128x128xf32, #tpu.memory_space<vmem>>
        %dma_start3A_64 = tpu.memref_squeeze %dma_start3A_63 : memref<1x128x128xf32, #tpu.memory_space<vmem>> -> memref<128x128xf32, #tpu.memory_space<vmem>>
        %dma_start3A_65 = arith.constant 0 : i32
        %dma_start3A_66 = tpu.memref_slice %arg8[%dma_start3A_59, %dma_start3A_65] : memref<40x128xi32, #tpu.memory_space<vmem>> -> memref<1x128xi32, #tpu.memory_space<vmem>>
        %dma_start3A_67 = tpu.memref_squeeze %dma_start3A_66 : memref<1x128xi32, #tpu.memory_space<vmem>> -> memref<128xi32, #tpu.memory_space<vmem>>
        %dma_start3A_68 = arith.constant 0 : i32
        %dma_start3A_69 = arith.constant 0 : i32
        %dma_start3A_70 = tpu.memref_slice %arg4[%dma_start3A_68, %dma_start3A_69] : memref<10000x128xf32, #tpu.memory_space<hbm>> -> memref<10000x128xf32, #tpu.memory_space<hbm>>
        tpu.enqueue_indirect_dma source(%dma_start3A_70 : memref<10000x128xf32, #tpu.memory_space<hbm>>) target(%dma_start3A_64 : memref<128x128xf32, #tpu.memory_space<vmem>>) offsets(%dma_start3A_67 : memref<128xi32, #tpu.memory_space<vmem>>) semaphore(%arg12 : memref<!tpu.dma_semaphore, #tpu.memory_space<semaphore_mem>>)
        %scan3A_71 = arith.constant 0 : i32
        %scan3A_72 = arith.constant 20 : i32
        %scan3A_73 = arith.addi %scan3A_71, %scan3A_72 : i32
        %scan3A_74 = arith.constant 1 : i32
        scf.for %scan3A_76 = %scan3A_71 to %scan3A_73 step %scan3A_74  : i32 {
          %mul3A_77 = arith.constant 2 : i32
          %mul3A_78 = arith.muli %scan3A_76, %mul3A_77 : i32
          %add3A_79 = arith.constant 0 : i32
          %add3A_80 = arith.addi %add3A_79, %mul3A_78 : i32
          %dma_wait3A = arith.constant 0 : i32
          %dma_wait3A_81 = arith.constant 0 : i32
          %dma_wait3A_82 = arith.constant 0 : i32
          %dma_wait3A_83 = arith.constant 0 : i32
          %dma_wait3A_84 = tpu.memref_slice %run_scoped3A[%dma_wait3A_81, %dma_wait3A_82, %dma_wait3A_83] : memref<2x128x128xf32, #tpu.memory_space<vmem>> -> memref<1x128x128xf32, #tpu.memory_space<vmem>>
          %dma_wait3A_85 = tpu.memref_squeeze %dma_wait3A_84 : memref<1x128x128xf32, #tpu.memory_space<vmem>> -> memref<128x128xf32, #tpu.memory_space<vmem>>
          %dma_wait3A_86 = arith.constant 0 : i32
          %dma_wait3A_87 = tpu.memref_slice %arg8[%dma_wait3A, %dma_wait3A_86] : memref<40x128xi32, #tpu.memory_space<vmem>> -> memref<1x128xi32, #tpu.memory_space<vmem>>
          %dma_wait3A_88 = tpu.memref_squeeze %dma_wait3A_87 : memref<1x128xi32, #tpu.memory_space<vmem>> -> memref<128xi32, #tpu.memory_space<vmem>>
          %dma_wait3A_89 = arith.constant 0 : i32
          %dma_wait3A_90 = arith.constant 0 : i32
          %dma_wait3A_91 = tpu.memref_slice %arg4[%dma_wait3A_89, %dma_wait3A_90] : memref<10000x128xf32, #tpu.memory_space<hbm>> -> memref<10000x128xf32, #tpu.memory_space<hbm>>
          tpu.wait_indirect_dma semaphore(%arg11 : memref<!tpu.dma_semaphore, #tpu.memory_space<semaphore_mem>>) src(%dma_wait3A_91 : memref<10000x128xf32, #tpu.memory_space<hbm>>) dst(%dma_wait3A_85 : memref<128x128xf32, #tpu.memory_space<vmem>>)
          %add3A_92 = arith.constant 0 : i32
          %add3A_93 = arith.addi %add3A_80, %add3A_92 : i32
          %run_scoped3A_94 = arith.constant 0 : i32
          "tpu.region"() ({
            %run_scoped3A_127 = tpu.sem_alloc : memref<!tpu.dma_semaphore, #tpu.memory_space<semaphore_mem>>
            %dma_start3A_128 = arith.constant 0 : i32
            %dma_start3A_129 = arith.constant 0 : i32
            %dma_start3A_130 = tpu.memref_slice %run_scoped3A[%run_scoped3A_94, %dma_start3A_128, %dma_start3A_129] : memref<2x128x128xf32, #tpu.memory_space<vmem>> -> memref<1x128x128xf32, #tpu.memory_space<vmem>>
            %dma_start3A_131 = tpu.memref_squeeze %dma_start3A_130 : memref<1x128x128xf32, #tpu.memory_space<vmem>> -> memref<128x128xf32, #tpu.memory_space<vmem>>
            %dma_start3A_132 = arith.constant 0 : i32
            %dma_start3A_133 = tpu.memref_slice %arg9[%add3A_93, %dma_start3A_132] : memref<40x128xi32, #tpu.memory_space<vmem>> -> memref<1x128xi32, #tpu.memory_space<vmem>>
            %dma_start3A_134 = tpu.memref_squeeze %dma_start3A_133 : memref<1x128xi32, #tpu.memory_space<vmem>> -> memref<128xi32, #tpu.memory_space<vmem>>
            %dma_start3A_135 = arith.constant 0 : i32
            %dma_start3A_136 = arith.constant 0 : i32
            %dma_start3A_137 = tpu.memref_slice %arg10[%dma_start3A_135, %dma_start3A_136] : memref<10240x128xf32, #tpu.memory_space<vmem_shared>> -> memref<10240x128xf32, #tpu.memory_space<vmem_shared>>
            tpu.enqueue_indirect_dma source(%dma_start3A_131 : memref<128x128xf32, #tpu.memory_space<vmem>>) target(%dma_start3A_137 : memref<10240x128xf32, #tpu.memory_space<vmem_shared>>) offsets(%dma_start3A_134 : memref<128xi32, #tpu.memory_space<vmem>>) semaphore(%run_scoped3A_127 : memref<!tpu.dma_semaphore, #tpu.memory_space<semaphore_mem>>) {add = true}
            %dma_wait3A_138 = arith.constant 0 : i32
            %dma_wait3A_139 = arith.constant 0 : i32
            %dma_wait3A_140 = tpu.memref_slice %run_scoped3A[%run_scoped3A_94, %dma_wait3A_138, %dma_wait3A_139] : memref<2x128x128xf32, #tpu.memory_space<vmem>> -> memref<1x128x128xf32, #tpu.memory_space<vmem>>
            %dma_wait3A_141 = tpu.memref_squeeze %dma_wait3A_140 : memref<1x128x128xf32, #tpu.memory_space<vmem>> -> memref<128x128xf32, #tpu.memory_space<vmem>>
            %dma_wait3A_142 = arith.constant 0 : i32
            %dma_wait3A_143 = tpu.memref_slice %arg9[%add3A_93, %dma_wait3A_142] : memref<40x128xi32, #tpu.memory_space<vmem>> -> memref<1x128xi32, #tpu.memory_space<vmem>>
            %dma_wait3A_144 = tpu.memref_squeeze %dma_wait3A_143 : memref<1x128xi32, #tpu.memory_space<vmem>> -> memref<128xi32, #tpu.memory_space<vmem>>
            %dma_wait3A_145 = arith.constant 0 : i32
            %dma_wait3A_146 = arith.constant 0 : i32
            %dma_wait3A_147 = tpu.memref_slice %arg10[%dma_wait3A_145, %dma_wait3A_146] : memref<10240x128xf32, #tpu.memory_space<vmem_shared>> -> memref<10240x128xf32, #tpu.memory_space<vmem_shared>>
            tpu.wait_indirect_dma semaphore(%run_scoped3A_127 : memref<!tpu.dma_semaphore, #tpu.memory_space<semaphore_mem>>) src(%dma_wait3A_141 : memref<128x128xf32, #tpu.memory_space<vmem>>) dst(%dma_wait3A_147 : memref<10240x128xf32, #tpu.memory_space<vmem_shared>>)
            tpu.yield
          }) : () -> ()
          %add3A_95 = arith.constant 0 : i32
          %add3A_96 = arith.addi %add3A_80, %add3A_95 : i32
          %add3A_97 = arith.constant 2 : i32
          %add3A_98 = arith.addi %add3A_96, %add3A_97 : i32
          %lt3A = arith.constant 40 : i32
          %lt3A_99 = arith.cmpi slt, %add3A_98, %lt3A : i32
          %convert_element_type3A_100 = arith.extui %lt3A_99 : i1 to i32
          %cond3A_101 = arith.constant 0 : i32
          %cond3A_102 = arith.cmpi ne, %convert_element_type3A_100, %cond3A_101 : i32
          scf.if %cond3A_102 {
            %dma_start3A_127 = arith.constant 0 : i32
            %dma_start3A_128 = arith.constant 0 : i32
            %dma_start3A_129 = arith.constant 0 : i32
            %dma_start3A_130 = tpu.memref_slice %run_scoped3A[%dma_start3A_127, %dma_start3A_128, %dma_start3A_129] : memref<2x128x128xf32, #tpu.memory_space<vmem>> -> memref<1x128x128xf32, #tpu.memory_space<vmem>>
            %dma_start3A_131 = tpu.memref_squeeze %dma_start3A_130 : memref<1x128x128xf32, #tpu.memory_space<vmem>> -> memref<128x128xf32, #tpu.memory_space<vmem>>
            %dma_start3A_132 = arith.constant 0 : i32
            %dma_start3A_133 = tpu.memref_slice %arg8[%add3A_98, %dma_start3A_132] : memref<40x128xi32, #tpu.memory_space<vmem>> -> memref<1x128xi32, #tpu.memory_space<vmem>>
            %dma_start3A_134 = tpu.memref_squeeze %dma_start3A_133 : memref<1x128xi32, #tpu.memory_space<vmem>> -> memref<128xi32, #tpu.memory_space<vmem>>
            %dma_start3A_135 = arith.constant 0 : i32
            %dma_start3A_136 = arith.constant 0 : i32
            %dma_start3A_137 = tpu.memref_slice %arg4[%dma_start3A_135, %dma_start3A_136] : memref<10000x128xf32, #tpu.memory_space<hbm>> -> memref<10000x128xf32, #tpu.memory_space<hbm>>
            tpu.enqueue_indirect_dma source(%dma_start3A_137 : memref<10000x128xf32, #tpu.memory_space<hbm>>) target(%dma_start3A_131 : memref<128x128xf32, #tpu.memory_space<vmem>>) offsets(%dma_start3A_134 : memref<128xi32, #tpu.memory_space<vmem>>) semaphore(%arg11 : memref<!tpu.dma_semaphore, #tpu.memory_space<semaphore_mem>>)
          } else {
          }
          %dma_wait3A_103 = arith.constant 0 : i32
          %dma_wait3A_104 = arith.constant 1 : i32
          %dma_wait3A_105 = arith.constant 0 : i32
          %dma_wait3A_106 = arith.constant 0 : i32
          %dma_wait3A_107 = tpu.memref_slice %run_scoped3A[%dma_wait3A_104, %dma_wait3A_105, %dma_wait3A_106] : memref<2x128x128xf32, #tpu.memory_space<vmem>> -> memref<1x128x128xf32, #tpu.memory_space<vmem>>
          %dma_wait3A_108 = tpu.memref_squeeze %dma_wait3A_107 : memref<1x128x128xf32, #tpu.memory_space<vmem>> -> memref<128x128xf32, #tpu.memory_space<vmem>>
          %dma_wait3A_109 = arith.constant 0 : i32
          %dma_wait3A_110 = tpu.memref_slice %arg8[%dma_wait3A_103, %dma_wait3A_109] : memref<40x128xi32, #tpu.memory_space<vmem>> -> memref<1x128xi32, #tpu.memory_space<vmem>>
          %dma_wait3A_111 = tpu.memref_squeeze %dma_wait3A_110 : memref<1x128xi32, #tpu.memory_space<vmem>> -> memref<128xi32, #tpu.memory_space<vmem>>
          %dma_wait3A_112 = arith.constant 0 : i32
          %dma_wait3A_113 = arith.constant 0 : i32
          %dma_wait3A_114 = tpu.memref_slice %arg4[%dma_wait3A_112, %dma_wait3A_113] : memref<10000x128xf32, #tpu.memory_space<hbm>> -> memref<10000x128xf32, #tpu.memory_space<hbm>>
          tpu.wait_indirect_dma semaphore(%arg12 : memref<!tpu.dma_semaphore, #tpu.memory_space<semaphore_mem>>) src(%dma_wait3A_114 : memref<10000x128xf32, #tpu.memory_space<hbm>>) dst(%dma_wait3A_108 : memref<128x128xf32, #tpu.memory_space<vmem>>)
          %add3A_115 = arith.constant 1 : i32
          %add3A_116 = arith.addi %add3A_80, %add3A_115 : i32
          %run_scoped3A_117 = arith.constant 1 : i32
          "tpu.region"() ({
            %run_scoped3A_127 = tpu.sem_alloc : memref<!tpu.dma_semaphore, #tpu.memory_space<semaphore_mem>>
            %dma_start3A_128 = arith.constant 0 : i32
            %dma_start3A_129 = arith.constant 0 : i32
            %dma_start3A_130 = tpu.memref_slice %run_scoped3A[%run_scoped3A_117, %dma_start3A_128, %dma_start3A_129] : memref<2x128x128xf32, #tpu.memory_space<vmem>> -> memref<1x128x128xf32, #tpu.memory_space<vmem>>
            %dma_start3A_131 = tpu.memref_squeeze %dma_start3A_130 : memref<1x128x128xf32, #tpu.memory_space<vmem>> -> memref<128x128xf32, #tpu.memory_space<vmem>>
            %dma_start3A_132 = arith.constant 0 : i32
            %dma_start3A_133 = tpu.memref_slice %arg9[%add3A_116, %dma_start3A_132] : memref<40x128xi32, #tpu.memory_space<vmem>> -> memref<1x128xi32, #tpu.memory_space<vmem>>
            %dma_start3A_134 = tpu.memref_squeeze %dma_start3A_133 : memref<1x128xi32, #tpu.memory_space<vmem>> -> memref<128xi32, #tpu.memory_space<vmem>>
            %dma_start3A_135 = arith.constant 0 : i32
            %dma_start3A_136 = arith.constant 0 : i32
            %dma_start3A_137 = tpu.memref_slice %arg10[%dma_start3A_135, %dma_start3A_136] : memref<10240x128xf32, #tpu.memory_space<vmem_shared>> -> memref<10240x128xf32, #tpu.memory_space<vmem_shared>>
            tpu.enqueue_indirect_dma source(%dma_start3A_131 : memref<128x128xf32, #tpu.memory_space<vmem>>) target(%dma_start3A_137 : memref<10240x128xf32, #tpu.memory_space<vmem_shared>>) offsets(%dma_start3A_134 : memref<128xi32, #tpu.memory_space<vmem>>) semaphore(%run_scoped3A_127 : memref<!tpu.dma_semaphore, #tpu.memory_space<semaphore_mem>>) {add = true}
            %dma_wait3A_138 = arith.constant 0 : i32
            %dma_wait3A_139 = arith.constant 0 : i32
            %dma_wait3A_140 = tpu.memref_slice %run_scoped3A[%run_scoped3A_117, %dma_wait3A_138, %dma_wait3A_139] : memref<2x128x128xf32, #tpu.memory_space<vmem>> -> memref<1x128x128xf32, #tpu.memory_space<vmem>>
            %dma_wait3A_141 = tpu.memref_squeeze %dma_wait3A_140 : memref<1x128x128xf32, #tpu.memory_space<vmem>> -> memref<128x128xf32, #tpu.memory_space<vmem>>
            %dma_wait3A_142 = arith.constant 0 : i32
            %dma_wait3A_143 = tpu.memref_slice %arg9[%add3A_116, %dma_wait3A_142] : memref<40x128xi32, #tpu.memory_space<vmem>> -> memref<1x128xi32, #tpu.memory_space<vmem>>
            %dma_wait3A_144 = tpu.memref_squeeze %dma_wait3A_143 : memref<1x128xi32, #tpu.memory_space<vmem>> -> memref<128xi32, #tpu.memory_space<vmem>>
            %dma_wait3A_145 = arith.constant 0 : i32
            %dma_wait3A_146 = arith.constant 0 : i32
            %dma_wait3A_147 = tpu.memref_slice %arg10[%dma_wait3A_145, %dma_wait3A_146] : memref<10240x128xf32, #tpu.memory_space<vmem_shared>> -> memref<10240x128xf32, #tpu.memory_space<vmem_shared>>
            tpu.wait_indirect_dma semaphore(%run_scoped3A_127 : memref<!tpu.dma_semaphore, #tpu.memory_space<semaphore_mem>>) src(%dma_wait3A_141 : memref<128x128xf32, #tpu.memory_space<vmem>>) dst(%dma_wait3A_147 : memref<10240x128xf32, #tpu.memory_space<vmem_shared>>)
            tpu.yield
          }) : () -> ()
          %add3A_118 = arith.constant 1 : i32
          %add3A_119 = arith.addi %add3A_80, %add3A_118 : i32
          %add3A_120 = arith.constant 2 : i32
          %add3A_121 = arith.addi %add3A_119, %add3A_120 : i32
          %lt3A_122 = arith.constant 40 : i32
          %lt3A_123 = arith.cmpi slt, %add3A_121, %lt3A_122 : i32
          %convert_element_type3A_124 = arith.extui %lt3A_123 : i1 to i32
          %cond3A_125 = arith.constant 0 : i32
          %cond3A_126 = arith.cmpi ne, %convert_element_type3A_124, %cond3A_125 : i32
          scf.if %cond3A_126 {
            %dma_start3A_127 = arith.constant 1 : i32
            %dma_start3A_128 = arith.constant 0 : i32
            %dma_start3A_129 = arith.constant 0 : i32
            %dma_start3A_130 = tpu.memref_slice %run_scoped3A[%dma_start3A_127, %dma_start3A_128, %dma_start3A_129] : memref<2x128x128xf32, #tpu.memory_space<vmem>> -> memref<1x128x128xf32, #tpu.memory_space<vmem>>
            %dma_start3A_131 = tpu.memref_squeeze %dma_start3A_130 : memref<1x128x128xf32, #tpu.memory_space<vmem>> -> memref<128x128xf32, #tpu.memory_space<vmem>>
            %dma_start3A_132 = arith.constant 0 : i32
            %dma_start3A_133 = tpu.memref_slice %arg8[%add3A_121, %dma_start3A_132] : memref<40x128xi32, #tpu.memory_space<vmem>> -> memref<1x128xi32, #tpu.memory_space<vmem>>
            %dma_start3A_134 = tpu.memref_squeeze %dma_start3A_133 : memref<1x128xi32, #tpu.memory_space<vmem>> -> memref<128xi32, #tpu.memory_space<vmem>>
            %dma_start3A_135 = arith.constant 0 : i32
            %dma_start3A_136 = arith.constant 0 : i32
            %dma_start3A_137 = tpu.memref_slice %arg4[%dma_start3A_135, %dma_start3A_136] : memref<10000x128xf32, #tpu.memory_space<hbm>> -> memref<10000x128xf32, #tpu.memory_space<hbm>>
            tpu.enqueue_indirect_dma source(%dma_start3A_137 : memref<10000x128xf32, #tpu.memory_space<hbm>>) target(%dma_start3A_131 : memref<128x128xf32, #tpu.memory_space<vmem>>) offsets(%dma_start3A_134 : memref<128xi32, #tpu.memory_space<vmem>>) semaphore(%arg12 : memref<!tpu.dma_semaphore, #tpu.memory_space<semaphore_mem>>)
          } else {
          }
        }
        %scan3A_75 = arith.constant 20 : i32
      } else {
      }
      tpu.yield
    }) : () -> ()
    %barrier3A_1 = arith.constant 0 : index
    tpu.barrier barrier_id(%barrier3A_1)
    %scan3A = arith.constant 0 : i32
    %scan3A_2 = arith.constant 5 : i32
    %scan3A_3 = arith.addi %scan3A, %scan3A_2 : i32
    %scan3A_4 = arith.constant 1 : i32
    scf.for %scan3A_6 = %scan3A to %scan3A_3 step %scan3A_4  : i32 {
      %mul3A_7 = arith.constant 1 : i32
      %mul3A_8 = arith.muli %scan3A_6, %mul3A_7 : i32
      %add3A = arith.constant 0 : i32
      %add3A_9 = arith.addi %add3A, %mul3A_8 : i32
      %mul3A_10 = arith.constant 640 : i32
      %mul3A_11 = arith.muli %arg1, %mul3A_10 : i32
      %mul3A_12 = arith.constant 128 : i32
      %mul3A_13 = arith.muli %add3A_9, %mul3A_12 : i32
      %add3A_14 = arith.addi %mul3A_11, %mul3A_13 : i32
      %eq3A = arith.constant 0 : i32
      %eq3A_15 = arith.cmpi eq, %arg0, %eq3A : i32
      %convert_element_type3A = arith.extui %eq3A_15 : i1 to i32
      %cond3A = arith.constant 0 : i32
      %cond3A_16 = arith.cmpi ne, %convert_element_type3A, %cond3A : i32
      scf.if %cond3A_16 {
        "tpu.region"() ({
          %run_scoped3A = tpu.sem_alloc : memref<!tpu.dma_semaphore, #tpu.memory_space<semaphore_mem>>
          %dma_start3A = arith.constant 0 : i32
          %dma_start3A_22 = tpu.memref_slice %arg6[%add3A_14, %dma_start3A] : memref<10240x128xf32, #tpu.memory_space<hbm>> -> memref<128x128xf32, #tpu.memory_space<hbm>>
          %dma_start3A_23 = arith.constant 0 : i32
          %dma_start3A_24 = tpu.memref_slice %arg10[%add3A_14, %dma_start3A_23] : memref<10240x128xf32, #tpu.memory_space<vmem_shared>> -> memref<128x128xf32, #tpu.memory_space<vmem_shared>>
          tpu.enqueue_dma source(%dma_start3A_24 : memref<128x128xf32, #tpu.memory_space<vmem_shared>>) target(%dma_start3A_22 : memref<128x128xf32, #tpu.memory_space<hbm>>) target_semaphore(%run_scoped3A : memref<!tpu.dma_semaphore, #tpu.memory_space<semaphore_mem>>)
          %dma_wait3A = arith.constant 0 : i32
          %dma_wait3A_25 = tpu.memref_slice %arg6[%add3A_14, %dma_wait3A] : memref<10240x128xf32, #tpu.memory_space<hbm>> -> memref<128x128xf32, #tpu.memory_space<hbm>>
          %dma_wait3A_26 = arith.constant 0 : i32
          %dma_wait3A_27 = tpu.memref_slice %arg10[%add3A_14, %dma_wait3A_26] : memref<10240x128xf32, #tpu.memory_space<vmem_shared>> -> memref<128x128xf32, #tpu.memory_space<vmem_shared>>
          tpu.wait_dma2 semaphore(%run_scoped3A : memref<!tpu.dma_semaphore, #tpu.memory_space<semaphore_mem>>) src(%dma_wait3A_27 : memref<128x128xf32, #tpu.memory_space<vmem_shared>>) dst(%dma_wait3A_25 : memref<128x128xf32, #tpu.memory_space<hbm>>)
          tpu.yield
        }) : () -> ()
      } else {
      }
      %eq3A_17 = arith.constant 1 : i32
      %eq3A_18 = arith.cmpi eq, %arg0, %eq3A_17 : i32
      %convert_element_type3A_19 = arith.extui %eq3A_18 : i1 to i32
      %cond3A_20 = arith.constant 0 : i32
      %cond3A_21 = arith.cmpi ne, %convert_element_type3A_19, %cond3A_20 : i32
      scf.if %cond3A_21 {
        "tpu.region"() ({
          %run_scoped3A = tpu.sem_alloc : memref<!tpu.dma_semaphore, #tpu.memory_space<semaphore_mem>>
          %dma_start3A = arith.constant 0 : i32
          %dma_start3A_22 = tpu.memref_slice %arg7[%add3A_14, %dma_start3A] : memref<10240x128xf32, #tpu.memory_space<hbm>> -> memref<128x128xf32, #tpu.memory_space<hbm>>
          %dma_start3A_23 = arith.constant 0 : i32
          %dma_start3A_24 = tpu.memref_slice %arg10[%add3A_14, %dma_start3A_23] : memref<10240x128xf32, #tpu.memory_space<vmem_shared>> -> memref<128x128xf32, #tpu.memory_space<vmem_shared>>
          tpu.enqueue_dma source(%dma_start3A_24 : memref<128x128xf32, #tpu.memory_space<vmem_shared>>) target(%dma_start3A_22 : memref<128x128xf32, #tpu.memory_space<hbm>>) target_semaphore(%run_scoped3A : memref<!tpu.dma_semaphore, #tpu.memory_space<semaphore_mem>>)
          %dma_wait3A = arith.constant 0 : i32
          %dma_wait3A_25 = tpu.memref_slice %arg7[%add3A_14, %dma_wait3A] : memref<10240x128xf32, #tpu.memory_space<hbm>> -> memref<128x128xf32, #tpu.memory_space<hbm>>
          %dma_wait3A_26 = arith.constant 0 : i32
          %dma_wait3A_27 = tpu.memref_slice %arg10[%add3A_14, %dma_wait3A_26] : memref<10240x128xf32, #tpu.memory_space<vmem_shared>> -> memref<128x128xf32, #tpu.memory_space<vmem_shared>>
          tpu.wait_dma2 semaphore(%run_scoped3A : memref<!tpu.dma_semaphore, #tpu.memory_space<semaphore_mem>>) src(%dma_wait3A_27 : memref<128x128xf32, #tpu.memory_space<vmem_shared>>) dst(%dma_wait3A_25 : memref<128x128xf32, #tpu.memory_space<hbm>>)
          tpu.yield
        }) : () -> ()
      } else {
      }
    }
    %scan3A_5 = arith.constant 5 : i32
    return
  }
}

#map = affine_map<(d0, d1) -> (0, 0)>
#map1 = affine_map<(d0, d1) -> (0)>
module attributes {stable_mosaic.version = 14 : i64} {
  func.func @_deg_kernel(%arg0: i32, %arg1: i32, %arg2: memref<2560x128xi32, #tpu.memory_space<hbm>>, %arg3: memref<128xf32, #tpu.memory_space<hbm>>, %arg4: memref<640xf32, #tpu.memory_space<hbm>>, %arg5: memref<2x10240xf32, #tpu.memory_space<hbm>>, %arg6: memref<80x128xi32, #tpu.memory_space<vmem>>, %arg7: memref<128xf32, #tpu.memory_space<vmem>>, %arg8: memref<10240xf32, #tpu.memory_space<vmem_shared>>) attributes {dimension_semantics = [#tpu.dimension_semantics<core_parallel>, #tpu.dimension_semantics<subcore_parallel>], iteration_bounds = array<i64: 2, 16>, scalar_prefetch = 0 : i64, scratch_operands = 3 : i64, tpu.core_type = #tpu.core_type<sc_vector_subcore>, window_params = [{transform_indices = #map}, {transform_indices = #map1}, {transform_indices = #map1}, {transform_indices = #map}]} {
    %mul3A = arith.constant 2 : i32
    %mul3A_0 = arith.muli %arg1, %mul3A : i32
    %add3A = arith.addi %mul3A_0, %arg0 : i32
    %mul3A_1 = arith.constant 80 : i32
    %mul3A_2 = arith.muli %add3A, %mul3A_1 : i32
    "tpu.region"() ({
      %run_scoped3A = tpu.sem_alloc : memref<!tpu.dma_semaphore, #tpu.memory_space<semaphore_mem>>
      %dma_start3A = arith.constant 0 : i32
      %dma_start3A_14 = tpu.memref_slice %arg2[%mul3A_2, %dma_start3A] : memref<2560x128xi32, #tpu.memory_space<hbm>> -> memref<80x128xi32, #tpu.memory_space<hbm>>
      %dma_start3A_15 = arith.constant 0 : i32
      %dma_start3A_16 = tpu.memref_slice %arg2[%mul3A_2, %dma_start3A_15] : memref<2560x128xi32, #tpu.memory_space<hbm>> -> memref<80x128xi32, #tpu.memory_space<hbm>>
      tpu.enqueue_dma source(%dma_start3A_16 : memref<80x128xi32, #tpu.memory_space<hbm>>) target(%arg6 : memref<80x128xi32, #tpu.memory_space<vmem>>) target_semaphore(%run_scoped3A : memref<!tpu.dma_semaphore, #tpu.memory_space<semaphore_mem>>)
      %dma_wait3A = arith.constant 0 : i32
      %dma_wait3A_17 = tpu.memref_slice %arg2[%mul3A_2, %dma_wait3A] : memref<2560x128xi32, #tpu.memory_space<hbm>> -> memref<80x128xi32, #tpu.memory_space<hbm>>
      %dma_wait3A_18 = arith.constant 0 : i32
      %dma_wait3A_19 = tpu.memref_slice %arg2[%mul3A_2, %dma_wait3A_18] : memref<2560x128xi32, #tpu.memory_space<hbm>> -> memref<80x128xi32, #tpu.memory_space<hbm>>
      tpu.wait_dma2 semaphore(%run_scoped3A : memref<!tpu.dma_semaphore, #tpu.memory_space<semaphore_mem>>) src(%dma_wait3A_19 : memref<80x128xi32, #tpu.memory_space<hbm>>) dst(%arg6 : memref<80x128xi32, #tpu.memory_space<vmem>>)
      tpu.yield
    }) : () -> ()
    "tpu.region"() ({
      %run_scoped3A = tpu.sem_alloc : memref<!tpu.dma_semaphore, #tpu.memory_space<semaphore_mem>>
      tpu.enqueue_dma source(%arg3 : memref<128xf32, #tpu.memory_space<hbm>>) target(%arg7 : memref<128xf32, #tpu.memory_space<vmem>>) target_semaphore(%run_scoped3A : memref<!tpu.dma_semaphore, #tpu.memory_space<semaphore_mem>>)
      tpu.wait_dma2 semaphore(%run_scoped3A : memref<!tpu.dma_semaphore, #tpu.memory_space<semaphore_mem>>) src(%arg3 : memref<128xf32, #tpu.memory_space<hbm>>) dst(%arg7 : memref<128xf32, #tpu.memory_space<vmem>>)
      tpu.yield
    }) : () -> ()
    %mul3A_3 = arith.constant 640 : i32
    %mul3A_4 = arith.muli %arg1, %mul3A_3 : i32
    "tpu.region"() ({
      %run_scoped3A = tpu.sem_alloc : memref<!tpu.dma_semaphore, #tpu.memory_space<semaphore_mem>>
      %dma_start3A = tpu.memref_slice %arg8[%mul3A_4] : memref<10240xf32, #tpu.memory_space<vmem_shared>> -> memref<640xf32, #tpu.memory_space<vmem_shared>>
      tpu.enqueue_dma source(%arg4 : memref<640xf32, #tpu.memory_space<hbm>>) target(%dma_start3A : memref<640xf32, #tpu.memory_space<vmem_shared>>) target_semaphore(%run_scoped3A : memref<!tpu.dma_semaphore, #tpu.memory_space<semaphore_mem>>)
      %dma_wait3A = tpu.memref_slice %arg8[%mul3A_4] : memref<10240xf32, #tpu.memory_space<vmem_shared>> -> memref<640xf32, #tpu.memory_space<vmem_shared>>
      tpu.wait_dma2 semaphore(%run_scoped3A : memref<!tpu.dma_semaphore, #tpu.memory_space<semaphore_mem>>) src(%arg4 : memref<640xf32, #tpu.memory_space<hbm>>) dst(%dma_wait3A : memref<640xf32, #tpu.memory_space<vmem_shared>>)
      tpu.yield
    }) : () -> ()
    %barrier3A = arith.constant 0 : index
    tpu.barrier barrier_id(%barrier3A)
    %scan3A = arith.constant 0 : i32
    %scan3A_5 = arith.constant 80 : i32
    %scan3A_6 = arith.addi %scan3A, %scan3A_5 : i32
    %scan3A_7 = arith.constant 1 : i32
    scf.for %scan3A_14 = %scan3A to %scan3A_6 step %scan3A_7  : i32 {
      %mul3A_15 = arith.constant 1 : i32
      %mul3A_16 = arith.muli %scan3A_14, %mul3A_15 : i32
      %add3A_17 = arith.constant 0 : i32
      %add3A_18 = arith.addi %add3A_17, %mul3A_16 : i32
      "tpu.region"() ({
        %run_scoped3A = tpu.sem_alloc : memref<!tpu.dma_semaphore, #tpu.memory_space<semaphore_mem>>
        %dma_start3A = arith.constant 0 : i32
        %dma_start3A_19 = tpu.memref_slice %arg6[%add3A_18, %dma_start3A] : memref<80x128xi32, #tpu.memory_space<vmem>> -> memref<1x128xi32, #tpu.memory_space<vmem>>
        %dma_start3A_20 = tpu.memref_squeeze %dma_start3A_19 : memref<1x128xi32, #tpu.memory_space<vmem>> -> memref<128xi32, #tpu.memory_space<vmem>>
        %dma_start3A_21 = arith.constant 0 : i32
        %dma_start3A_22 = tpu.memref_slice %arg8[%dma_start3A_21] : memref<10240xf32, #tpu.memory_space<vmem_shared>> -> memref<10240xf32, #tpu.memory_space<vmem_shared>>
        tpu.enqueue_indirect_dma source(%arg7 : memref<128xf32, #tpu.memory_space<vmem>>) target(%dma_start3A_22 : memref<10240xf32, #tpu.memory_space<vmem_shared>>) offsets(%dma_start3A_20 : memref<128xi32, #tpu.memory_space<vmem>>) semaphore(%run_scoped3A : memref<!tpu.dma_semaphore, #tpu.memory_space<semaphore_mem>>) {add = true}
        %dma_wait3A = arith.constant 0 : i32
        %dma_wait3A_23 = tpu.memref_slice %arg6[%add3A_18, %dma_wait3A] : memref<80x128xi32, #tpu.memory_space<vmem>> -> memref<1x128xi32, #tpu.memory_space<vmem>>
        %dma_wait3A_24 = tpu.memref_squeeze %dma_wait3A_23 : memref<1x128xi32, #tpu.memory_space<vmem>> -> memref<128xi32, #tpu.memory_space<vmem>>
        %dma_wait3A_25 = arith.constant 0 : i32
        %dma_wait3A_26 = tpu.memref_slice %arg8[%dma_wait3A_25] : memref<10240xf32, #tpu.memory_space<vmem_shared>> -> memref<10240xf32, #tpu.memory_space<vmem_shared>>
        tpu.wait_indirect_dma semaphore(%run_scoped3A : memref<!tpu.dma_semaphore, #tpu.memory_space<semaphore_mem>>) src(%arg7 : memref<128xf32, #tpu.memory_space<vmem>>) dst(%dma_wait3A_26 : memref<10240xf32, #tpu.memory_space<vmem_shared>>)
        tpu.yield
      }) : () -> ()
    }
    %scan3A_8 = arith.constant 80 : i32
    %barrier3A_9 = arith.constant 0 : index
    tpu.barrier barrier_id(%barrier3A_9)
    %mul3A_10 = arith.constant 640 : i32
    %mul3A_11 = arith.muli %arg1, %mul3A_10 : i32
    %mul3A_12 = arith.constant 640 : i32
    %mul3A_13 = arith.muli %arg1, %mul3A_12 : i32
    "tpu.region"() ({
      %run_scoped3A = tpu.sem_alloc : memref<!tpu.dma_semaphore, #tpu.memory_space<semaphore_mem>>
      %dma_start3A = tpu.memref_slice %arg5[%arg0, %mul3A_13] : memref<2x10240xf32, #tpu.memory_space<hbm>> -> memref<1x640xf32, #tpu.memory_space<hbm>>
      %dma_start3A_14 = tpu.memref_squeeze %dma_start3A : memref<1x640xf32, #tpu.memory_space<hbm>> -> memref<640xf32, #tpu.memory_space<hbm>>
      %dma_start3A_15 = tpu.memref_slice %arg8[%mul3A_11] : memref<10240xf32, #tpu.memory_space<vmem_shared>> -> memref<640xf32, #tpu.memory_space<vmem_shared>>
      tpu.enqueue_dma source(%dma_start3A_15 : memref<640xf32, #tpu.memory_space<vmem_shared>>) target(%dma_start3A_14 : memref<640xf32, #tpu.memory_space<hbm>>) target_semaphore(%run_scoped3A : memref<!tpu.dma_semaphore, #tpu.memory_space<semaphore_mem>>)
      %dma_wait3A = tpu.memref_slice %arg5[%arg0, %mul3A_13] : memref<2x10240xf32, #tpu.memory_space<hbm>> -> memref<1x640xf32, #tpu.memory_space<hbm>>
      %dma_wait3A_16 = tpu.memref_squeeze %dma_wait3A : memref<1x640xf32, #tpu.memory_space<hbm>> -> memref<640xf32, #tpu.memory_space<hbm>>
      %dma_wait3A_17 = tpu.memref_slice %arg8[%mul3A_11] : memref<10240xf32, #tpu.memory_space<vmem_shared>> -> memref<640xf32, #tpu.memory_space<vmem_shared>>
      tpu.wait_dma2 semaphore(%run_scoped3A : memref<!tpu.dma_semaphore, #tpu.memory_space<semaphore_mem>>) src(%dma_wait3A_17 : memref<640xf32, #tpu.memory_space<vmem_shared>>) dst(%dma_wait3A_16 : memref<640xf32, #tpu.memory_space<hbm>>)
      tpu.yield
    }) : () -> ()
    return
  }
}

#map = affine_map<(d0, d1) -> (0, 0)>
module attributes {stable_mosaic.version = 14 : i64} {
  func.func @_edge_kernel(%arg0: i32, %arg1: i32, %arg2: memref<2560x128xi32, #tpu.memory_space<hbm>>, %arg3: memref<2560x128xi32, #tpu.memory_space<hbm>>, %arg4: memref<10000x128xf32, #tpu.memory_space<hbm>>, %arg5: memref<640x128xf32, #tpu.memory_space<hbm>>, %arg6: memref<10240x128xf32, #tpu.memory_space<hbm>>, %arg7: memref<10240x128xf32, #tpu.memory_space<hbm>>, %arg8: memref<40x128xi32, #tpu.memory_space<vmem>>, %arg9: memref<40x128xi32, #tpu.memory_space<vmem>>, %arg10: memref<10240x128xf32, #tpu.memory_space<vmem_shared>>, %arg11: memref<!tpu.dma_semaphore, #tpu.memory_space<semaphore_mem>>, %arg12: memref<!tpu.dma_semaphore, #tpu.memory_space<semaphore_mem>>) attributes {dimension_semantics = [#tpu.dimension_semantics<core_parallel>, #tpu.dimension_semantics<subcore_parallel>], iteration_bounds = array<i64: 2, 16>, scalar_prefetch = 0 : i64, scratch_operands = 5 : i64, tpu.core_type = #tpu.core_type<sc_vector_subcore>, window_params = [{transform_indices = #map}, {transform_indices = #map}, {transform_indices = #map}, {transform_indices = #map}, {transform_indices = #map}, {transform_indices = #map}]} {
    %mul3A = arith.constant 640 : i32
    %mul3A_0 = arith.muli %arg1, %mul3A : i32
    "tpu.region"() ({
      %run_scoped3A = tpu.sem_alloc : memref<!tpu.dma_semaphore, #tpu.memory_space<semaphore_mem>>
      %dma_start3A = arith.constant 0 : i32
      %dma_start3A_6 = tpu.memref_slice %arg10[%mul3A_0, %dma_start3A] : memref<10240x128xf32, #tpu.memory_space<vmem_shared>> -> memref<640x128xf32, #tpu.memory_space<vmem_shared>>
      tpu.enqueue_dma source(%arg5 : memref<640x128xf32, #tpu.memory_space<hbm>>) target(%dma_start3A_6 : memref<640x128xf32, #tpu.memory_space<vmem_shared>>) target_semaphore(%run_scoped3A : memref<!tpu.dma_semaphore, #tpu.memory_space<semaphore_mem>>)
      %dma_wait3A = arith.constant 0 : i32
      %dma_wait3A_7 = tpu.memref_slice %arg10[%mul3A_0, %dma_wait3A] : memref<10240x128xf32, #tpu.memory_space<vmem_shared>> -> memref<640x128xf32, #tpu.memory_space<vmem_shared>>
      tpu.wait_dma2 semaphore(%run_scoped3A : memref<!tpu.dma_semaphore, #tpu.memory_space<semaphore_mem>>) src(%arg5 : memref<640x128xf32, #tpu.memory_space<hbm>>) dst(%dma_wait3A_7 : memref<640x128xf32, #tpu.memory_space<vmem_shared>>)
      tpu.yield
    }) : () -> ()
    %barrier3A = arith.constant 0 : index
    tpu.barrier barrier_id(%barrier3A)
    "tpu.region"() ({
      %run_scoped3A = memref.alloca() : memref<2x128x128xf32, #tpu.memory_space<vmem>>
      %eq3A = arith.constant 0 : i32
      %eq3A_6 = arith.cmpi eq, %arg0, %eq3A : i32
      %convert_element_type3A = arith.extui %eq3A_6 : i1 to i32
      %cond3A = arith.constant 0 : i32
      %cond3A_7 = arith.cmpi ne, %convert_element_type3A, %cond3A : i32
      scf.if %cond3A_7 {
        %mul3A_12 = arith.constant 80 : i32
        %mul3A_13 = arith.muli %arg1, %mul3A_12 : i32
        %add3A = arith.constant 0 : i32
        %add3A_14 = arith.addi %mul3A_13, %add3A : i32
        "tpu.region"() ({
          %run_scoped3A_74 = tpu.sem_alloc : memref<!tpu.dma_semaphore, #tpu.memory_space<semaphore_mem>>
          %dma_start3A_75 = arith.constant 0 : i32
          %dma_start3A_76 = arith.constant 0 : i32
          %dma_start3A_77 = tpu.memref_slice %arg8[%dma_start3A_75, %dma_start3A_76] : memref<40x128xi32, #tpu.memory_space<vmem>> -> memref<40x128xi32, #tpu.memory_space<vmem>>
          %dma_start3A_78 = arith.constant 0 : i32
          %dma_start3A_79 = tpu.memref_slice %arg2[%add3A_14, %dma_start3A_78] : memref<2560x128xi32, #tpu.memory_space<hbm>> -> memref<40x128xi32, #tpu.memory_space<hbm>>
          %dma_start3A_80 = arith.constant 0 : i32
          %dma_start3A_81 = arith.constant 0 : i32
          %dma_start3A_82 = tpu.memref_slice %arg8[%dma_start3A_80, %dma_start3A_81] : memref<40x128xi32, #tpu.memory_space<vmem>> -> memref<40x128xi32, #tpu.memory_space<vmem>>
          %dma_start3A_83 = arith.constant 0 : i32
          %dma_start3A_84 = tpu.memref_slice %arg2[%add3A_14, %dma_start3A_83] : memref<2560x128xi32, #tpu.memory_space<hbm>> -> memref<40x128xi32, #tpu.memory_space<hbm>>
          tpu.enqueue_dma source(%dma_start3A_84 : memref<40x128xi32, #tpu.memory_space<hbm>>) target(%dma_start3A_82 : memref<40x128xi32, #tpu.memory_space<vmem>>) target_semaphore(%run_scoped3A_74 : memref<!tpu.dma_semaphore, #tpu.memory_space<semaphore_mem>>)
          %dma_wait3A = arith.constant 0 : i32
          %dma_wait3A_85 = arith.constant 0 : i32
          %dma_wait3A_86 = tpu.memref_slice %arg8[%dma_wait3A, %dma_wait3A_85] : memref<40x128xi32, #tpu.memory_space<vmem>> -> memref<40x128xi32, #tpu.memory_space<vmem>>
          %dma_wait3A_87 = arith.constant 0 : i32
          %dma_wait3A_88 = tpu.memref_slice %arg2[%add3A_14, %dma_wait3A_87] : memref<2560x128xi32, #tpu.memory_space<hbm>> -> memref<40x128xi32, #tpu.memory_space<hbm>>
          %dma_wait3A_89 = arith.constant 0 : i32
          %dma_wait3A_90 = arith.constant 0 : i32
          %dma_wait3A_91 = tpu.memref_slice %arg8[%dma_wait3A_89, %dma_wait3A_90] : memref<40x128xi32, #tpu.memory_space<vmem>> -> memref<40x128xi32, #tpu.memory_space<vmem>>
          %dma_wait3A_92 = arith.constant 0 : i32
          %dma_wait3A_93 = tpu.memref_slice %arg2[%add3A_14, %dma_wait3A_92] : memref<2560x128xi32, #tpu.memory_space<hbm>> -> memref<40x128xi32, #tpu.memory_space<hbm>>
          tpu.wait_dma2 semaphore(%run_scoped3A_74 : memref<!tpu.dma_semaphore, #tpu.memory_space<semaphore_mem>>) src(%dma_wait3A_93 : memref<40x128xi32, #tpu.memory_space<hbm>>) dst(%dma_wait3A_91 : memref<40x128xi32, #tpu.memory_space<vmem>>)
          tpu.yield
        }) : () -> ()
        "tpu.region"() ({
          %run_scoped3A_74 = tpu.sem_alloc : memref<!tpu.dma_semaphore, #tpu.memory_space<semaphore_mem>>
          %dma_start3A_75 = arith.constant 0 : i32
          %dma_start3A_76 = arith.constant 0 : i32
          %dma_start3A_77 = tpu.memref_slice %arg9[%dma_start3A_75, %dma_start3A_76] : memref<40x128xi32, #tpu.memory_space<vmem>> -> memref<40x128xi32, #tpu.memory_space<vmem>>
          %dma_start3A_78 = arith.constant 0 : i32
          %dma_start3A_79 = tpu.memref_slice %arg3[%add3A_14, %dma_start3A_78] : memref<2560x128xi32, #tpu.memory_space<hbm>> -> memref<40x128xi32, #tpu.memory_space<hbm>>
          %dma_start3A_80 = arith.constant 0 : i32
          %dma_start3A_81 = arith.constant 0 : i32
          %dma_start3A_82 = tpu.memref_slice %arg9[%dma_start3A_80, %dma_start3A_81] : memref<40x128xi32, #tpu.memory_space<vmem>> -> memref<40x128xi32, #tpu.memory_space<vmem>>
          %dma_start3A_83 = arith.constant 0 : i32
          %dma_start3A_84 = tpu.memref_slice %arg3[%add3A_14, %dma_start3A_83] : memref<2560x128xi32, #tpu.memory_space<hbm>> -> memref<40x128xi32, #tpu.memory_space<hbm>>
          tpu.enqueue_dma source(%dma_start3A_84 : memref<40x128xi32, #tpu.memory_space<hbm>>) target(%dma_start3A_82 : memref<40x128xi32, #tpu.memory_space<vmem>>) target_semaphore(%run_scoped3A_74 : memref<!tpu.dma_semaphore, #tpu.memory_space<semaphore_mem>>)
          %dma_wait3A = arith.constant 0 : i32
          %dma_wait3A_85 = arith.constant 0 : i32
          %dma_wait3A_86 = tpu.memref_slice %arg9[%dma_wait3A, %dma_wait3A_85] : memref<40x128xi32, #tpu.memory_space<vmem>> -> memref<40x128xi32, #tpu.memory_space<vmem>>
          %dma_wait3A_87 = arith.constant 0 : i32
          %dma_wait3A_88 = tpu.memref_slice %arg3[%add3A_14, %dma_wait3A_87] : memref<2560x128xi32, #tpu.memory_space<hbm>> -> memref<40x128xi32, #tpu.memory_space<hbm>>
          %dma_wait3A_89 = arith.constant 0 : i32
          %dma_wait3A_90 = arith.constant 0 : i32
          %dma_wait3A_91 = tpu.memref_slice %arg9[%dma_wait3A_89, %dma_wait3A_90] : memref<40x128xi32, #tpu.memory_space<vmem>> -> memref<40x128xi32, #tpu.memory_space<vmem>>
          %dma_wait3A_92 = arith.constant 0 : i32
          %dma_wait3A_93 = tpu.memref_slice %arg3[%add3A_14, %dma_wait3A_92] : memref<2560x128xi32, #tpu.memory_space<hbm>> -> memref<40x128xi32, #tpu.memory_space<hbm>>
          tpu.wait_dma2 semaphore(%run_scoped3A_74 : memref<!tpu.dma_semaphore, #tpu.memory_space<semaphore_mem>>) src(%dma_wait3A_93 : memref<40x128xi32, #tpu.memory_space<hbm>>) dst(%dma_wait3A_91 : memref<40x128xi32, #tpu.memory_space<vmem>>)
          tpu.yield
        }) : () -> ()
        %dma_start3A = arith.constant 0 : i32
        %dma_start3A_15 = arith.constant 0 : i32
        %dma_start3A_16 = arith.constant 0 : i32
        %dma_start3A_17 = arith.constant 0 : i32
        %dma_start3A_18 = tpu.memref_slice %run_scoped3A[%dma_start3A_15, %dma_start3A_16, %dma_start3A_17] : memref<2x128x128xf32, #tpu.memory_space<vmem>> -> memref<1x128x128xf32, #tpu.memory_space<vmem>>
        %dma_start3A_19 = tpu.memref_squeeze %dma_start3A_18 : memref<1x128x128xf32, #tpu.memory_space<vmem>> -> memref<128x128xf32, #tpu.memory_space<vmem>>
        %dma_start3A_20 = arith.constant 0 : i32
        %dma_start3A_21 = tpu.memref_slice %arg8[%dma_start3A, %dma_start3A_20] : memref<40x128xi32, #tpu.memory_space<vmem>> -> memref<1x128xi32, #tpu.memory_space<vmem>>
        %dma_start3A_22 = tpu.memref_squeeze %dma_start3A_21 : memref<1x128xi32, #tpu.memory_space<vmem>> -> memref<128xi32, #tpu.memory_space<vmem>>
        %dma_start3A_23 = arith.constant 0 : i32
        %dma_start3A_24 = arith.constant 0 : i32
        %dma_start3A_25 = tpu.memref_slice %arg4[%dma_start3A_23, %dma_start3A_24] : memref<10000x128xf32, #tpu.memory_space<hbm>> -> memref<10000x128xf32, #tpu.memory_space<hbm>>
        tpu.enqueue_indirect_dma source(%dma_start3A_25 : memref<10000x128xf32, #tpu.memory_space<hbm>>) target(%dma_start3A_19 : memref<128x128xf32, #tpu.memory_space<vmem>>) offsets(%dma_start3A_22 : memref<128xi32, #tpu.memory_space<vmem>>) semaphore(%arg11 : memref<!tpu.dma_semaphore, #tpu.memory_space<semaphore_mem>>)
        %dma_start3A_26 = arith.constant 1 : i32
        %dma_start3A_27 = arith.constant 1 : i32
        %dma_start3A_28 = arith.constant 0 : i32
        %dma_start3A_29 = arith.constant 0 : i32
        %dma_start3A_30 = tpu.memref_slice %run_scoped3A[%dma_start3A_27, %dma_start3A_28, %dma_start3A_29] : memref<2x128x128xf32, #tpu.memory_space<vmem>> -> memref<1x128x128xf32, #tpu.memory_space<vmem>>
        %dma_start3A_31 = tpu.memref_squeeze %dma_start3A_30 : memref<1x128x128xf32, #tpu.memory_space<vmem>> -> memref<128x128xf32, #tpu.memory_space<vmem>>
        %dma_start3A_32 = arith.constant 0 : i32
        %dma_start3A_33 = tpu.memref_slice %arg8[%dma_start3A_26, %dma_start3A_32] : memref<40x128xi32, #tpu.memory_space<vmem>> -> memref<1x128xi32, #tpu.memory_space<vmem>>
        %dma_start3A_34 = tpu.memref_squeeze %dma_start3A_33 : memref<1x128xi32, #tpu.memory_space<vmem>> -> memref<128xi32, #tpu.memory_space<vmem>>
        %dma_start3A_35 = arith.constant 0 : i32
        %dma_start3A_36 = arith.constant 0 : i32
        %dma_start3A_37 = tpu.memref_slice %arg4[%dma_start3A_35, %dma_start3A_36] : memref<10000x128xf32, #tpu.memory_space<hbm>> -> memref<10000x128xf32, #tpu.memory_space<hbm>>
        tpu.enqueue_indirect_dma source(%dma_start3A_37 : memref<10000x128xf32, #tpu.memory_space<hbm>>) target(%dma_start3A_31 : memref<128x128xf32, #tpu.memory_space<vmem>>) offsets(%dma_start3A_34 : memref<128xi32, #tpu.memory_space<vmem>>) semaphore(%arg12 : memref<!tpu.dma_semaphore, #tpu.memory_space<semaphore_mem>>)
        %scan3A_38 = arith.constant 0 : i32
        %scan3A_39 = arith.constant 20 : i32
        %scan3A_40 = arith.addi %scan3A_38, %scan3A_39 : i32
        %scan3A_41 = arith.constant 1 : i32
        scf.for %scan3A_74 = %scan3A_38 to %scan3A_40 step %scan3A_41  : i32 {
          %mul3A_75 = arith.constant 2 : i32
          %mul3A_76 = arith.muli %scan3A_74, %mul3A_75 : i32
          %add3A_77 = arith.constant 0 : i32
          %add3A_78 = arith.addi %add3A_77, %mul3A_76 : i32
          %dma_wait3A = arith.constant 0 : i32
          %dma_wait3A_79 = arith.constant 0 : i32
          %dma_wait3A_80 = arith.constant 0 : i32
          %dma_wait3A_81 = arith.constant 0 : i32
          %dma_wait3A_82 = tpu.memref_slice %run_scoped3A[%dma_wait3A_79, %dma_wait3A_80, %dma_wait3A_81] : memref<2x128x128xf32, #tpu.memory_space<vmem>> -> memref<1x128x128xf32, #tpu.memory_space<vmem>>
          %dma_wait3A_83 = tpu.memref_squeeze %dma_wait3A_82 : memref<1x128x128xf32, #tpu.memory_space<vmem>> -> memref<128x128xf32, #tpu.memory_space<vmem>>
          %dma_wait3A_84 = arith.constant 0 : i32
          %dma_wait3A_85 = tpu.memref_slice %arg8[%dma_wait3A, %dma_wait3A_84] : memref<40x128xi32, #tpu.memory_space<vmem>> -> memref<1x128xi32, #tpu.memory_space<vmem>>
          %dma_wait3A_86 = tpu.memref_squeeze %dma_wait3A_85 : memref<1x128xi32, #tpu.memory_space<vmem>> -> memref<128xi32, #tpu.memory_space<vmem>>
          %dma_wait3A_87 = arith.constant 0 : i32
          %dma_wait3A_88 = arith.constant 0 : i32
          %dma_wait3A_89 = tpu.memref_slice %arg4[%dma_wait3A_87, %dma_wait3A_88] : memref<10000x128xf32, #tpu.memory_space<hbm>> -> memref<10000x128xf32, #tpu.memory_space<hbm>>
          tpu.wait_indirect_dma semaphore(%arg11 : memref<!tpu.dma_semaphore, #tpu.memory_space<semaphore_mem>>) src(%dma_wait3A_89 : memref<10000x128xf32, #tpu.memory_space<hbm>>) dst(%dma_wait3A_83 : memref<128x128xf32, #tpu.memory_space<vmem>>)
          %add3A_90 = arith.constant 0 : i32
          %add3A_91 = arith.addi %add3A_78, %add3A_90 : i32
          %run_scoped3A_92 = arith.constant 0 : i32
          "tpu.region"() ({
            %run_scoped3A_125 = tpu.sem_alloc : memref<!tpu.dma_semaphore, #tpu.memory_space<semaphore_mem>>
            %dma_start3A_126 = arith.constant 0 : i32
            %dma_start3A_127 = arith.constant 0 : i32
            %dma_start3A_128 = tpu.memref_slice %run_scoped3A[%run_scoped3A_92, %dma_start3A_126, %dma_start3A_127] : memref<2x128x128xf32, #tpu.memory_space<vmem>> -> memref<1x128x128xf32, #tpu.memory_space<vmem>>
            %dma_start3A_129 = tpu.memref_squeeze %dma_start3A_128 : memref<1x128x128xf32, #tpu.memory_space<vmem>> -> memref<128x128xf32, #tpu.memory_space<vmem>>
            %dma_start3A_130 = arith.constant 0 : i32
            %dma_start3A_131 = tpu.memref_slice %arg9[%add3A_91, %dma_start3A_130] : memref<40x128xi32, #tpu.memory_space<vmem>> -> memref<1x128xi32, #tpu.memory_space<vmem>>
            %dma_start3A_132 = tpu.memref_squeeze %dma_start3A_131 : memref<1x128xi32, #tpu.memory_space<vmem>> -> memref<128xi32, #tpu.memory_space<vmem>>
            %dma_start3A_133 = arith.constant 0 : i32
            %dma_start3A_134 = arith.constant 0 : i32
            %dma_start3A_135 = tpu.memref_slice %arg10[%dma_start3A_133, %dma_start3A_134] : memref<10240x128xf32, #tpu.memory_space<vmem_shared>> -> memref<10240x128xf32, #tpu.memory_space<vmem_shared>>
            tpu.enqueue_indirect_dma source(%dma_start3A_129 : memref<128x128xf32, #tpu.memory_space<vmem>>) target(%dma_start3A_135 : memref<10240x128xf32, #tpu.memory_space<vmem_shared>>) offsets(%dma_start3A_132 : memref<128xi32, #tpu.memory_space<vmem>>) semaphore(%run_scoped3A_125 : memref<!tpu.dma_semaphore, #tpu.memory_space<semaphore_mem>>) {add = true}
            %dma_wait3A_136 = arith.constant 0 : i32
            %dma_wait3A_137 = arith.constant 0 : i32
            %dma_wait3A_138 = tpu.memref_slice %run_scoped3A[%run_scoped3A_92, %dma_wait3A_136, %dma_wait3A_137] : memref<2x128x128xf32, #tpu.memory_space<vmem>> -> memref<1x128x128xf32, #tpu.memory_space<vmem>>
            %dma_wait3A_139 = tpu.memref_squeeze %dma_wait3A_138 : memref<1x128x128xf32, #tpu.memory_space<vmem>> -> memref<128x128xf32, #tpu.memory_space<vmem>>
            %dma_wait3A_140 = arith.constant 0 : i32
            %dma_wait3A_141 = tpu.memref_slice %arg9[%add3A_91, %dma_wait3A_140] : memref<40x128xi32, #tpu.memory_space<vmem>> -> memref<1x128xi32, #tpu.memory_space<vmem>>
            %dma_wait3A_142 = tpu.memref_squeeze %dma_wait3A_141 : memref<1x128xi32, #tpu.memory_space<vmem>> -> memref<128xi32, #tpu.memory_space<vmem>>
            %dma_wait3A_143 = arith.constant 0 : i32
            %dma_wait3A_144 = arith.constant 0 : i32
            %dma_wait3A_145 = tpu.memref_slice %arg10[%dma_wait3A_143, %dma_wait3A_144] : memref<10240x128xf32, #tpu.memory_space<vmem_shared>> -> memref<10240x128xf32, #tpu.memory_space<vmem_shared>>
            tpu.wait_indirect_dma semaphore(%run_scoped3A_125 : memref<!tpu.dma_semaphore, #tpu.memory_space<semaphore_mem>>) src(%dma_wait3A_139 : memref<128x128xf32, #tpu.memory_space<vmem>>) dst(%dma_wait3A_145 : memref<10240x128xf32, #tpu.memory_space<vmem_shared>>)
            tpu.yield
          }) : () -> ()
          %add3A_93 = arith.constant 0 : i32
          %add3A_94 = arith.addi %add3A_78, %add3A_93 : i32
          %add3A_95 = arith.constant 2 : i32
          %add3A_96 = arith.addi %add3A_94, %add3A_95 : i32
          %lt3A = arith.constant 40 : i32
          %lt3A_97 = arith.cmpi slt, %add3A_96, %lt3A : i32
          %convert_element_type3A_98 = arith.extui %lt3A_97 : i1 to i32
          %cond3A_99 = arith.constant 0 : i32
          %cond3A_100 = arith.cmpi ne, %convert_element_type3A_98, %cond3A_99 : i32
          scf.if %cond3A_100 {
            %dma_start3A_125 = arith.constant 0 : i32
            %dma_start3A_126 = arith.constant 0 : i32
            %dma_start3A_127 = arith.constant 0 : i32
            %dma_start3A_128 = tpu.memref_slice %run_scoped3A[%dma_start3A_125, %dma_start3A_126, %dma_start3A_127] : memref<2x128x128xf32, #tpu.memory_space<vmem>> -> memref<1x128x128xf32, #tpu.memory_space<vmem>>
            %dma_start3A_129 = tpu.memref_squeeze %dma_start3A_128 : memref<1x128x128xf32, #tpu.memory_space<vmem>> -> memref<128x128xf32, #tpu.memory_space<vmem>>
            %dma_start3A_130 = arith.constant 0 : i32
            %dma_start3A_131 = tpu.memref_slice %arg8[%add3A_96, %dma_start3A_130] : memref<40x128xi32, #tpu.memory_space<vmem>> -> memref<1x128xi32, #tpu.memory_space<vmem>>
            %dma_start3A_132 = tpu.memref_squeeze %dma_start3A_131 : memref<1x128xi32, #tpu.memory_space<vmem>> -> memref<128xi32, #tpu.memory_space<vmem>>
            %dma_start3A_133 = arith.constant 0 : i32
            %dma_start3A_134 = arith.constant 0 : i32
            %dma_start3A_135 = tpu.memref_slice %arg4[%dma_start3A_133, %dma_start3A_134] : memref<10000x128xf32, #tpu.memory_space<hbm>> -> memref<10000x128xf32, #tpu.memory_space<hbm>>
            tpu.enqueue_indirect_dma source(%dma_start3A_135 : memref<10000x128xf32, #tpu.memory_space<hbm>>) target(%dma_start3A_129 : memref<128x128xf32, #tpu.memory_space<vmem>>) offsets(%dma_start3A_132 : memref<128xi32, #tpu.memory_space<vmem>>) semaphore(%arg11 : memref<!tpu.dma_semaphore, #tpu.memory_space<semaphore_mem>>)
          } else {
          }
          %dma_wait3A_101 = arith.constant 0 : i32
          %dma_wait3A_102 = arith.constant 1 : i32
          %dma_wait3A_103 = arith.constant 0 : i32
          %dma_wait3A_104 = arith.constant 0 : i32
          %dma_wait3A_105 = tpu.memref_slice %run_scoped3A[%dma_wait3A_102, %dma_wait3A_103, %dma_wait3A_104] : memref<2x128x128xf32, #tpu.memory_space<vmem>> -> memref<1x128x128xf32, #tpu.memory_space<vmem>>
          %dma_wait3A_106 = tpu.memref_squeeze %dma_wait3A_105 : memref<1x128x128xf32, #tpu.memory_space<vmem>> -> memref<128x128xf32, #tpu.memory_space<vmem>>
          %dma_wait3A_107 = arith.constant 0 : i32
          %dma_wait3A_108 = tpu.memref_slice %arg8[%dma_wait3A_101, %dma_wait3A_107] : memref<40x128xi32, #tpu.memory_space<vmem>> -> memref<1x128xi32, #tpu.memory_space<vmem>>
          %dma_wait3A_109 = tpu.memref_squeeze %dma_wait3A_108 : memref<1x128xi32, #tpu.memory_space<vmem>> -> memref<128xi32, #tpu.memory_space<vmem>>
          %dma_wait3A_110 = arith.constant 0 : i32
          %dma_wait3A_111 = arith.constant 0 : i32
          %dma_wait3A_112 = tpu.memref_slice %arg4[%dma_wait3A_110, %dma_wait3A_111] : memref<10000x128xf32, #tpu.memory_space<hbm>> -> memref<10000x128xf32, #tpu.memory_space<hbm>>
          tpu.wait_indirect_dma semaphore(%arg12 : memref<!tpu.dma_semaphore, #tpu.memory_space<semaphore_mem>>) src(%dma_wait3A_112 : memref<10000x128xf32, #tpu.memory_space<hbm>>) dst(%dma_wait3A_106 : memref<128x128xf32, #tpu.memory_space<vmem>>)
          %add3A_113 = arith.constant 1 : i32
          %add3A_114 = arith.addi %add3A_78, %add3A_113 : i32
          %run_scoped3A_115 = arith.constant 1 : i32
          "tpu.region"() ({
            %run_scoped3A_125 = tpu.sem_alloc : memref<!tpu.dma_semaphore, #tpu.memory_space<semaphore_mem>>
            %dma_start3A_126 = arith.constant 0 : i32
            %dma_start3A_127 = arith.constant 0 : i32
            %dma_start3A_128 = tpu.memref_slice %run_scoped3A[%run_scoped3A_115, %dma_start3A_126, %dma_start3A_127] : memref<2x128x128xf32, #tpu.memory_space<vmem>> -> memref<1x128x128xf32, #tpu.memory_space<vmem>>
            %dma_start3A_129 = tpu.memref_squeeze %dma_start3A_128 : memref<1x128x128xf32, #tpu.memory_space<vmem>> -> memref<128x128xf32, #tpu.memory_space<vmem>>
            %dma_start3A_130 = arith.constant 0 : i32
            %dma_start3A_131 = tpu.memref_slice %arg9[%add3A_114, %dma_start3A_130] : memref<40x128xi32, #tpu.memory_space<vmem>> -> memref<1x128xi32, #tpu.memory_space<vmem>>
            %dma_start3A_132 = tpu.memref_squeeze %dma_start3A_131 : memref<1x128xi32, #tpu.memory_space<vmem>> -> memref<128xi32, #tpu.memory_space<vmem>>
            %dma_start3A_133 = arith.constant 0 : i32
            %dma_start3A_134 = arith.constant 0 : i32
            %dma_start3A_135 = tpu.memref_slice %arg10[%dma_start3A_133, %dma_start3A_134] : memref<10240x128xf32, #tpu.memory_space<vmem_shared>> -> memref<10240x128xf32, #tpu.memory_space<vmem_shared>>
            tpu.enqueue_indirect_dma source(%dma_start3A_129 : memref<128x128xf32, #tpu.memory_space<vmem>>) target(%dma_start3A_135 : memref<10240x128xf32, #tpu.memory_space<vmem_shared>>) offsets(%dma_start3A_132 : memref<128xi32, #tpu.memory_space<vmem>>) semaphore(%run_scoped3A_125 : memref<!tpu.dma_semaphore, #tpu.memory_space<semaphore_mem>>) {add = true}
            %dma_wait3A_136 = arith.constant 0 : i32
            %dma_wait3A_137 = arith.constant 0 : i32
            %dma_wait3A_138 = tpu.memref_slice %run_scoped3A[%run_scoped3A_115, %dma_wait3A_136, %dma_wait3A_137] : memref<2x128x128xf32, #tpu.memory_space<vmem>> -> memref<1x128x128xf32, #tpu.memory_space<vmem>>
            %dma_wait3A_139 = tpu.memref_squeeze %dma_wait3A_138 : memref<1x128x128xf32, #tpu.memory_space<vmem>> -> memref<128x128xf32, #tpu.memory_space<vmem>>
            %dma_wait3A_140 = arith.constant 0 : i32
            %dma_wait3A_141 = tpu.memref_slice %arg9[%add3A_114, %dma_wait3A_140] : memref<40x128xi32, #tpu.memory_space<vmem>> -> memref<1x128xi32, #tpu.memory_space<vmem>>
            %dma_wait3A_142 = tpu.memref_squeeze %dma_wait3A_141 : memref<1x128xi32, #tpu.memory_space<vmem>> -> memref<128xi32, #tpu.memory_space<vmem>>
            %dma_wait3A_143 = arith.constant 0 : i32
            %dma_wait3A_144 = arith.constant 0 : i32
            %dma_wait3A_145 = tpu.memref_slice %arg10[%dma_wait3A_143, %dma_wait3A_144] : memref<10240x128xf32, #tpu.memory_space<vmem_shared>> -> memref<10240x128xf32, #tpu.memory_space<vmem_shared>>
            tpu.wait_indirect_dma semaphore(%run_scoped3A_125 : memref<!tpu.dma_semaphore, #tpu.memory_space<semaphore_mem>>) src(%dma_wait3A_139 : memref<128x128xf32, #tpu.memory_space<vmem>>) dst(%dma_wait3A_145 : memref<10240x128xf32, #tpu.memory_space<vmem_shared>>)
            tpu.yield
          }) : () -> ()
          %add3A_116 = arith.constant 1 : i32
          %add3A_117 = arith.addi %add3A_78, %add3A_116 : i32
          %add3A_118 = arith.constant 2 : i32
          %add3A_119 = arith.addi %add3A_117, %add3A_118 : i32
          %lt3A_120 = arith.constant 40 : i32
          %lt3A_121 = arith.cmpi slt, %add3A_119, %lt3A_120 : i32
          %convert_element_type3A_122 = arith.extui %lt3A_121 : i1 to i32
          %cond3A_123 = arith.constant 0 : i32
          %cond3A_124 = arith.cmpi ne, %convert_element_type3A_122, %cond3A_123 : i32
          scf.if %cond3A_124 {
            %dma_start3A_125 = arith.constant 1 : i32
            %dma_start3A_126 = arith.constant 0 : i32
            %dma_start3A_127 = arith.constant 0 : i32
            %dma_start3A_128 = tpu.memref_slice %run_scoped3A[%dma_start3A_125, %dma_start3A_126, %dma_start3A_127] : memref<2x128x128xf32, #tpu.memory_space<vmem>> -> memref<1x128x128xf32, #tpu.memory_space<vmem>>
            %dma_start3A_129 = tpu.memref_squeeze %dma_start3A_128 : memref<1x128x128xf32, #tpu.memory_space<vmem>> -> memref<128x128xf32, #tpu.memory_space<vmem>>
            %dma_start3A_130 = arith.constant 0 : i32
            %dma_start3A_131 = tpu.memref_slice %arg8[%add3A_119, %dma_start3A_130] : memref<40x128xi32, #tpu.memory_space<vmem>> -> memref<1x128xi32, #tpu.memory_space<vmem>>
            %dma_start3A_132 = tpu.memref_squeeze %dma_start3A_131 : memref<1x128xi32, #tpu.memory_space<vmem>> -> memref<128xi32, #tpu.memory_space<vmem>>
            %dma_start3A_133 = arith.constant 0 : i32
            %dma_start3A_134 = arith.constant 0 : i32
            %dma_start3A_135 = tpu.memref_slice %arg4[%dma_start3A_133, %dma_start3A_134] : memref<10000x128xf32, #tpu.memory_space<hbm>> -> memref<10000x128xf32, #tpu.memory_space<hbm>>
            tpu.enqueue_indirect_dma source(%dma_start3A_135 : memref<10000x128xf32, #tpu.memory_space<hbm>>) target(%dma_start3A_129 : memref<128x128xf32, #tpu.memory_space<vmem>>) offsets(%dma_start3A_132 : memref<128xi32, #tpu.memory_space<vmem>>) semaphore(%arg12 : memref<!tpu.dma_semaphore, #tpu.memory_space<semaphore_mem>>)
          } else {
          }
        }
        %scan3A_42 = arith.constant 20 : i32
        %add3A_43 = arith.constant 40 : i32
        %add3A_44 = arith.addi %mul3A_13, %add3A_43 : i32
        "tpu.region"() ({
          %run_scoped3A_74 = tpu.sem_alloc : memref<!tpu.dma_semaphore, #tpu.memory_space<semaphore_mem>>
          %dma_start3A_75 = arith.constant 0 : i32
          %dma_start3A_76 = arith.constant 0 : i32
          %dma_start3A_77 = tpu.memref_slice %arg8[%dma_start3A_75, %dma_start3A_76] : memref<40x128xi32, #tpu.memory_space<vmem>> -> memref<40x128xi32, #tpu.memory_space<vmem>>
          %dma_start3A_78 = arith.constant 0 : i32
          %dma_start3A_79 = tpu.memref_slice %arg2[%add3A_44, %dma_start3A_78] : memref<2560x128xi32, #tpu.memory_space<hbm>> -> memref<40x128xi32, #tpu.memory_space<hbm>>
          %dma_start3A_80 = arith.constant 0 : i32
          %dma_start3A_81 = arith.constant 0 : i32
          %dma_start3A_82 = tpu.memref_slice %arg8[%dma_start3A_80, %dma_start3A_81] : memref<40x128xi32, #tpu.memory_space<vmem>> -> memref<40x128xi32, #tpu.memory_space<vmem>>
          %dma_start3A_83 = arith.constant 0 : i32
          %dma_start3A_84 = tpu.memref_slice %arg2[%add3A_44, %dma_start3A_83] : memref<2560x128xi32, #tpu.memory_space<hbm>> -> memref<40x128xi32, #tpu.memory_space<hbm>>
          tpu.enqueue_dma source(%dma_start3A_84 : memref<40x128xi32, #tpu.memory_space<hbm>>) target(%dma_start3A_82 : memref<40x128xi32, #tpu.memory_space<vmem>>) target_semaphore(%run_scoped3A_74 : memref<!tpu.dma_semaphore, #tpu.memory_space<semaphore_mem>>)
          %dma_wait3A = arith.constant 0 : i32
          %dma_wait3A_85 = arith.constant 0 : i32
          %dma_wait3A_86 = tpu.memref_slice %arg8[%dma_wait3A, %dma_wait3A_85] : memref<40x128xi32, #tpu.memory_space<vmem>> -> memref<40x128xi32, #tpu.memory_space<vmem>>
          %dma_wait3A_87 = arith.constant 0 : i32
          %dma_wait3A_88 = tpu.memref_slice %arg2[%add3A_44, %dma_wait3A_87] : memref<2560x128xi32, #tpu.memory_space<hbm>> -> memref<40x128xi32, #tpu.memory_space<hbm>>
          %dma_wait3A_89 = arith.constant 0 : i32
          %dma_wait3A_90 = arith.constant 0 : i32
          %dma_wait3A_91 = tpu.memref_slice %arg8[%dma_wait3A_89, %dma_wait3A_90] : memref<40x128xi32, #tpu.memory_space<vmem>> -> memref<40x128xi32, #tpu.memory_space<vmem>>
          %dma_wait3A_92 = arith.constant 0 : i32
          %dma_wait3A_93 = tpu.memref_slice %arg2[%add3A_44, %dma_wait3A_92] : memref<2560x128xi32, #tpu.memory_space<hbm>> -> memref<40x128xi32, #tpu.memory_space<hbm>>
          tpu.wait_dma2 semaphore(%run_scoped3A_74 : memref<!tpu.dma_semaphore, #tpu.memory_space<semaphore_mem>>) src(%dma_wait3A_93 : memref<40x128xi32, #tpu.memory_space<hbm>>) dst(%dma_wait3A_91 : memref<40x128xi32, #tpu.memory_space<vmem>>)
          tpu.yield
        }) : () -> ()
        "tpu.region"() ({
          %run_scoped3A_74 = tpu.sem_alloc : memref<!tpu.dma_semaphore, #tpu.memory_space<semaphore_mem>>
          %dma_start3A_75 = arith.constant 0 : i32
          %dma_start3A_76 = arith.constant 0 : i32
          %dma_start3A_77 = tpu.memref_slice %arg9[%dma_start3A_75, %dma_start3A_76] : memref<40x128xi32, #tpu.memory_space<vmem>> -> memref<40x128xi32, #tpu.memory_space<vmem>>
          %dma_start3A_78 = arith.constant 0 : i32
          %dma_start3A_79 = tpu.memref_slice %arg3[%add3A_44, %dma_start3A_78] : memref<2560x128xi32, #tpu.memory_space<hbm>> -> memref<40x128xi32, #tpu.memory_space<hbm>>
          %dma_start3A_80 = arith.constant 0 : i32
          %dma_start3A_81 = arith.constant 0 : i32
          %dma_start3A_82 = tpu.memref_slice %arg9[%dma_start3A_80, %dma_start3A_81] : memref<40x128xi32, #tpu.memory_space<vmem>> -> memref<40x128xi32, #tpu.memory_space<vmem>>
          %dma_start3A_83 = arith.constant 0 : i32
          %dma_start3A_84 = tpu.memref_slice %arg3[%add3A_44, %dma_start3A_83] : memref<2560x128xi32, #tpu.memory_space<hbm>> -> memref<40x128xi32, #tpu.memory_space<hbm>>
          tpu.enqueue_dma source(%dma_start3A_84 : memref<40x128xi32, #tpu.memory_space<hbm>>) target(%dma_start3A_82 : memref<40x128xi32, #tpu.memory_space<vmem>>) target_semaphore(%run_scoped3A_74 : memref<!tpu.dma_semaphore, #tpu.memory_space<semaphore_mem>>)
          %dma_wait3A = arith.constant 0 : i32
          %dma_wait3A_85 = arith.constant 0 : i32
          %dma_wait3A_86 = tpu.memref_slice %arg9[%dma_wait3A, %dma_wait3A_85] : memref<40x128xi32, #tpu.memory_space<vmem>> -> memref<40x128xi32, #tpu.memory_space<vmem>>
          %dma_wait3A_87 = arith.constant 0 : i32
          %dma_wait3A_88 = tpu.memref_slice %arg3[%add3A_44, %dma_wait3A_87] : memref<2560x128xi32, #tpu.memory_space<hbm>> -> memref<40x128xi32, #tpu.memory_space<hbm>>
          %dma_wait3A_89 = arith.constant 0 : i32
          %dma_wait3A_90 = arith.constant 0 : i32
          %dma_wait3A_91 = tpu.memref_slice %arg9[%dma_wait3A_89, %dma_wait3A_90] : memref<40x128xi32, #tpu.memory_space<vmem>> -> memref<40x128xi32, #tpu.memory_space<vmem>>
          %dma_wait3A_92 = arith.constant 0 : i32
          %dma_wait3A_93 = tpu.memref_slice %arg3[%add3A_44, %dma_wait3A_92] : memref<2560x128xi32, #tpu.memory_space<hbm>> -> memref<40x128xi32, #tpu.memory_space<hbm>>
          tpu.wait_dma2 semaphore(%run_scoped3A_74 : memref<!tpu.dma_semaphore, #tpu.memory_space<semaphore_mem>>) src(%dma_wait3A_93 : memref<40x128xi32, #tpu.memory_space<hbm>>) dst(%dma_wait3A_91 : memref<40x128xi32, #tpu.memory_space<vmem>>)
          tpu.yield
        }) : () -> ()
        %dma_start3A_45 = arith.constant 0 : i32
        %dma_start3A_46 = arith.constant 0 : i32
        %dma_start3A_47 = arith.constant 0 : i32
        %dma_start3A_48 = arith.constant 0 : i32
        %dma_start3A_49 = tpu.memref_slice %run_scoped3A[%dma_start3A_46, %dma_start3A_47, %dma_start3A_48] : memref<2x128x128xf32, #tpu.memory_space<vmem>> -> memref<1x128x128xf32, #tpu.memory_space<vmem>>
        %dma_start3A_50 = tpu.memref_squeeze %dma_start3A_49 : memref<1x128x128xf32, #tpu.memory_space<vmem>> -> memref<128x128xf32, #tpu.memory_space<vmem>>
        %dma_start3A_51 = arith.constant 0 : i32
        %dma_start3A_52 = tpu.memref_slice %arg8[%dma_start3A_45, %dma_start3A_51] : memref<40x128xi32, #tpu.memory_space<vmem>> -> memref<1x128xi32, #tpu.memory_space<vmem>>
        %dma_start3A_53 = tpu.memref_squeeze %dma_start3A_52 : memref<1x128xi32, #tpu.memory_space<vmem>> -> memref<128xi32, #tpu.memory_space<vmem>>
        %dma_start3A_54 = arith.constant 0 : i32
        %dma_start3A_55 = arith.constant 0 : i32
        %dma_start3A_56 = tpu.memref_slice %arg4[%dma_start3A_54, %dma_start3A_55] : memref<10000x128xf32, #tpu.memory_space<hbm>> -> memref<10000x128xf32, #tpu.memory_space<hbm>>
        tpu.enqueue_indirect_dma source(%dma_start3A_56 : memref<10000x128xf32, #tpu.memory_space<hbm>>) target(%dma_start3A_50 : memref<128x128xf32, #tpu.memory_space<vmem>>) offsets(%dma_start3A_53 : memref<128xi32, #tpu.memory_space<vmem>>) semaphore(%arg11 : memref<!tpu.dma_semaphore, #tpu.memory_space<semaphore_mem>>)
        %dma_start3A_57 = arith.constant 1 : i32
        %dma_start3A_58 = arith.constant 1 : i32
        %dma_start3A_59 = arith.constant 0 : i32
        %dma_start3A_60 = arith.constant 0 : i32
        %dma_start3A_61 = tpu.memref_slice %run_scoped3A[%dma_start3A_58, %dma_start3A_59, %dma_start3A_60] : memref<2x128x128xf32, #tpu.memory_space<vmem>> -> memref<1x128x128xf32, #tpu.memory_space<vmem>>
        %dma_start3A_62 = tpu.memref_squeeze %dma_start3A_61 : memref<1x128x128xf32, #tpu.memory_space<vmem>> -> memref<128x128xf32, #tpu.memory_space<vmem>>
        %dma_start3A_63 = arith.constant 0 : i32
        %dma_start3A_64 = tpu.memref_slice %arg8[%dma_start3A_57, %dma_start3A_63] : memref<40x128xi32, #tpu.memory_space<vmem>> -> memref<1x128xi32, #tpu.memory_space<vmem>>
        %dma_start3A_65 = tpu.memref_squeeze %dma_start3A_64 : memref<1x128xi32, #tpu.memory_space<vmem>> -> memref<128xi32, #tpu.memory_space<vmem>>
        %dma_start3A_66 = arith.constant 0 : i32
        %dma_start3A_67 = arith.constant 0 : i32
        %dma_start3A_68 = tpu.memref_slice %arg4[%dma_start3A_66, %dma_start3A_67] : memref<10000x128xf32, #tpu.memory_space<hbm>> -> memref<10000x128xf32, #tpu.memory_space<hbm>>
        tpu.enqueue_indirect_dma source(%dma_start3A_68 : memref<10000x128xf32, #tpu.memory_space<hbm>>) target(%dma_start3A_62 : memref<128x128xf32, #tpu.memory_space<vmem>>) offsets(%dma_start3A_65 : memref<128xi32, #tpu.memory_space<vmem>>) semaphore(%arg12 : memref<!tpu.dma_semaphore, #tpu.memory_space<semaphore_mem>>)
        %scan3A_69 = arith.constant 0 : i32
        %scan3A_70 = arith.constant 20 : i32
        %scan3A_71 = arith.addi %scan3A_69, %scan3A_70 : i32
        %scan3A_72 = arith.constant 1 : i32
        scf.for %scan3A_74 = %scan3A_69 to %scan3A_71 step %scan3A_72  : i32 {
          %mul3A_75 = arith.constant 2 : i32
          %mul3A_76 = arith.muli %scan3A_74, %mul3A_75 : i32
          %add3A_77 = arith.constant 0 : i32
          %add3A_78 = arith.addi %add3A_77, %mul3A_76 : i32
          %dma_wait3A = arith.constant 0 : i32
          %dma_wait3A_79 = arith.constant 0 : i32
          %dma_wait3A_80 = arith.constant 0 : i32
          %dma_wait3A_81 = arith.constant 0 : i32
          %dma_wait3A_82 = tpu.memref_slice %run_scoped3A[%dma_wait3A_79, %dma_wait3A_80, %dma_wait3A_81] : memref<2x128x128xf32, #tpu.memory_space<vmem>> -> memref<1x128x128xf32, #tpu.memory_space<vmem>>
          %dma_wait3A_83 = tpu.memref_squeeze %dma_wait3A_82 : memref<1x128x128xf32, #tpu.memory_space<vmem>> -> memref<128x128xf32, #tpu.memory_space<vmem>>
          %dma_wait3A_84 = arith.constant 0 : i32
          %dma_wait3A_85 = tpu.memref_slice %arg8[%dma_wait3A, %dma_wait3A_84] : memref<40x128xi32, #tpu.memory_space<vmem>> -> memref<1x128xi32, #tpu.memory_space<vmem>>
          %dma_wait3A_86 = tpu.memref_squeeze %dma_wait3A_85 : memref<1x128xi32, #tpu.memory_space<vmem>> -> memref<128xi32, #tpu.memory_space<vmem>>
          %dma_wait3A_87 = arith.constant 0 : i32
          %dma_wait3A_88 = arith.constant 0 : i32
          %dma_wait3A_89 = tpu.memref_slice %arg4[%dma_wait3A_87, %dma_wait3A_88] : memref<10000x128xf32, #tpu.memory_space<hbm>> -> memref<10000x128xf32, #tpu.memory_space<hbm>>
          tpu.wait_indirect_dma semaphore(%arg11 : memref<!tpu.dma_semaphore, #tpu.memory_space<semaphore_mem>>) src(%dma_wait3A_89 : memref<10000x128xf32, #tpu.memory_space<hbm>>) dst(%dma_wait3A_83 : memref<128x128xf32, #tpu.memory_space<vmem>>)
          %add3A_90 = arith.constant 0 : i32
          %add3A_91 = arith.addi %add3A_78, %add3A_90 : i32
          %run_scoped3A_92 = arith.constant 0 : i32
          "tpu.region"() ({
            %run_scoped3A_125 = tpu.sem_alloc : memref<!tpu.dma_semaphore, #tpu.memory_space<semaphore_mem>>
            %dma_start3A_126 = arith.constant 0 : i32
            %dma_start3A_127 = arith.constant 0 : i32
            %dma_start3A_128 = tpu.memref_slice %run_scoped3A[%run_scoped3A_92, %dma_start3A_126, %dma_start3A_127] : memref<2x128x128xf32, #tpu.memory_space<vmem>> -> memref<1x128x128xf32, #tpu.memory_space<vmem>>
            %dma_start3A_129 = tpu.memref_squeeze %dma_start3A_128 : memref<1x128x128xf32, #tpu.memory_space<vmem>> -> memref<128x128xf32, #tpu.memory_space<vmem>>
            %dma_start3A_130 = arith.constant 0 : i32
            %dma_start3A_131 = tpu.memref_slice %arg9[%add3A_91, %dma_start3A_130] : memref<40x128xi32, #tpu.memory_space<vmem>> -> memref<1x128xi32, #tpu.memory_space<vmem>>
            %dma_start3A_132 = tpu.memref_squeeze %dma_start3A_131 : memref<1x128xi32, #tpu.memory_space<vmem>> -> memref<128xi32, #tpu.memory_space<vmem>>
            %dma_start3A_133 = arith.constant 0 : i32
            %dma_start3A_134 = arith.constant 0 : i32
            %dma_start3A_135 = tpu.memref_slice %arg10[%dma_start3A_133, %dma_start3A_134] : memref<10240x128xf32, #tpu.memory_space<vmem_shared>> -> memref<10240x128xf32, #tpu.memory_space<vmem_shared>>
            tpu.enqueue_indirect_dma source(%dma_start3A_129 : memref<128x128xf32, #tpu.memory_space<vmem>>) target(%dma_start3A_135 : memref<10240x128xf32, #tpu.memory_space<vmem_shared>>) offsets(%dma_start3A_132 : memref<128xi32, #tpu.memory_space<vmem>>) semaphore(%run_scoped3A_125 : memref<!tpu.dma_semaphore, #tpu.memory_space<semaphore_mem>>) {add = true}
            %dma_wait3A_136 = arith.constant 0 : i32
            %dma_wait3A_137 = arith.constant 0 : i32
            %dma_wait3A_138 = tpu.memref_slice %run_scoped3A[%run_scoped3A_92, %dma_wait3A_136, %dma_wait3A_137] : memref<2x128x128xf32, #tpu.memory_space<vmem>> -> memref<1x128x128xf32, #tpu.memory_space<vmem>>
            %dma_wait3A_139 = tpu.memref_squeeze %dma_wait3A_138 : memref<1x128x128xf32, #tpu.memory_space<vmem>> -> memref<128x128xf32, #tpu.memory_space<vmem>>
            %dma_wait3A_140 = arith.constant 0 : i32
            %dma_wait3A_141 = tpu.memref_slice %arg9[%add3A_91, %dma_wait3A_140] : memref<40x128xi32, #tpu.memory_space<vmem>> -> memref<1x128xi32, #tpu.memory_space<vmem>>
            %dma_wait3A_142 = tpu.memref_squeeze %dma_wait3A_141 : memref<1x128xi32, #tpu.memory_space<vmem>> -> memref<128xi32, #tpu.memory_space<vmem>>
            %dma_wait3A_143 = arith.constant 0 : i32
            %dma_wait3A_144 = arith.constant 0 : i32
            %dma_wait3A_145 = tpu.memref_slice %arg10[%dma_wait3A_143, %dma_wait3A_144] : memref<10240x128xf32, #tpu.memory_space<vmem_shared>> -> memref<10240x128xf32, #tpu.memory_space<vmem_shared>>
            tpu.wait_indirect_dma semaphore(%run_scoped3A_125 : memref<!tpu.dma_semaphore, #tpu.memory_space<semaphore_mem>>) src(%dma_wait3A_139 : memref<128x128xf32, #tpu.memory_space<vmem>>) dst(%dma_wait3A_145 : memref<10240x128xf32, #tpu.memory_space<vmem_shared>>)
            tpu.yield
          }) : () -> ()
          %add3A_93 = arith.constant 0 : i32
          %add3A_94 = arith.addi %add3A_78, %add3A_93 : i32
          %add3A_95 = arith.constant 2 : i32
          %add3A_96 = arith.addi %add3A_94, %add3A_95 : i32
          %lt3A = arith.constant 40 : i32
          %lt3A_97 = arith.cmpi slt, %add3A_96, %lt3A : i32
          %convert_element_type3A_98 = arith.extui %lt3A_97 : i1 to i32
          %cond3A_99 = arith.constant 0 : i32
          %cond3A_100 = arith.cmpi ne, %convert_element_type3A_98, %cond3A_99 : i32
          scf.if %cond3A_100 {
            %dma_start3A_125 = arith.constant 0 : i32
            %dma_start3A_126 = arith.constant 0 : i32
            %dma_start3A_127 = arith.constant 0 : i32
            %dma_start3A_128 = tpu.memref_slice %run_scoped3A[%dma_start3A_125, %dma_start3A_126, %dma_start3A_127] : memref<2x128x128xf32, #tpu.memory_space<vmem>> -> memref<1x128x128xf32, #tpu.memory_space<vmem>>
            %dma_start3A_129 = tpu.memref_squeeze %dma_start3A_128 : memref<1x128x128xf32, #tpu.memory_space<vmem>> -> memref<128x128xf32, #tpu.memory_space<vmem>>
            %dma_start3A_130 = arith.constant 0 : i32
            %dma_start3A_131 = tpu.memref_slice %arg8[%add3A_96, %dma_start3A_130] : memref<40x128xi32, #tpu.memory_space<vmem>> -> memref<1x128xi32, #tpu.memory_space<vmem>>
            %dma_start3A_132 = tpu.memref_squeeze %dma_start3A_131 : memref<1x128xi32, #tpu.memory_space<vmem>> -> memref<128xi32, #tpu.memory_space<vmem>>
            %dma_start3A_133 = arith.constant 0 : i32
            %dma_start3A_134 = arith.constant 0 : i32
            %dma_start3A_135 = tpu.memref_slice %arg4[%dma_start3A_133, %dma_start3A_134] : memref<10000x128xf32, #tpu.memory_space<hbm>> -> memref<10000x128xf32, #tpu.memory_space<hbm>>
            tpu.enqueue_indirect_dma source(%dma_start3A_135 : memref<10000x128xf32, #tpu.memory_space<hbm>>) target(%dma_start3A_129 : memref<128x128xf32, #tpu.memory_space<vmem>>) offsets(%dma_start3A_132 : memref<128xi32, #tpu.memory_space<vmem>>) semaphore(%arg11 : memref<!tpu.dma_semaphore, #tpu.memory_space<semaphore_mem>>)
          } else {
          }
          %dma_wait3A_101 = arith.constant 0 : i32
          %dma_wait3A_102 = arith.constant 1 : i32
          %dma_wait3A_103 = arith.constant 0 : i32
          %dma_wait3A_104 = arith.constant 0 : i32
          %dma_wait3A_105 = tpu.memref_slice %run_scoped3A[%dma_wait3A_102, %dma_wait3A_103, %dma_wait3A_104] : memref<2x128x128xf32, #tpu.memory_space<vmem>> -> memref<1x128x128xf32, #tpu.memory_space<vmem>>
          %dma_wait3A_106 = tpu.memref_squeeze %dma_wait3A_105 : memref<1x128x128xf32, #tpu.memory_space<vmem>> -> memref<128x128xf32, #tpu.memory_space<vmem>>
          %dma_wait3A_107 = arith.constant 0 : i32
          %dma_wait3A_108 = tpu.memref_slice %arg8[%dma_wait3A_101, %dma_wait3A_107] : memref<40x128xi32, #tpu.memory_space<vmem>> -> memref<1x128xi32, #tpu.memory_space<vmem>>
          %dma_wait3A_109 = tpu.memref_squeeze %dma_wait3A_108 : memref<1x128xi32, #tpu.memory_space<vmem>> -> memref<128xi32, #tpu.memory_space<vmem>>
          %dma_wait3A_110 = arith.constant 0 : i32
          %dma_wait3A_111 = arith.constant 0 : i32
          %dma_wait3A_112 = tpu.memref_slice %arg4[%dma_wait3A_110, %dma_wait3A_111] : memref<10000x128xf32, #tpu.memory_space<hbm>> -> memref<10000x128xf32, #tpu.memory_space<hbm>>
          tpu.wait_indirect_dma semaphore(%arg12 : memref<!tpu.dma_semaphore, #tpu.memory_space<semaphore_mem>>) src(%dma_wait3A_112 : memref<10000x128xf32, #tpu.memory_space<hbm>>) dst(%dma_wait3A_106 : memref<128x128xf32, #tpu.memory_space<vmem>>)
          %add3A_113 = arith.constant 1 : i32
          %add3A_114 = arith.addi %add3A_78, %add3A_113 : i32
          %run_scoped3A_115 = arith.constant 1 : i32
          "tpu.region"() ({
            %run_scoped3A_125 = tpu.sem_alloc : memref<!tpu.dma_semaphore, #tpu.memory_space<semaphore_mem>>
            %dma_start3A_126 = arith.constant 0 : i32
            %dma_start3A_127 = arith.constant 0 : i32
            %dma_start3A_128 = tpu.memref_slice %run_scoped3A[%run_scoped3A_115, %dma_start3A_126, %dma_start3A_127] : memref<2x128x128xf32, #tpu.memory_space<vmem>> -> memref<1x128x128xf32, #tpu.memory_space<vmem>>
            %dma_start3A_129 = tpu.memref_squeeze %dma_start3A_128 : memref<1x128x128xf32, #tpu.memory_space<vmem>> -> memref<128x128xf32, #tpu.memory_space<vmem>>
            %dma_start3A_130 = arith.constant 0 : i32
            %dma_start3A_131 = tpu.memref_slice %arg9[%add3A_114, %dma_start3A_130] : memref<40x128xi32, #tpu.memory_space<vmem>> -> memref<1x128xi32, #tpu.memory_space<vmem>>
            %dma_start3A_132 = tpu.memref_squeeze %dma_start3A_131 : memref<1x128xi32, #tpu.memory_space<vmem>> -> memref<128xi32, #tpu.memory_space<vmem>>
            %dma_start3A_133 = arith.constant 0 : i32
            %dma_start3A_134 = arith.constant 0 : i32
            %dma_start3A_135 = tpu.memref_slice %arg10[%dma_start3A_133, %dma_start3A_134] : memref<10240x128xf32, #tpu.memory_space<vmem_shared>> -> memref<10240x128xf32, #tpu.memory_space<vmem_shared>>
            tpu.enqueue_indirect_dma source(%dma_start3A_129 : memref<128x128xf32, #tpu.memory_space<vmem>>) target(%dma_start3A_135 : memref<10240x128xf32, #tpu.memory_space<vmem_shared>>) offsets(%dma_start3A_132 : memref<128xi32, #tpu.memory_space<vmem>>) semaphore(%run_scoped3A_125 : memref<!tpu.dma_semaphore, #tpu.memory_space<semaphore_mem>>) {add = true}
            %dma_wait3A_136 = arith.constant 0 : i32
            %dma_wait3A_137 = arith.constant 0 : i32
            %dma_wait3A_138 = tpu.memref_slice %run_scoped3A[%run_scoped3A_115, %dma_wait3A_136, %dma_wait3A_137] : memref<2x128x128xf32, #tpu.memory_space<vmem>> -> memref<1x128x128xf32, #tpu.memory_space<vmem>>
            %dma_wait3A_139 = tpu.memref_squeeze %dma_wait3A_138 : memref<1x128x128xf32, #tpu.memory_space<vmem>> -> memref<128x128xf32, #tpu.memory_space<vmem>>
            %dma_wait3A_140 = arith.constant 0 : i32
            %dma_wait3A_141 = tpu.memref_slice %arg9[%add3A_114, %dma_wait3A_140] : memref<40x128xi32, #tpu.memory_space<vmem>> -> memref<1x128xi32, #tpu.memory_space<vmem>>
            %dma_wait3A_142 = tpu.memref_squeeze %dma_wait3A_141 : memref<1x128xi32, #tpu.memory_space<vmem>> -> memref<128xi32, #tpu.memory_space<vmem>>
            %dma_wait3A_143 = arith.constant 0 : i32
            %dma_wait3A_144 = arith.constant 0 : i32
            %dma_wait3A_145 = tpu.memref_slice %arg10[%dma_wait3A_143, %dma_wait3A_144] : memref<10240x128xf32, #tpu.memory_space<vmem_shared>> -> memref<10240x128xf32, #tpu.memory_space<vmem_shared>>
            tpu.wait_indirect_dma semaphore(%run_scoped3A_125 : memref<!tpu.dma_semaphore, #tpu.memory_space<semaphore_mem>>) src(%dma_wait3A_139 : memref<128x128xf32, #tpu.memory_space<vmem>>) dst(%dma_wait3A_145 : memref<10240x128xf32, #tpu.memory_space<vmem_shared>>)
            tpu.yield
          }) : () -> ()
          %add3A_116 = arith.constant 1 : i32
          %add3A_117 = arith.addi %add3A_78, %add3A_116 : i32
          %add3A_118 = arith.constant 2 : i32
          %add3A_119 = arith.addi %add3A_117, %add3A_118 : i32
          %lt3A_120 = arith.constant 40 : i32
          %lt3A_121 = arith.cmpi slt, %add3A_119, %lt3A_120 : i32
          %convert_element_type3A_122 = arith.extui %lt3A_121 : i1 to i32
          %cond3A_123 = arith.constant 0 : i32
          %cond3A_124 = arith.cmpi ne, %convert_element_type3A_122, %cond3A_123 : i32
          scf.if %cond3A_124 {
            %dma_start3A_125 = arith.constant 1 : i32
            %dma_start3A_126 = arith.constant 0 : i32
            %dma_start3A_127 = arith.constant 0 : i32
            %dma_start3A_128 = tpu.memref_slice %run_scoped3A[%dma_start3A_125, %dma_start3A_126, %dma_start3A_127] : memref<2x128x128xf32, #tpu.memory_space<vmem>> -> memref<1x128x128xf32, #tpu.memory_space<vmem>>
            %dma_start3A_129 = tpu.memref_squeeze %dma_start3A_128 : memref<1x128x128xf32, #tpu.memory_space<vmem>> -> memref<128x128xf32, #tpu.memory_space<vmem>>
            %dma_start3A_130 = arith.constant 0 : i32
            %dma_start3A_131 = tpu.memref_slice %arg8[%add3A_119, %dma_start3A_130] : memref<40x128xi32, #tpu.memory_space<vmem>> -> memref<1x128xi32, #tpu.memory_space<vmem>>
            %dma_start3A_132 = tpu.memref_squeeze %dma_start3A_131 : memref<1x128xi32, #tpu.memory_space<vmem>> -> memref<128xi32, #tpu.memory_space<vmem>>
            %dma_start3A_133 = arith.constant 0 : i32
            %dma_start3A_134 = arith.constant 0 : i32
            %dma_start3A_135 = tpu.memref_slice %arg4[%dma_start3A_133, %dma_start3A_134] : memref<10000x128xf32, #tpu.memory_space<hbm>> -> memref<10000x128xf32, #tpu.memory_space<hbm>>
            tpu.enqueue_indirect_dma source(%dma_start3A_135 : memref<10000x128xf32, #tpu.memory_space<hbm>>) target(%dma_start3A_129 : memref<128x128xf32, #tpu.memory_space<vmem>>) offsets(%dma_start3A_132 : memref<128xi32, #tpu.memory_space<vmem>>) semaphore(%arg12 : memref<!tpu.dma_semaphore, #tpu.memory_space<semaphore_mem>>)
          } else {
          }
        }
        %scan3A_73 = arith.constant 20 : i32
      } else {
      }
      %ne3A = arith.constant 0 : i32
      %ne3A_8 = arith.cmpi ne, %arg0, %ne3A : i32
      %convert_element_type3A_9 = arith.extui %ne3A_8 : i1 to i32
      %cond3A_10 = arith.constant 0 : i32
      %cond3A_11 = arith.cmpi ne, %convert_element_type3A_9, %cond3A_10 : i32
      scf.if %cond3A_11 {
        %mul3A_12 = arith.constant 80 : i32
        %mul3A_13 = arith.muli %arg1, %mul3A_12 : i32
        %add3A = arith.constant 1280 : i32
        %add3A_14 = arith.addi %add3A, %mul3A_13 : i32
        %add3A_15 = arith.constant 0 : i32
        %add3A_16 = arith.addi %add3A_14, %add3A_15 : i32
        "tpu.region"() ({
          %run_scoped3A_76 = tpu.sem_alloc : memref<!tpu.dma_semaphore, #tpu.memory_space<semaphore_mem>>
          %dma_start3A_77 = arith.constant 0 : i32
          %dma_start3A_78 = arith.constant 0 : i32
          %dma_start3A_79 = tpu.memref_slice %arg8[%dma_start3A_77, %dma_start3A_78] : memref<40x128xi32, #tpu.memory_space<vmem>> -> memref<40x128xi32, #tpu.memory_space<vmem>>
          %dma_start3A_80 = arith.constant 0 : i32
          %dma_start3A_81 = tpu.memref_slice %arg2[%add3A_16, %dma_start3A_80] : memref<2560x128xi32, #tpu.memory_space<hbm>> -> memref<40x128xi32, #tpu.memory_space<hbm>>
          %dma_start3A_82 = arith.constant 0 : i32
          %dma_start3A_83 = arith.constant 0 : i32
          %dma_start3A_84 = tpu.memref_slice %arg8[%dma_start3A_82, %dma_start3A_83] : memref<40x128xi32, #tpu.memory_space<vmem>> -> memref<40x128xi32, #tpu.memory_space<vmem>>
          %dma_start3A_85 = arith.constant 0 : i32
          %dma_start3A_86 = tpu.memref_slice %arg2[%add3A_16, %dma_start3A_85] : memref<2560x128xi32, #tpu.memory_space<hbm>> -> memref<40x128xi32, #tpu.memory_space<hbm>>
          tpu.enqueue_dma source(%dma_start3A_86 : memref<40x128xi32, #tpu.memory_space<hbm>>) target(%dma_start3A_84 : memref<40x128xi32, #tpu.memory_space<vmem>>) target_semaphore(%run_scoped3A_76 : memref<!tpu.dma_semaphore, #tpu.memory_space<semaphore_mem>>)
          %dma_wait3A = arith.constant 0 : i32
          %dma_wait3A_87 = arith.constant 0 : i32
          %dma_wait3A_88 = tpu.memref_slice %arg8[%dma_wait3A, %dma_wait3A_87] : memref<40x128xi32, #tpu.memory_space<vmem>> -> memref<40x128xi32, #tpu.memory_space<vmem>>
          %dma_wait3A_89 = arith.constant 0 : i32
          %dma_wait3A_90 = tpu.memref_slice %arg2[%add3A_16, %dma_wait3A_89] : memref<2560x128xi32, #tpu.memory_space<hbm>> -> memref<40x128xi32, #tpu.memory_space<hbm>>
          %dma_wait3A_91 = arith.constant 0 : i32
          %dma_wait3A_92 = arith.constant 0 : i32
          %dma_wait3A_93 = tpu.memref_slice %arg8[%dma_wait3A_91, %dma_wait3A_92] : memref<40x128xi32, #tpu.memory_space<vmem>> -> memref<40x128xi32, #tpu.memory_space<vmem>>
          %dma_wait3A_94 = arith.constant 0 : i32
          %dma_wait3A_95 = tpu.memref_slice %arg2[%add3A_16, %dma_wait3A_94] : memref<2560x128xi32, #tpu.memory_space<hbm>> -> memref<40x128xi32, #tpu.memory_space<hbm>>
          tpu.wait_dma2 semaphore(%run_scoped3A_76 : memref<!tpu.dma_semaphore, #tpu.memory_space<semaphore_mem>>) src(%dma_wait3A_95 : memref<40x128xi32, #tpu.memory_space<hbm>>) dst(%dma_wait3A_93 : memref<40x128xi32, #tpu.memory_space<vmem>>)
          tpu.yield
        }) : () -> ()
        "tpu.region"() ({
          %run_scoped3A_76 = tpu.sem_alloc : memref<!tpu.dma_semaphore, #tpu.memory_space<semaphore_mem>>
          %dma_start3A_77 = arith.constant 0 : i32
          %dma_start3A_78 = arith.constant 0 : i32
          %dma_start3A_79 = tpu.memref_slice %arg9[%dma_start3A_77, %dma_start3A_78] : memref<40x128xi32, #tpu.memory_space<vmem>> -> memref<40x128xi32, #tpu.memory_space<vmem>>
          %dma_start3A_80 = arith.constant 0 : i32
          %dma_start3A_81 = tpu.memref_slice %arg3[%add3A_16, %dma_start3A_80] : memref<2560x128xi32, #tpu.memory_space<hbm>> -> memref<40x128xi32, #tpu.memory_space<hbm>>
          %dma_start3A_82 = arith.constant 0 : i32
          %dma_start3A_83 = arith.constant 0 : i32
          %dma_start3A_84 = tpu.memref_slice %arg9[%dma_start3A_82, %dma_start3A_83] : memref<40x128xi32, #tpu.memory_space<vmem>> -> memref<40x128xi32, #tpu.memory_space<vmem>>
          %dma_start3A_85 = arith.constant 0 : i32
          %dma_start3A_86 = tpu.memref_slice %arg3[%add3A_16, %dma_start3A_85] : memref<2560x128xi32, #tpu.memory_space<hbm>> -> memref<40x128xi32, #tpu.memory_space<hbm>>
          tpu.enqueue_dma source(%dma_start3A_86 : memref<40x128xi32, #tpu.memory_space<hbm>>) target(%dma_start3A_84 : memref<40x128xi32, #tpu.memory_space<vmem>>) target_semaphore(%run_scoped3A_76 : memref<!tpu.dma_semaphore, #tpu.memory_space<semaphore_mem>>)
          %dma_wait3A = arith.constant 0 : i32
          %dma_wait3A_87 = arith.constant 0 : i32
          %dma_wait3A_88 = tpu.memref_slice %arg9[%dma_wait3A, %dma_wait3A_87] : memref<40x128xi32, #tpu.memory_space<vmem>> -> memref<40x128xi32, #tpu.memory_space<vmem>>
          %dma_wait3A_89 = arith.constant 0 : i32
          %dma_wait3A_90 = tpu.memref_slice %arg3[%add3A_16, %dma_wait3A_89] : memref<2560x128xi32, #tpu.memory_space<hbm>> -> memref<40x128xi32, #tpu.memory_space<hbm>>
          %dma_wait3A_91 = arith.constant 0 : i32
          %dma_wait3A_92 = arith.constant 0 : i32
          %dma_wait3A_93 = tpu.memref_slice %arg9[%dma_wait3A_91, %dma_wait3A_92] : memref<40x128xi32, #tpu.memory_space<vmem>> -> memref<40x128xi32, #tpu.memory_space<vmem>>
          %dma_wait3A_94 = arith.constant 0 : i32
          %dma_wait3A_95 = tpu.memref_slice %arg3[%add3A_16, %dma_wait3A_94] : memref<2560x128xi32, #tpu.memory_space<hbm>> -> memref<40x128xi32, #tpu.memory_space<hbm>>
          tpu.wait_dma2 semaphore(%run_scoped3A_76 : memref<!tpu.dma_semaphore, #tpu.memory_space<semaphore_mem>>) src(%dma_wait3A_95 : memref<40x128xi32, #tpu.memory_space<hbm>>) dst(%dma_wait3A_93 : memref<40x128xi32, #tpu.memory_space<vmem>>)
          tpu.yield
        }) : () -> ()
        %dma_start3A = arith.constant 0 : i32
        %dma_start3A_17 = arith.constant 0 : i32
        %dma_start3A_18 = arith.constant 0 : i32
        %dma_start3A_19 = arith.constant 0 : i32
        %dma_start3A_20 = tpu.memref_slice %run_scoped3A[%dma_start3A_17, %dma_start3A_18, %dma_start3A_19] : memref<2x128x128xf32, #tpu.memory_space<vmem>> -> memref<1x128x128xf32, #tpu.memory_space<vmem>>
        %dma_start3A_21 = tpu.memref_squeeze %dma_start3A_20 : memref<1x128x128xf32, #tpu.memory_space<vmem>> -> memref<128x128xf32, #tpu.memory_space<vmem>>
        %dma_start3A_22 = arith.constant 0 : i32
        %dma_start3A_23 = tpu.memref_slice %arg8[%dma_start3A, %dma_start3A_22] : memref<40x128xi32, #tpu.memory_space<vmem>> -> memref<1x128xi32, #tpu.memory_space<vmem>>
        %dma_start3A_24 = tpu.memref_squeeze %dma_start3A_23 : memref<1x128xi32, #tpu.memory_space<vmem>> -> memref<128xi32, #tpu.memory_space<vmem>>
        %dma_start3A_25 = arith.constant 0 : i32
        %dma_start3A_26 = arith.constant 0 : i32
        %dma_start3A_27 = tpu.memref_slice %arg4[%dma_start3A_25, %dma_start3A_26] : memref<10000x128xf32, #tpu.memory_space<hbm>> -> memref<10000x128xf32, #tpu.memory_space<hbm>>
        tpu.enqueue_indirect_dma source(%dma_start3A_27 : memref<10000x128xf32, #tpu.memory_space<hbm>>) target(%dma_start3A_21 : memref<128x128xf32, #tpu.memory_space<vmem>>) offsets(%dma_start3A_24 : memref<128xi32, #tpu.memory_space<vmem>>) semaphore(%arg11 : memref<!tpu.dma_semaphore, #tpu.memory_space<semaphore_mem>>)
        %dma_start3A_28 = arith.constant 1 : i32
        %dma_start3A_29 = arith.constant 1 : i32
        %dma_start3A_30 = arith.constant 0 : i32
        %dma_start3A_31 = arith.constant 0 : i32
        %dma_start3A_32 = tpu.memref_slice %run_scoped3A[%dma_start3A_29, %dma_start3A_30, %dma_start3A_31] : memref<2x128x128xf32, #tpu.memory_space<vmem>> -> memref<1x128x128xf32, #tpu.memory_space<vmem>>
        %dma_start3A_33 = tpu.memref_squeeze %dma_start3A_32 : memref<1x128x128xf32, #tpu.memory_space<vmem>> -> memref<128x128xf32, #tpu.memory_space<vmem>>
        %dma_start3A_34 = arith.constant 0 : i32
        %dma_start3A_35 = tpu.memref_slice %arg8[%dma_start3A_28, %dma_start3A_34] : memref<40x128xi32, #tpu.memory_space<vmem>> -> memref<1x128xi32, #tpu.memory_space<vmem>>
        %dma_start3A_36 = tpu.memref_squeeze %dma_start3A_35 : memref<1x128xi32, #tpu.memory_space<vmem>> -> memref<128xi32, #tpu.memory_space<vmem>>
        %dma_start3A_37 = arith.constant 0 : i32
        %dma_start3A_38 = arith.constant 0 : i32
        %dma_start3A_39 = tpu.memref_slice %arg4[%dma_start3A_37, %dma_start3A_38] : memref<10000x128xf32, #tpu.memory_space<hbm>> -> memref<10000x128xf32, #tpu.memory_space<hbm>>
        tpu.enqueue_indirect_dma source(%dma_start3A_39 : memref<10000x128xf32, #tpu.memory_space<hbm>>) target(%dma_start3A_33 : memref<128x128xf32, #tpu.memory_space<vmem>>) offsets(%dma_start3A_36 : memref<128xi32, #tpu.memory_space<vmem>>) semaphore(%arg12 : memref<!tpu.dma_semaphore, #tpu.memory_space<semaphore_mem>>)
        %scan3A_40 = arith.constant 0 : i32
        %scan3A_41 = arith.constant 20 : i32
        %scan3A_42 = arith.addi %scan3A_40, %scan3A_41 : i32
        %scan3A_43 = arith.constant 1 : i32
        scf.for %scan3A_76 = %scan3A_40 to %scan3A_42 step %scan3A_43  : i32 {
          %mul3A_77 = arith.constant 2 : i32
          %mul3A_78 = arith.muli %scan3A_76, %mul3A_77 : i32
          %add3A_79 = arith.constant 0 : i32
          %add3A_80 = arith.addi %add3A_79, %mul3A_78 : i32
          %dma_wait3A = arith.constant 0 : i32
          %dma_wait3A_81 = arith.constant 0 : i32
          %dma_wait3A_82 = arith.constant 0 : i32
          %dma_wait3A_83 = arith.constant 0 : i32
          %dma_wait3A_84 = tpu.memref_slice %run_scoped3A[%dma_wait3A_81, %dma_wait3A_82, %dma_wait3A_83] : memref<2x128x128xf32, #tpu.memory_space<vmem>> -> memref<1x128x128xf32, #tpu.memory_space<vmem>>
          %dma_wait3A_85 = tpu.memref_squeeze %dma_wait3A_84 : memref<1x128x128xf32, #tpu.memory_space<vmem>> -> memref<128x128xf32, #tpu.memory_space<vmem>>
          %dma_wait3A_86 = arith.constant 0 : i32
          %dma_wait3A_87 = tpu.memref_slice %arg8[%dma_wait3A, %dma_wait3A_86] : memref<40x128xi32, #tpu.memory_space<vmem>> -> memref<1x128xi32, #tpu.memory_space<vmem>>
          %dma_wait3A_88 = tpu.memref_squeeze %dma_wait3A_87 : memref<1x128xi32, #tpu.memory_space<vmem>> -> memref<128xi32, #tpu.memory_space<vmem>>
          %dma_wait3A_89 = arith.constant 0 : i32
          %dma_wait3A_90 = arith.constant 0 : i32
          %dma_wait3A_91 = tpu.memref_slice %arg4[%dma_wait3A_89, %dma_wait3A_90] : memref<10000x128xf32, #tpu.memory_space<hbm>> -> memref<10000x128xf32, #tpu.memory_space<hbm>>
          tpu.wait_indirect_dma semaphore(%arg11 : memref<!tpu.dma_semaphore, #tpu.memory_space<semaphore_mem>>) src(%dma_wait3A_91 : memref<10000x128xf32, #tpu.memory_space<hbm>>) dst(%dma_wait3A_85 : memref<128x128xf32, #tpu.memory_space<vmem>>)
          %add3A_92 = arith.constant 0 : i32
          %add3A_93 = arith.addi %add3A_80, %add3A_92 : i32
          %run_scoped3A_94 = arith.constant 0 : i32
          "tpu.region"() ({
            %run_scoped3A_127 = tpu.sem_alloc : memref<!tpu.dma_semaphore, #tpu.memory_space<semaphore_mem>>
            %dma_start3A_128 = arith.constant 0 : i32
            %dma_start3A_129 = arith.constant 0 : i32
            %dma_start3A_130 = tpu.memref_slice %run_scoped3A[%run_scoped3A_94, %dma_start3A_128, %dma_start3A_129] : memref<2x128x128xf32, #tpu.memory_space<vmem>> -> memref<1x128x128xf32, #tpu.memory_space<vmem>>
            %dma_start3A_131 = tpu.memref_squeeze %dma_start3A_130 : memref<1x128x128xf32, #tpu.memory_space<vmem>> -> memref<128x128xf32, #tpu.memory_space<vmem>>
            %dma_start3A_132 = arith.constant 0 : i32
            %dma_start3A_133 = tpu.memref_slice %arg9[%add3A_93, %dma_start3A_132] : memref<40x128xi32, #tpu.memory_space<vmem>> -> memref<1x128xi32, #tpu.memory_space<vmem>>
            %dma_start3A_134 = tpu.memref_squeeze %dma_start3A_133 : memref<1x128xi32, #tpu.memory_space<vmem>> -> memref<128xi32, #tpu.memory_space<vmem>>
            %dma_start3A_135 = arith.constant 0 : i32
            %dma_start3A_136 = arith.constant 0 : i32
            %dma_start3A_137 = tpu.memref_slice %arg10[%dma_start3A_135, %dma_start3A_136] : memref<10240x128xf32, #tpu.memory_space<vmem_shared>> -> memref<10240x128xf32, #tpu.memory_space<vmem_shared>>
            tpu.enqueue_indirect_dma source(%dma_start3A_131 : memref<128x128xf32, #tpu.memory_space<vmem>>) target(%dma_start3A_137 : memref<10240x128xf32, #tpu.memory_space<vmem_shared>>) offsets(%dma_start3A_134 : memref<128xi32, #tpu.memory_space<vmem>>) semaphore(%run_scoped3A_127 : memref<!tpu.dma_semaphore, #tpu.memory_space<semaphore_mem>>) {add = true}
            %dma_wait3A_138 = arith.constant 0 : i32
            %dma_wait3A_139 = arith.constant 0 : i32
            %dma_wait3A_140 = tpu.memref_slice %run_scoped3A[%run_scoped3A_94, %dma_wait3A_138, %dma_wait3A_139] : memref<2x128x128xf32, #tpu.memory_space<vmem>> -> memref<1x128x128xf32, #tpu.memory_space<vmem>>
            %dma_wait3A_141 = tpu.memref_squeeze %dma_wait3A_140 : memref<1x128x128xf32, #tpu.memory_space<vmem>> -> memref<128x128xf32, #tpu.memory_space<vmem>>
            %dma_wait3A_142 = arith.constant 0 : i32
            %dma_wait3A_143 = tpu.memref_slice %arg9[%add3A_93, %dma_wait3A_142] : memref<40x128xi32, #tpu.memory_space<vmem>> -> memref<1x128xi32, #tpu.memory_space<vmem>>
            %dma_wait3A_144 = tpu.memref_squeeze %dma_wait3A_143 : memref<1x128xi32, #tpu.memory_space<vmem>> -> memref<128xi32, #tpu.memory_space<vmem>>
            %dma_wait3A_145 = arith.constant 0 : i32
            %dma_wait3A_146 = arith.constant 0 : i32
            %dma_wait3A_147 = tpu.memref_slice %arg10[%dma_wait3A_145, %dma_wait3A_146] : memref<10240x128xf32, #tpu.memory_space<vmem_shared>> -> memref<10240x128xf32, #tpu.memory_space<vmem_shared>>
            tpu.wait_indirect_dma semaphore(%run_scoped3A_127 : memref<!tpu.dma_semaphore, #tpu.memory_space<semaphore_mem>>) src(%dma_wait3A_141 : memref<128x128xf32, #tpu.memory_space<vmem>>) dst(%dma_wait3A_147 : memref<10240x128xf32, #tpu.memory_space<vmem_shared>>)
            tpu.yield
          }) : () -> ()
          %add3A_95 = arith.constant 0 : i32
          %add3A_96 = arith.addi %add3A_80, %add3A_95 : i32
          %add3A_97 = arith.constant 2 : i32
          %add3A_98 = arith.addi %add3A_96, %add3A_97 : i32
          %lt3A = arith.constant 40 : i32
          %lt3A_99 = arith.cmpi slt, %add3A_98, %lt3A : i32
          %convert_element_type3A_100 = arith.extui %lt3A_99 : i1 to i32
          %cond3A_101 = arith.constant 0 : i32
          %cond3A_102 = arith.cmpi ne, %convert_element_type3A_100, %cond3A_101 : i32
          scf.if %cond3A_102 {
            %dma_start3A_127 = arith.constant 0 : i32
            %dma_start3A_128 = arith.constant 0 : i32
            %dma_start3A_129 = arith.constant 0 : i32
            %dma_start3A_130 = tpu.memref_slice %run_scoped3A[%dma_start3A_127, %dma_start3A_128, %dma_start3A_129] : memref<2x128x128xf32, #tpu.memory_space<vmem>> -> memref<1x128x128xf32, #tpu.memory_space<vmem>>
            %dma_start3A_131 = tpu.memref_squeeze %dma_start3A_130 : memref<1x128x128xf32, #tpu.memory_space<vmem>> -> memref<128x128xf32, #tpu.memory_space<vmem>>
            %dma_start3A_132 = arith.constant 0 : i32
            %dma_start3A_133 = tpu.memref_slice %arg8[%add3A_98, %dma_start3A_132] : memref<40x128xi32, #tpu.memory_space<vmem>> -> memref<1x128xi32, #tpu.memory_space<vmem>>
            %dma_start3A_134 = tpu.memref_squeeze %dma_start3A_133 : memref<1x128xi32, #tpu.memory_space<vmem>> -> memref<128xi32, #tpu.memory_space<vmem>>
            %dma_start3A_135 = arith.constant 0 : i32
            %dma_start3A_136 = arith.constant 0 : i32
            %dma_start3A_137 = tpu.memref_slice %arg4[%dma_start3A_135, %dma_start3A_136] : memref<10000x128xf32, #tpu.memory_space<hbm>> -> memref<10000x128xf32, #tpu.memory_space<hbm>>
            tpu.enqueue_indirect_dma source(%dma_start3A_137 : memref<10000x128xf32, #tpu.memory_space<hbm>>) target(%dma_start3A_131 : memref<128x128xf32, #tpu.memory_space<vmem>>) offsets(%dma_start3A_134 : memref<128xi32, #tpu.memory_space<vmem>>) semaphore(%arg11 : memref<!tpu.dma_semaphore, #tpu.memory_space<semaphore_mem>>)
          } else {
          }
          %dma_wait3A_103 = arith.constant 0 : i32
          %dma_wait3A_104 = arith.constant 1 : i32
          %dma_wait3A_105 = arith.constant 0 : i32
          %dma_wait3A_106 = arith.constant 0 : i32
          %dma_wait3A_107 = tpu.memref_slice %run_scoped3A[%dma_wait3A_104, %dma_wait3A_105, %dma_wait3A_106] : memref<2x128x128xf32, #tpu.memory_space<vmem>> -> memref<1x128x128xf32, #tpu.memory_space<vmem>>
          %dma_wait3A_108 = tpu.memref_squeeze %dma_wait3A_107 : memref<1x128x128xf32, #tpu.memory_space<vmem>> -> memref<128x128xf32, #tpu.memory_space<vmem>>
          %dma_wait3A_109 = arith.constant 0 : i32
          %dma_wait3A_110 = tpu.memref_slice %arg8[%dma_wait3A_103, %dma_wait3A_109] : memref<40x128xi32, #tpu.memory_space<vmem>> -> memref<1x128xi32, #tpu.memory_space<vmem>>
          %dma_wait3A_111 = tpu.memref_squeeze %dma_wait3A_110 : memref<1x128xi32, #tpu.memory_space<vmem>> -> memref<128xi32, #tpu.memory_space<vmem>>
          %dma_wait3A_112 = arith.constant 0 : i32
          %dma_wait3A_113 = arith.constant 0 : i32
          %dma_wait3A_114 = tpu.memref_slice %arg4[%dma_wait3A_112, %dma_wait3A_113] : memref<10000x128xf32, #tpu.memory_space<hbm>> -> memref<10000x128xf32, #tpu.memory_space<hbm>>
          tpu.wait_indirect_dma semaphore(%arg12 : memref<!tpu.dma_semaphore, #tpu.memory_space<semaphore_mem>>) src(%dma_wait3A_114 : memref<10000x128xf32, #tpu.memory_space<hbm>>) dst(%dma_wait3A_108 : memref<128x128xf32, #tpu.memory_space<vmem>>)
          %add3A_115 = arith.constant 1 : i32
          %add3A_116 = arith.addi %add3A_80, %add3A_115 : i32
          %run_scoped3A_117 = arith.constant 1 : i32
          "tpu.region"() ({
            %run_scoped3A_127 = tpu.sem_alloc : memref<!tpu.dma_semaphore, #tpu.memory_space<semaphore_mem>>
            %dma_start3A_128 = arith.constant 0 : i32
            %dma_start3A_129 = arith.constant 0 : i32
            %dma_start3A_130 = tpu.memref_slice %run_scoped3A[%run_scoped3A_117, %dma_start3A_128, %dma_start3A_129] : memref<2x128x128xf32, #tpu.memory_space<vmem>> -> memref<1x128x128xf32, #tpu.memory_space<vmem>>
            %dma_start3A_131 = tpu.memref_squeeze %dma_start3A_130 : memref<1x128x128xf32, #tpu.memory_space<vmem>> -> memref<128x128xf32, #tpu.memory_space<vmem>>
            %dma_start3A_132 = arith.constant 0 : i32
            %dma_start3A_133 = tpu.memref_slice %arg9[%add3A_116, %dma_start3A_132] : memref<40x128xi32, #tpu.memory_space<vmem>> -> memref<1x128xi32, #tpu.memory_space<vmem>>
            %dma_start3A_134 = tpu.memref_squeeze %dma_start3A_133 : memref<1x128xi32, #tpu.memory_space<vmem>> -> memref<128xi32, #tpu.memory_space<vmem>>
            %dma_start3A_135 = arith.constant 0 : i32
            %dma_start3A_136 = arith.constant 0 : i32
            %dma_start3A_137 = tpu.memref_slice %arg10[%dma_start3A_135, %dma_start3A_136] : memref<10240x128xf32, #tpu.memory_space<vmem_shared>> -> memref<10240x128xf32, #tpu.memory_space<vmem_shared>>
            tpu.enqueue_indirect_dma source(%dma_start3A_131 : memref<128x128xf32, #tpu.memory_space<vmem>>) target(%dma_start3A_137 : memref<10240x128xf32, #tpu.memory_space<vmem_shared>>) offsets(%dma_start3A_134 : memref<128xi32, #tpu.memory_space<vmem>>) semaphore(%run_scoped3A_127 : memref<!tpu.dma_semaphore, #tpu.memory_space<semaphore_mem>>) {add = true}
            %dma_wait3A_138 = arith.constant 0 : i32
            %dma_wait3A_139 = arith.constant 0 : i32
            %dma_wait3A_140 = tpu.memref_slice %run_scoped3A[%run_scoped3A_117, %dma_wait3A_138, %dma_wait3A_139] : memref<2x128x128xf32, #tpu.memory_space<vmem>> -> memref<1x128x128xf32, #tpu.memory_space<vmem>>
            %dma_wait3A_141 = tpu.memref_squeeze %dma_wait3A_140 : memref<1x128x128xf32, #tpu.memory_space<vmem>> -> memref<128x128xf32, #tpu.memory_space<vmem>>
            %dma_wait3A_142 = arith.constant 0 : i32
            %dma_wait3A_143 = tpu.memref_slice %arg9[%add3A_116, %dma_wait3A_142] : memref<40x128xi32, #tpu.memory_space<vmem>> -> memref<1x128xi32, #tpu.memory_space<vmem>>
            %dma_wait3A_144 = tpu.memref_squeeze %dma_wait3A_143 : memref<1x128xi32, #tpu.memory_space<vmem>> -> memref<128xi32, #tpu.memory_space<vmem>>
            %dma_wait3A_145 = arith.constant 0 : i32
            %dma_wait3A_146 = arith.constant 0 : i32
            %dma_wait3A_147 = tpu.memref_slice %arg10[%dma_wait3A_145, %dma_wait3A_146] : memref<10240x128xf32, #tpu.memory_space<vmem_shared>> -> memref<10240x128xf32, #tpu.memory_space<vmem_shared>>
            tpu.wait_indirect_dma semaphore(%run_scoped3A_127 : memref<!tpu.dma_semaphore, #tpu.memory_space<semaphore_mem>>) src(%dma_wait3A_141 : memref<128x128xf32, #tpu.memory_space<vmem>>) dst(%dma_wait3A_147 : memref<10240x128xf32, #tpu.memory_space<vmem_shared>>)
            tpu.yield
          }) : () -> ()
          %add3A_118 = arith.constant 1 : i32
          %add3A_119 = arith.addi %add3A_80, %add3A_118 : i32
          %add3A_120 = arith.constant 2 : i32
          %add3A_121 = arith.addi %add3A_119, %add3A_120 : i32
          %lt3A_122 = arith.constant 40 : i32
          %lt3A_123 = arith.cmpi slt, %add3A_121, %lt3A_122 : i32
          %convert_element_type3A_124 = arith.extui %lt3A_123 : i1 to i32
          %cond3A_125 = arith.constant 0 : i32
          %cond3A_126 = arith.cmpi ne, %convert_element_type3A_124, %cond3A_125 : i32
          scf.if %cond3A_126 {
            %dma_start3A_127 = arith.constant 1 : i32
            %dma_start3A_128 = arith.constant 0 : i32
            %dma_start3A_129 = arith.constant 0 : i32
            %dma_start3A_130 = tpu.memref_slice %run_scoped3A[%dma_start3A_127, %dma_start3A_128, %dma_start3A_129] : memref<2x128x128xf32, #tpu.memory_space<vmem>> -> memref<1x128x128xf32, #tpu.memory_space<vmem>>
            %dma_start3A_131 = tpu.memref_squeeze %dma_start3A_130 : memref<1x128x128xf32, #tpu.memory_space<vmem>> -> memref<128x128xf32, #tpu.memory_space<vmem>>
            %dma_start3A_132 = arith.constant 0 : i32
            %dma_start3A_133 = tpu.memref_slice %arg8[%add3A_121, %dma_start3A_132] : memref<40x128xi32, #tpu.memory_space<vmem>> -> memref<1x128xi32, #tpu.memory_space<vmem>>
            %dma_start3A_134 = tpu.memref_squeeze %dma_start3A_133 : memref<1x128xi32, #tpu.memory_space<vmem>> -> memref<128xi32, #tpu.memory_space<vmem>>
            %dma_start3A_135 = arith.constant 0 : i32
            %dma_start3A_136 = arith.constant 0 : i32
            %dma_start3A_137 = tpu.memref_slice %arg4[%dma_start3A_135, %dma_start3A_136] : memref<10000x128xf32, #tpu.memory_space<hbm>> -> memref<10000x128xf32, #tpu.memory_space<hbm>>
            tpu.enqueue_indirect_dma source(%dma_start3A_137 : memref<10000x128xf32, #tpu.memory_space<hbm>>) target(%dma_start3A_131 : memref<128x128xf32, #tpu.memory_space<vmem>>) offsets(%dma_start3A_134 : memref<128xi32, #tpu.memory_space<vmem>>) semaphore(%arg12 : memref<!tpu.dma_semaphore, #tpu.memory_space<semaphore_mem>>)
          } else {
          }
        }
        %scan3A_44 = arith.constant 20 : i32
        %add3A_45 = arith.constant 40 : i32
        %add3A_46 = arith.addi %add3A_14, %add3A_45 : i32
        "tpu.region"() ({
          %run_scoped3A_76 = tpu.sem_alloc : memref<!tpu.dma_semaphore, #tpu.memory_space<semaphore_mem>>
          %dma_start3A_77 = arith.constant 0 : i32
          %dma_start3A_78 = arith.constant 0 : i32
          %dma_start3A_79 = tpu.memref_slice %arg8[%dma_start3A_77, %dma_start3A_78] : memref<40x128xi32, #tpu.memory_space<vmem>> -> memref<40x128xi32, #tpu.memory_space<vmem>>
          %dma_start3A_80 = arith.constant 0 : i32
          %dma_start3A_81 = tpu.memref_slice %arg2[%add3A_46, %dma_start3A_80] : memref<2560x128xi32, #tpu.memory_space<hbm>> -> memref<40x128xi32, #tpu.memory_space<hbm>>
          %dma_start3A_82 = arith.constant 0 : i32
          %dma_start3A_83 = arith.constant 0 : i32
          %dma_start3A_84 = tpu.memref_slice %arg8[%dma_start3A_82, %dma_start3A_83] : memref<40x128xi32, #tpu.memory_space<vmem>> -> memref<40x128xi32, #tpu.memory_space<vmem>>
          %dma_start3A_85 = arith.constant 0 : i32
          %dma_start3A_86 = tpu.memref_slice %arg2[%add3A_46, %dma_start3A_85] : memref<2560x128xi32, #tpu.memory_space<hbm>> -> memref<40x128xi32, #tpu.memory_space<hbm>>
          tpu.enqueue_dma source(%dma_start3A_86 : memref<40x128xi32, #tpu.memory_space<hbm>>) target(%dma_start3A_84 : memref<40x128xi32, #tpu.memory_space<vmem>>) target_semaphore(%run_scoped3A_76 : memref<!tpu.dma_semaphore, #tpu.memory_space<semaphore_mem>>)
          %dma_wait3A = arith.constant 0 : i32
          %dma_wait3A_87 = arith.constant 0 : i32
          %dma_wait3A_88 = tpu.memref_slice %arg8[%dma_wait3A, %dma_wait3A_87] : memref<40x128xi32, #tpu.memory_space<vmem>> -> memref<40x128xi32, #tpu.memory_space<vmem>>
          %dma_wait3A_89 = arith.constant 0 : i32
          %dma_wait3A_90 = tpu.memref_slice %arg2[%add3A_46, %dma_wait3A_89] : memref<2560x128xi32, #tpu.memory_space<hbm>> -> memref<40x128xi32, #tpu.memory_space<hbm>>
          %dma_wait3A_91 = arith.constant 0 : i32
          %dma_wait3A_92 = arith.constant 0 : i32
          %dma_wait3A_93 = tpu.memref_slice %arg8[%dma_wait3A_91, %dma_wait3A_92] : memref<40x128xi32, #tpu.memory_space<vmem>> -> memref<40x128xi32, #tpu.memory_space<vmem>>
          %dma_wait3A_94 = arith.constant 0 : i32
          %dma_wait3A_95 = tpu.memref_slice %arg2[%add3A_46, %dma_wait3A_94] : memref<2560x128xi32, #tpu.memory_space<hbm>> -> memref<40x128xi32, #tpu.memory_space<hbm>>
          tpu.wait_dma2 semaphore(%run_scoped3A_76 : memref<!tpu.dma_semaphore, #tpu.memory_space<semaphore_mem>>) src(%dma_wait3A_95 : memref<40x128xi32, #tpu.memory_space<hbm>>) dst(%dma_wait3A_93 : memref<40x128xi32, #tpu.memory_space<vmem>>)
          tpu.yield
        }) : () -> ()
        "tpu.region"() ({
          %run_scoped3A_76 = tpu.sem_alloc : memref<!tpu.dma_semaphore, #tpu.memory_space<semaphore_mem>>
          %dma_start3A_77 = arith.constant 0 : i32
          %dma_start3A_78 = arith.constant 0 : i32
          %dma_start3A_79 = tpu.memref_slice %arg9[%dma_start3A_77, %dma_start3A_78] : memref<40x128xi32, #tpu.memory_space<vmem>> -> memref<40x128xi32, #tpu.memory_space<vmem>>
          %dma_start3A_80 = arith.constant 0 : i32
          %dma_start3A_81 = tpu.memref_slice %arg3[%add3A_46, %dma_start3A_80] : memref<2560x128xi32, #tpu.memory_space<hbm>> -> memref<40x128xi32, #tpu.memory_space<hbm>>
          %dma_start3A_82 = arith.constant 0 : i32
          %dma_start3A_83 = arith.constant 0 : i32
          %dma_start3A_84 = tpu.memref_slice %arg9[%dma_start3A_82, %dma_start3A_83] : memref<40x128xi32, #tpu.memory_space<vmem>> -> memref<40x128xi32, #tpu.memory_space<vmem>>
          %dma_start3A_85 = arith.constant 0 : i32
          %dma_start3A_86 = tpu.memref_slice %arg3[%add3A_46, %dma_start3A_85] : memref<2560x128xi32, #tpu.memory_space<hbm>> -> memref<40x128xi32, #tpu.memory_space<hbm>>
          tpu.enqueue_dma source(%dma_start3A_86 : memref<40x128xi32, #tpu.memory_space<hbm>>) target(%dma_start3A_84 : memref<40x128xi32, #tpu.memory_space<vmem>>) target_semaphore(%run_scoped3A_76 : memref<!tpu.dma_semaphore, #tpu.memory_space<semaphore_mem>>)
          %dma_wait3A = arith.constant 0 : i32
          %dma_wait3A_87 = arith.constant 0 : i32
          %dma_wait3A_88 = tpu.memref_slice %arg9[%dma_wait3A, %dma_wait3A_87] : memref<40x128xi32, #tpu.memory_space<vmem>> -> memref<40x128xi32, #tpu.memory_space<vmem>>
          %dma_wait3A_89 = arith.constant 0 : i32
          %dma_wait3A_90 = tpu.memref_slice %arg3[%add3A_46, %dma_wait3A_89] : memref<2560x128xi32, #tpu.memory_space<hbm>> -> memref<40x128xi32, #tpu.memory_space<hbm>>
          %dma_wait3A_91 = arith.constant 0 : i32
          %dma_wait3A_92 = arith.constant 0 : i32
          %dma_wait3A_93 = tpu.memref_slice %arg9[%dma_wait3A_91, %dma_wait3A_92] : memref<40x128xi32, #tpu.memory_space<vmem>> -> memref<40x128xi32, #tpu.memory_space<vmem>>
          %dma_wait3A_94 = arith.constant 0 : i32
          %dma_wait3A_95 = tpu.memref_slice %arg3[%add3A_46, %dma_wait3A_94] : memref<2560x128xi32, #tpu.memory_space<hbm>> -> memref<40x128xi32, #tpu.memory_space<hbm>>
          tpu.wait_dma2 semaphore(%run_scoped3A_76 : memref<!tpu.dma_semaphore, #tpu.memory_space<semaphore_mem>>) src(%dma_wait3A_95 : memref<40x128xi32, #tpu.memory_space<hbm>>) dst(%dma_wait3A_93 : memref<40x128xi32, #tpu.memory_space<vmem>>)
          tpu.yield
        }) : () -> ()
        %dma_start3A_47 = arith.constant 0 : i32
        %dma_start3A_48 = arith.constant 0 : i32
        %dma_start3A_49 = arith.constant 0 : i32
        %dma_start3A_50 = arith.constant 0 : i32
        %dma_start3A_51 = tpu.memref_slice %run_scoped3A[%dma_start3A_48, %dma_start3A_49, %dma_start3A_50] : memref<2x128x128xf32, #tpu.memory_space<vmem>> -> memref<1x128x128xf32, #tpu.memory_space<vmem>>
        %dma_start3A_52 = tpu.memref_squeeze %dma_start3A_51 : memref<1x128x128xf32, #tpu.memory_space<vmem>> -> memref<128x128xf32, #tpu.memory_space<vmem>>
        %dma_start3A_53 = arith.constant 0 : i32
        %dma_start3A_54 = tpu.memref_slice %arg8[%dma_start3A_47, %dma_start3A_53] : memref<40x128xi32, #tpu.memory_space<vmem>> -> memref<1x128xi32, #tpu.memory_space<vmem>>
        %dma_start3A_55 = tpu.memref_squeeze %dma_start3A_54 : memref<1x128xi32, #tpu.memory_space<vmem>> -> memref<128xi32, #tpu.memory_space<vmem>>
        %dma_start3A_56 = arith.constant 0 : i32
        %dma_start3A_57 = arith.constant 0 : i32
        %dma_start3A_58 = tpu.memref_slice %arg4[%dma_start3A_56, %dma_start3A_57] : memref<10000x128xf32, #tpu.memory_space<hbm>> -> memref<10000x128xf32, #tpu.memory_space<hbm>>
        tpu.enqueue_indirect_dma source(%dma_start3A_58 : memref<10000x128xf32, #tpu.memory_space<hbm>>) target(%dma_start3A_52 : memref<128x128xf32, #tpu.memory_space<vmem>>) offsets(%dma_start3A_55 : memref<128xi32, #tpu.memory_space<vmem>>) semaphore(%arg11 : memref<!tpu.dma_semaphore, #tpu.memory_space<semaphore_mem>>)
        %dma_start3A_59 = arith.constant 1 : i32
        %dma_start3A_60 = arith.constant 1 : i32
        %dma_start3A_61 = arith.constant 0 : i32
        %dma_start3A_62 = arith.constant 0 : i32
        %dma_start3A_63 = tpu.memref_slice %run_scoped3A[%dma_start3A_60, %dma_start3A_61, %dma_start3A_62] : memref<2x128x128xf32, #tpu.memory_space<vmem>> -> memref<1x128x128xf32, #tpu.memory_space<vmem>>
        %dma_start3A_64 = tpu.memref_squeeze %dma_start3A_63 : memref<1x128x128xf32, #tpu.memory_space<vmem>> -> memref<128x128xf32, #tpu.memory_space<vmem>>
        %dma_start3A_65 = arith.constant 0 : i32
        %dma_start3A_66 = tpu.memref_slice %arg8[%dma_start3A_59, %dma_start3A_65] : memref<40x128xi32, #tpu.memory_space<vmem>> -> memref<1x128xi32, #tpu.memory_space<vmem>>
        %dma_start3A_67 = tpu.memref_squeeze %dma_start3A_66 : memref<1x128xi32, #tpu.memory_space<vmem>> -> memref<128xi32, #tpu.memory_space<vmem>>
        %dma_start3A_68 = arith.constant 0 : i32
        %dma_start3A_69 = arith.constant 0 : i32
        %dma_start3A_70 = tpu.memref_slice %arg4[%dma_start3A_68, %dma_start3A_69] : memref<10000x128xf32, #tpu.memory_space<hbm>> -> memref<10000x128xf32, #tpu.memory_space<hbm>>
        tpu.enqueue_indirect_dma source(%dma_start3A_70 : memref<10000x128xf32, #tpu.memory_space<hbm>>) target(%dma_start3A_64 : memref<128x128xf32, #tpu.memory_space<vmem>>) offsets(%dma_start3A_67 : memref<128xi32, #tpu.memory_space<vmem>>) semaphore(%arg12 : memref<!tpu.dma_semaphore, #tpu.memory_space<semaphore_mem>>)
        %scan3A_71 = arith.constant 0 : i32
        %scan3A_72 = arith.constant 20 : i32
        %scan3A_73 = arith.addi %scan3A_71, %scan3A_72 : i32
        %scan3A_74 = arith.constant 1 : i32
        scf.for %scan3A_76 = %scan3A_71 to %scan3A_73 step %scan3A_74  : i32 {
          %mul3A_77 = arith.constant 2 : i32
          %mul3A_78 = arith.muli %scan3A_76, %mul3A_77 : i32
          %add3A_79 = arith.constant 0 : i32
          %add3A_80 = arith.addi %add3A_79, %mul3A_78 : i32
          %dma_wait3A = arith.constant 0 : i32
          %dma_wait3A_81 = arith.constant 0 : i32
          %dma_wait3A_82 = arith.constant 0 : i32
          %dma_wait3A_83 = arith.constant 0 : i32
          %dma_wait3A_84 = tpu.memref_slice %run_scoped3A[%dma_wait3A_81, %dma_wait3A_82, %dma_wait3A_83] : memref<2x128x128xf32, #tpu.memory_space<vmem>> -> memref<1x128x128xf32, #tpu.memory_space<vmem>>
          %dma_wait3A_85 = tpu.memref_squeeze %dma_wait3A_84 : memref<1x128x128xf32, #tpu.memory_space<vmem>> -> memref<128x128xf32, #tpu.memory_space<vmem>>
          %dma_wait3A_86 = arith.constant 0 : i32
          %dma_wait3A_87 = tpu.memref_slice %arg8[%dma_wait3A, %dma_wait3A_86] : memref<40x128xi32, #tpu.memory_space<vmem>> -> memref<1x128xi32, #tpu.memory_space<vmem>>
          %dma_wait3A_88 = tpu.memref_squeeze %dma_wait3A_87 : memref<1x128xi32, #tpu.memory_space<vmem>> -> memref<128xi32, #tpu.memory_space<vmem>>
          %dma_wait3A_89 = arith.constant 0 : i32
          %dma_wait3A_90 = arith.constant 0 : i32
          %dma_wait3A_91 = tpu.memref_slice %arg4[%dma_wait3A_89, %dma_wait3A_90] : memref<10000x128xf32, #tpu.memory_space<hbm>> -> memref<10000x128xf32, #tpu.memory_space<hbm>>
          tpu.wait_indirect_dma semaphore(%arg11 : memref<!tpu.dma_semaphore, #tpu.memory_space<semaphore_mem>>) src(%dma_wait3A_91 : memref<10000x128xf32, #tpu.memory_space<hbm>>) dst(%dma_wait3A_85 : memref<128x128xf32, #tpu.memory_space<vmem>>)
          %add3A_92 = arith.constant 0 : i32
          %add3A_93 = arith.addi %add3A_80, %add3A_92 : i32
          %run_scoped3A_94 = arith.constant 0 : i32
          "tpu.region"() ({
            %run_scoped3A_127 = tpu.sem_alloc : memref<!tpu.dma_semaphore, #tpu.memory_space<semaphore_mem>>
            %dma_start3A_128 = arith.constant 0 : i32
            %dma_start3A_129 = arith.constant 0 : i32
            %dma_start3A_130 = tpu.memref_slice %run_scoped3A[%run_scoped3A_94, %dma_start3A_128, %dma_start3A_129] : memref<2x128x128xf32, #tpu.memory_space<vmem>> -> memref<1x128x128xf32, #tpu.memory_space<vmem>>
            %dma_start3A_131 = tpu.memref_squeeze %dma_start3A_130 : memref<1x128x128xf32, #tpu.memory_space<vmem>> -> memref<128x128xf32, #tpu.memory_space<vmem>>
            %dma_start3A_132 = arith.constant 0 : i32
            %dma_start3A_133 = tpu.memref_slice %arg9[%add3A_93, %dma_start3A_132] : memref<40x128xi32, #tpu.memory_space<vmem>> -> memref<1x128xi32, #tpu.memory_space<vmem>>
            %dma_start3A_134 = tpu.memref_squeeze %dma_start3A_133 : memref<1x128xi32, #tpu.memory_space<vmem>> -> memref<128xi32, #tpu.memory_space<vmem>>
            %dma_start3A_135 = arith.constant 0 : i32
            %dma_start3A_136 = arith.constant 0 : i32
            %dma_start3A_137 = tpu.memref_slice %arg10[%dma_start3A_135, %dma_start3A_136] : memref<10240x128xf32, #tpu.memory_space<vmem_shared>> -> memref<10240x128xf32, #tpu.memory_space<vmem_shared>>
            tpu.enqueue_indirect_dma source(%dma_start3A_131 : memref<128x128xf32, #tpu.memory_space<vmem>>) target(%dma_start3A_137 : memref<10240x128xf32, #tpu.memory_space<vmem_shared>>) offsets(%dma_start3A_134 : memref<128xi32, #tpu.memory_space<vmem>>) semaphore(%run_scoped3A_127 : memref<!tpu.dma_semaphore, #tpu.memory_space<semaphore_mem>>) {add = true}
            %dma_wait3A_138 = arith.constant 0 : i32
            %dma_wait3A_139 = arith.constant 0 : i32
            %dma_wait3A_140 = tpu.memref_slice %run_scoped3A[%run_scoped3A_94, %dma_wait3A_138, %dma_wait3A_139] : memref<2x128x128xf32, #tpu.memory_space<vmem>> -> memref<1x128x128xf32, #tpu.memory_space<vmem>>
            %dma_wait3A_141 = tpu.memref_squeeze %dma_wait3A_140 : memref<1x128x128xf32, #tpu.memory_space<vmem>> -> memref<128x128xf32, #tpu.memory_space<vmem>>
            %dma_wait3A_142 = arith.constant 0 : i32
            %dma_wait3A_143 = tpu.memref_slice %arg9[%add3A_93, %dma_wait3A_142] : memref<40x128xi32, #tpu.memory_space<vmem>> -> memref<1x128xi32, #tpu.memory_space<vmem>>
            %dma_wait3A_144 = tpu.memref_squeeze %dma_wait3A_143 : memref<1x128xi32, #tpu.memory_space<vmem>> -> memref<128xi32, #tpu.memory_space<vmem>>
            %dma_wait3A_145 = arith.constant 0 : i32
            %dma_wait3A_146 = arith.constant 0 : i32
            %dma_wait3A_147 = tpu.memref_slice %arg10[%dma_wait3A_145, %dma_wait3A_146] : memref<10240x128xf32, #tpu.memory_space<vmem_shared>> -> memref<10240x128xf32, #tpu.memory_space<vmem_shared>>
            tpu.wait_indirect_dma semaphore(%run_scoped3A_127 : memref<!tpu.dma_semaphore, #tpu.memory_space<semaphore_mem>>) src(%dma_wait3A_141 : memref<128x128xf32, #tpu.memory_space<vmem>>) dst(%dma_wait3A_147 : memref<10240x128xf32, #tpu.memory_space<vmem_shared>>)
            tpu.yield
          }) : () -> ()
          %add3A_95 = arith.constant 0 : i32
          %add3A_96 = arith.addi %add3A_80, %add3A_95 : i32
          %add3A_97 = arith.constant 2 : i32
          %add3A_98 = arith.addi %add3A_96, %add3A_97 : i32
          %lt3A = arith.constant 40 : i32
          %lt3A_99 = arith.cmpi slt, %add3A_98, %lt3A : i32
          %convert_element_type3A_100 = arith.extui %lt3A_99 : i1 to i32
          %cond3A_101 = arith.constant 0 : i32
          %cond3A_102 = arith.cmpi ne, %convert_element_type3A_100, %cond3A_101 : i32
          scf.if %cond3A_102 {
            %dma_start3A_127 = arith.constant 0 : i32
            %dma_start3A_128 = arith.constant 0 : i32
            %dma_start3A_129 = arith.constant 0 : i32
            %dma_start3A_130 = tpu.memref_slice %run_scoped3A[%dma_start3A_127, %dma_start3A_128, %dma_start3A_129] : memref<2x128x128xf32, #tpu.memory_space<vmem>> -> memref<1x128x128xf32, #tpu.memory_space<vmem>>
            %dma_start3A_131 = tpu.memref_squeeze %dma_start3A_130 : memref<1x128x128xf32, #tpu.memory_space<vmem>> -> memref<128x128xf32, #tpu.memory_space<vmem>>
            %dma_start3A_132 = arith.constant 0 : i32
            %dma_start3A_133 = tpu.memref_slice %arg8[%add3A_98, %dma_start3A_132] : memref<40x128xi32, #tpu.memory_space<vmem>> -> memref<1x128xi32, #tpu.memory_space<vmem>>
            %dma_start3A_134 = tpu.memref_squeeze %dma_start3A_133 : memref<1x128xi32, #tpu.memory_space<vmem>> -> memref<128xi32, #tpu.memory_space<vmem>>
            %dma_start3A_135 = arith.constant 0 : i32
            %dma_start3A_136 = arith.constant 0 : i32
            %dma_start3A_137 = tpu.memref_slice %arg4[%dma_start3A_135, %dma_start3A_136] : memref<10000x128xf32, #tpu.memory_space<hbm>> -> memref<10000x128xf32, #tpu.memory_space<hbm>>
            tpu.enqueue_indirect_dma source(%dma_start3A_137 : memref<10000x128xf32, #tpu.memory_space<hbm>>) target(%dma_start3A_131 : memref<128x128xf32, #tpu.memory_space<vmem>>) offsets(%dma_start3A_134 : memref<128xi32, #tpu.memory_space<vmem>>) semaphore(%arg11 : memref<!tpu.dma_semaphore, #tpu.memory_space<semaphore_mem>>)
          } else {
          }
          %dma_wait3A_103 = arith.constant 0 : i32
          %dma_wait3A_104 = arith.constant 1 : i32
          %dma_wait3A_105 = arith.constant 0 : i32
          %dma_wait3A_106 = arith.constant 0 : i32
          %dma_wait3A_107 = tpu.memref_slice %run_scoped3A[%dma_wait3A_104, %dma_wait3A_105, %dma_wait3A_106] : memref<2x128x128xf32, #tpu.memory_space<vmem>> -> memref<1x128x128xf32, #tpu.memory_space<vmem>>
          %dma_wait3A_108 = tpu.memref_squeeze %dma_wait3A_107 : memref<1x128x128xf32, #tpu.memory_space<vmem>> -> memref<128x128xf32, #tpu.memory_space<vmem>>
          %dma_wait3A_109 = arith.constant 0 : i32
          %dma_wait3A_110 = tpu.memref_slice %arg8[%dma_wait3A_103, %dma_wait3A_109] : memref<40x128xi32, #tpu.memory_space<vmem>> -> memref<1x128xi32, #tpu.memory_space<vmem>>
          %dma_wait3A_111 = tpu.memref_squeeze %dma_wait3A_110 : memref<1x128xi32, #tpu.memory_space<vmem>> -> memref<128xi32, #tpu.memory_space<vmem>>
          %dma_wait3A_112 = arith.constant 0 : i32
          %dma_wait3A_113 = arith.constant 0 : i32
          %dma_wait3A_114 = tpu.memref_slice %arg4[%dma_wait3A_112, %dma_wait3A_113] : memref<10000x128xf32, #tpu.memory_space<hbm>> -> memref<10000x128xf32, #tpu.memory_space<hbm>>
          tpu.wait_indirect_dma semaphore(%arg12 : memref<!tpu.dma_semaphore, #tpu.memory_space<semaphore_mem>>) src(%dma_wait3A_114 : memref<10000x128xf32, #tpu.memory_space<hbm>>) dst(%dma_wait3A_108 : memref<128x128xf32, #tpu.memory_space<vmem>>)
          %add3A_115 = arith.constant 1 : i32
          %add3A_116 = arith.addi %add3A_80, %add3A_115 : i32
          %run_scoped3A_117 = arith.constant 1 : i32
          "tpu.region"() ({
            %run_scoped3A_127 = tpu.sem_alloc : memref<!tpu.dma_semaphore, #tpu.memory_space<semaphore_mem>>
            %dma_start3A_128 = arith.constant 0 : i32
            %dma_start3A_129 = arith.constant 0 : i32
            %dma_start3A_130 = tpu.memref_slice %run_scoped3A[%run_scoped3A_117, %dma_start3A_128, %dma_start3A_129] : memref<2x128x128xf32, #tpu.memory_space<vmem>> -> memref<1x128x128xf32, #tpu.memory_space<vmem>>
            %dma_start3A_131 = tpu.memref_squeeze %dma_start3A_130 : memref<1x128x128xf32, #tpu.memory_space<vmem>> -> memref<128x128xf32, #tpu.memory_space<vmem>>
            %dma_start3A_132 = arith.constant 0 : i32
            %dma_start3A_133 = tpu.memref_slice %arg9[%add3A_116, %dma_start3A_132] : memref<40x128xi32, #tpu.memory_space<vmem>> -> memref<1x128xi32, #tpu.memory_space<vmem>>
            %dma_start3A_134 = tpu.memref_squeeze %dma_start3A_133 : memref<1x128xi32, #tpu.memory_space<vmem>> -> memref<128xi32, #tpu.memory_space<vmem>>
            %dma_start3A_135 = arith.constant 0 : i32
            %dma_start3A_136 = arith.constant 0 : i32
            %dma_start3A_137 = tpu.memref_slice %arg10[%dma_start3A_135, %dma_start3A_136] : memref<10240x128xf32, #tpu.memory_space<vmem_shared>> -> memref<10240x128xf32, #tpu.memory_space<vmem_shared>>
            tpu.enqueue_indirect_dma source(%dma_start3A_131 : memref<128x128xf32, #tpu.memory_space<vmem>>) target(%dma_start3A_137 : memref<10240x128xf32, #tpu.memory_space<vmem_shared>>) offsets(%dma_start3A_134 : memref<128xi32, #tpu.memory_space<vmem>>) semaphore(%run_scoped3A_127 : memref<!tpu.dma_semaphore, #tpu.memory_space<semaphore_mem>>) {add = true}
            %dma_wait3A_138 = arith.constant 0 : i32
            %dma_wait3A_139 = arith.constant 0 : i32
            %dma_wait3A_140 = tpu.memref_slice %run_scoped3A[%run_scoped3A_117, %dma_wait3A_138, %dma_wait3A_139] : memref<2x128x128xf32, #tpu.memory_space<vmem>> -> memref<1x128x128xf32, #tpu.memory_space<vmem>>
            %dma_wait3A_141 = tpu.memref_squeeze %dma_wait3A_140 : memref<1x128x128xf32, #tpu.memory_space<vmem>> -> memref<128x128xf32, #tpu.memory_space<vmem>>
            %dma_wait3A_142 = arith.constant 0 : i32
            %dma_wait3A_143 = tpu.memref_slice %arg9[%add3A_116, %dma_wait3A_142] : memref<40x128xi32, #tpu.memory_space<vmem>> -> memref<1x128xi32, #tpu.memory_space<vmem>>
            %dma_wait3A_144 = tpu.memref_squeeze %dma_wait3A_143 : memref<1x128xi32, #tpu.memory_space<vmem>> -> memref<128xi32, #tpu.memory_space<vmem>>
            %dma_wait3A_145 = arith.constant 0 : i32
            %dma_wait3A_146 = arith.constant 0 : i32
            %dma_wait3A_147 = tpu.memref_slice %arg10[%dma_wait3A_145, %dma_wait3A_146] : memref<10240x128xf32, #tpu.memory_space<vmem_shared>> -> memref<10240x128xf32, #tpu.memory_space<vmem_shared>>
            tpu.wait_indirect_dma semaphore(%run_scoped3A_127 : memref<!tpu.dma_semaphore, #tpu.memory_space<semaphore_mem>>) src(%dma_wait3A_141 : memref<128x128xf32, #tpu.memory_space<vmem>>) dst(%dma_wait3A_147 : memref<10240x128xf32, #tpu.memory_space<vmem_shared>>)
            tpu.yield
          }) : () -> ()
          %add3A_118 = arith.constant 1 : i32
          %add3A_119 = arith.addi %add3A_80, %add3A_118 : i32
          %add3A_120 = arith.constant 2 : i32
          %add3A_121 = arith.addi %add3A_119, %add3A_120 : i32
          %lt3A_122 = arith.constant 40 : i32
          %lt3A_123 = arith.cmpi slt, %add3A_121, %lt3A_122 : i32
          %convert_element_type3A_124 = arith.extui %lt3A_123 : i1 to i32
          %cond3A_125 = arith.constant 0 : i32
          %cond3A_126 = arith.cmpi ne, %convert_element_type3A_124, %cond3A_125 : i32
          scf.if %cond3A_126 {
            %dma_start3A_127 = arith.constant 1 : i32
            %dma_start3A_128 = arith.constant 0 : i32
            %dma_start3A_129 = arith.constant 0 : i32
            %dma_start3A_130 = tpu.memref_slice %run_scoped3A[%dma_start3A_127, %dma_start3A_128, %dma_start3A_129] : memref<2x128x128xf32, #tpu.memory_space<vmem>> -> memref<1x128x128xf32, #tpu.memory_space<vmem>>
            %dma_start3A_131 = tpu.memref_squeeze %dma_start3A_130 : memref<1x128x128xf32, #tpu.memory_space<vmem>> -> memref<128x128xf32, #tpu.memory_space<vmem>>
            %dma_start3A_132 = arith.constant 0 : i32
            %dma_start3A_133 = tpu.memref_slice %arg8[%add3A_121, %dma_start3A_132] : memref<40x128xi32, #tpu.memory_space<vmem>> -> memref<1x128xi32, #tpu.memory_space<vmem>>
            %dma_start3A_134 = tpu.memref_squeeze %dma_start3A_133 : memref<1x128xi32, #tpu.memory_space<vmem>> -> memref<128xi32, #tpu.memory_space<vmem>>
            %dma_start3A_135 = arith.constant 0 : i32
            %dma_start3A_136 = arith.constant 0 : i32
            %dma_start3A_137 = tpu.memref_slice %arg4[%dma_start3A_135, %dma_start3A_136] : memref<10000x128xf32, #tpu.memory_space<hbm>> -> memref<10000x128xf32, #tpu.memory_space<hbm>>
            tpu.enqueue_indirect_dma source(%dma_start3A_137 : memref<10000x128xf32, #tpu.memory_space<hbm>>) target(%dma_start3A_131 : memref<128x128xf32, #tpu.memory_space<vmem>>) offsets(%dma_start3A_134 : memref<128xi32, #tpu.memory_space<vmem>>) semaphore(%arg12 : memref<!tpu.dma_semaphore, #tpu.memory_space<semaphore_mem>>)
          } else {
          }
        }
        %scan3A_75 = arith.constant 20 : i32
      } else {
      }
      tpu.yield
    }) : () -> ()
    %barrier3A_1 = arith.constant 0 : index
    tpu.barrier barrier_id(%barrier3A_1)
    %scan3A = arith.constant 0 : i32
    %scan3A_2 = arith.constant 5 : i32
    %scan3A_3 = arith.addi %scan3A, %scan3A_2 : i32
    %scan3A_4 = arith.constant 1 : i32
    scf.for %scan3A_6 = %scan3A to %scan3A_3 step %scan3A_4  : i32 {
      %mul3A_7 = arith.constant 1 : i32
      %mul3A_8 = arith.muli %scan3A_6, %mul3A_7 : i32
      %add3A = arith.constant 0 : i32
      %add3A_9 = arith.addi %add3A, %mul3A_8 : i32
      %mul3A_10 = arith.constant 640 : i32
      %mul3A_11 = arith.muli %arg1, %mul3A_10 : i32
      %mul3A_12 = arith.constant 128 : i32
      %mul3A_13 = arith.muli %add3A_9, %mul3A_12 : i32
      %add3A_14 = arith.addi %mul3A_11, %mul3A_13 : i32
      %eq3A = arith.constant 0 : i32
      %eq3A_15 = arith.cmpi eq, %arg0, %eq3A : i32
      %convert_element_type3A = arith.extui %eq3A_15 : i1 to i32
      %cond3A = arith.constant 0 : i32
      %cond3A_16 = arith.cmpi ne, %convert_element_type3A, %cond3A : i32
      scf.if %cond3A_16 {
        "tpu.region"() ({
          %run_scoped3A = tpu.sem_alloc : memref<!tpu.dma_semaphore, #tpu.memory_space<semaphore_mem>>
          %dma_start3A = arith.constant 0 : i32
          %dma_start3A_22 = tpu.memref_slice %arg6[%add3A_14, %dma_start3A] : memref<10240x128xf32, #tpu.memory_space<hbm>> -> memref<128x128xf32, #tpu.memory_space<hbm>>
          %dma_start3A_23 = arith.constant 0 : i32
          %dma_start3A_24 = tpu.memref_slice %arg10[%add3A_14, %dma_start3A_23] : memref<10240x128xf32, #tpu.memory_space<vmem_shared>> -> memref<128x128xf32, #tpu.memory_space<vmem_shared>>
          tpu.enqueue_dma source(%dma_start3A_24 : memref<128x128xf32, #tpu.memory_space<vmem_shared>>) target(%dma_start3A_22 : memref<128x128xf32, #tpu.memory_space<hbm>>) target_semaphore(%run_scoped3A : memref<!tpu.dma_semaphore, #tpu.memory_space<semaphore_mem>>)
          %dma_wait3A = arith.constant 0 : i32
          %dma_wait3A_25 = tpu.memref_slice %arg6[%add3A_14, %dma_wait3A] : memref<10240x128xf32, #tpu.memory_space<hbm>> -> memref<128x128xf32, #tpu.memory_space<hbm>>
          %dma_wait3A_26 = arith.constant 0 : i32
          %dma_wait3A_27 = tpu.memref_slice %arg10[%add3A_14, %dma_wait3A_26] : memref<10240x128xf32, #tpu.memory_space<vmem_shared>> -> memref<128x128xf32, #tpu.memory_space<vmem_shared>>
          tpu.wait_dma2 semaphore(%run_scoped3A : memref<!tpu.dma_semaphore, #tpu.memory_space<semaphore_mem>>) src(%dma_wait3A_27 : memref<128x128xf32, #tpu.memory_space<vmem_shared>>) dst(%dma_wait3A_25 : memref<128x128xf32, #tpu.memory_space<hbm>>)
          tpu.yield
        }) : () -> ()
      } else {
      }
      %eq3A_17 = arith.constant 1 : i32
      %eq3A_18 = arith.cmpi eq, %arg0, %eq3A_17 : i32
      %convert_element_type3A_19 = arith.extui %eq3A_18 : i1 to i32
      %cond3A_20 = arith.constant 0 : i32
      %cond3A_21 = arith.cmpi ne, %convert_element_type3A_19, %cond3A_20 : i32
      scf.if %cond3A_21 {
        "tpu.region"() ({
          %run_scoped3A = tpu.sem_alloc : memref<!tpu.dma_semaphore, #tpu.memory_space<semaphore_mem>>
          %dma_start3A = arith.constant 0 : i32
          %dma_start3A_22 = tpu.memref_slice %arg7[%add3A_14, %dma_start3A] : memref<10240x128xf32, #tpu.memory_space<hbm>> -> memref<128x128xf32, #tpu.memory_space<hbm>>
          %dma_start3A_23 = arith.constant 0 : i32
          %dma_start3A_24 = tpu.memref_slice %arg10[%add3A_14, %dma_start3A_23] : memref<10240x128xf32, #tpu.memory_space<vmem_shared>> -> memref<128x128xf32, #tpu.memory_space<vmem_shared>>
          tpu.enqueue_dma source(%dma_start3A_24 : memref<128x128xf32, #tpu.memory_space<vmem_shared>>) target(%dma_start3A_22 : memref<128x128xf32, #tpu.memory_space<hbm>>) target_semaphore(%run_scoped3A : memref<!tpu.dma_semaphore, #tpu.memory_space<semaphore_mem>>)
          %dma_wait3A = arith.constant 0 : i32
          %dma_wait3A_25 = tpu.memref_slice %arg7[%add3A_14, %dma_wait3A] : memref<10240x128xf32, #tpu.memory_space<hbm>> -> memref<128x128xf32, #tpu.memory_space<hbm>>
          %dma_wait3A_26 = arith.constant 0 : i32
          %dma_wait3A_27 = tpu.memref_slice %arg10[%add3A_14, %dma_wait3A_26] : memref<10240x128xf32, #tpu.memory_space<vmem_shared>> -> memref<128x128xf32, #tpu.memory_space<vmem_shared>>
          tpu.wait_dma2 semaphore(%run_scoped3A : memref<!tpu.dma_semaphore, #tpu.memory_space<semaphore_mem>>) src(%dma_wait3A_27 : memref<128x128xf32, #tpu.memory_space<vmem_shared>>) dst(%dma_wait3A_25 : memref<128x128xf32, #tpu.memory_space<hbm>>)
          tpu.yield
        }) : () -> ()
      } else {
      }
    }
    %scan3A_5 = arith.constant 5 : i32
    return
  }
}

module attributes {stable_mosaic.version = 14 : i64} {
  func.func @_tc_mm_body(%arg0: i32, %arg1: memref<1024x128xf32, #tpu.memory_space<vmem>>, %arg2: memref<128x128xf32, #tpu.memory_space<vmem>>, %arg3: memref<1024x128xf32, #tpu.memory_space<vmem>>) attributes {dimension_semantics = [#tpu.dimension_semantics<arbitrary>], iteration_bounds = array<i64: 10>, scalar_prefetch = 0 : i64, scratch_operands = 0 : i64, tpu.core_type = #tpu.core_type<tc>, window_params = [{transform_indices = @transform_0, window_bounds = array<i64: 1024, 128>}, {pipeline_mode = #tpu.pipeline_mode<synchronous>, transform_indices = @transform_1, window_bounds = array<i64: 128, 128>}, {transform_indices = @transform_2, window_bounds = array<i64: 1024, 128>}]} {
    %get3A = arith.constant 0 : index
    %get3A_0 = arith.constant 0 : index
    %get3A_1 = vector.load %arg1[%get3A, %get3A_0] : memref<1024x128xf32, #tpu.memory_space<vmem>>, vector<1024x128xf32>
    %get3A_2 = arith.constant 0 : index
    %get3A_3 = arith.constant 0 : index
    %get3A_4 = vector.load %arg2[%get3A_2, %get3A_3] : memref<128x128xf32, #tpu.memory_space<vmem>>, vector<128x128xf32>
    %dot_general3A = arith.constant dense<0.000000e+00> : vector<1024x128xf32>
    %dot_general3A_5 = tpu.matmul %get3A_1, %get3A_4, %dot_general3A {dimension_numbers = #tpu.dot_dimension_numbers<[1], [0], [0], [1], [0, 0, 1, 1], [], []>, transpose_lhs_hint = false} : vector<1024x128xf32>, vector<128x128xf32>, vector<1024x128xf32> -> vector<1024x128xf32>
    %swap3A = arith.constant 0 : index
    %swap3A_6 = arith.constant 0 : index
    %swap3A_7 = vector.load %arg3[%swap3A, %swap3A_6] : memref<1024x128xf32, #tpu.memory_space<vmem>>, vector<1024x128xf32>
    tpu.vector_store %arg3[%swap3A, %swap3A_6], %dot_general3A_5 {strides = array<i32>} : memref<1024x128xf32, #tpu.memory_space<vmem>>, vector<1024x128xf32>,
    return
  }
  func.func @transform_0(%arg0: i32) -> (i32, i32) {
    %c0_i32 = arith.constant 0 : i32
    %c0_i32_0 = arith.constant 0 : i32
    return %arg0, %c0_i32 : i32, i32
  }
  func.func @transform_1(%arg0: i32) -> (i32, i32) {
    %c0_i32 = arith.constant 0 : i32
    %c0_i32_0 = arith.constant 0 : i32
    %c0_i32_1 = arith.constant 0 : i32
    return %c0_i32, %c0_i32_0 : i32, i32
  }
  func.func @transform_2(%arg0: i32) -> (i32, i32) {
    %c0_i32 = arith.constant 0 : i32
    %c0_i32_0 = arith.constant 0 : i32
    return %arg0, %c0_i32 : i32, i32
  }
}

module attributes {stable_mosaic.version = 14 : i64} {
  func.func @_tc_scale_body(%arg0: i32, %arg1: memref<1024x128xf32, #tpu.memory_space<vmem>>, %arg2: memref<1024x1xf32, #tpu.memory_space<vmem>>, %arg3: memref<1024x1xf32, #tpu.memory_space<vmem>>, %arg4: memref<1024x128xf32, #tpu.memory_space<vmem>>) attributes {dimension_semantics = [#tpu.dimension_semantics<arbitrary>], iteration_bounds = array<i64: 10>, scalar_prefetch = 0 : i64, scratch_operands = 0 : i64, tpu.core_type = #tpu.core_type<tc>, window_params = [{transform_indices = @transform_0, window_bounds = array<i64: 1024, 128>}, {transform_indices = @transform_1, window_bounds = array<i64: 1024, 1>}, {transform_indices = @transform_2, window_bounds = array<i64: 1024, 1>}, {transform_indices = @transform_3, window_bounds = array<i64: 1024, 128>}]} {
    %get3A = arith.constant 0 : index
    %get3A_0 = arith.constant 0 : index
    %get3A_1 = vector.load %arg1[%get3A, %get3A_0] : memref<1024x128xf32, #tpu.memory_space<vmem>>, vector<1024x128xf32>
    %get3A_2 = arith.constant 0 : index
    %get3A_3 = arith.constant 0 : index
    %get3A_4 = vector.load %arg2[%get3A_2, %get3A_3] : memref<1024x1xf32, #tpu.memory_space<vmem>>, vector<1024x1xf32>
    %get3A_5 = arith.constant 0 : index
    %get3A_6 = arith.constant 0 : index
    %get3A_7 = vector.load %arg3[%get3A_5, %get3A_6] : memref<1024x1xf32, #tpu.memory_space<vmem>>, vector<1024x1xf32>
    %add3A = arith.addf %get3A_4, %get3A_7 : vector<1024x1xf32>
    %gt3A = arith.constant 0.000000e+00 : f32
    %gt3A_8 = vector.broadcast %gt3A : f32 to vector<1024x1xf32>
    %gt3A_9 = arith.cmpf ogt, %add3A, %gt3A_8 : vector<1024x1xf32>
    %gt3A_10 = arith.constant 0.000000e+00 : f32
    %gt3A_11 = vector.broadcast %gt3A_10 : f32 to vector<1024x1xf32>
    %gt3A_12 = arith.cmpf ogt, %add3A, %gt3A_11 : vector<1024x1xf32>
    %jit3A = arith.constant 1.000000e+00 : f32
    %broadcast_in_dim3A = vector.broadcast %jit3A : f32 to vector<1024x1xf32>
    %select_n3A = arith.select %gt3A_12, %add3A, %broadcast_in_dim3A : vector<1024x1xi1>, vector<1024x1xf32>
    %rsqrt3A = math.rsqrt %select_n3A : vector<1024x1xf32>
    %jit3A_13 = arith.constant 0.000000e+00 : f32
    %broadcast_in_dim3A_14 = vector.broadcast %jit3A_13 : f32 to vector<1024x1xf32>
    %select_n3A_15 = arith.select %gt3A_9, %rsqrt3A, %broadcast_in_dim3A_14 : vector<1024x1xi1>, vector<1024x1xf32>
    %mul3A = vector.broadcast %select_n3A_15 : vector<1024x1xf32> to vector<1024x128xf32>
    %mul3A_16 = arith.mulf %get3A_1, %mul3A : vector<1024x128xf32>
    %swap3A = arith.constant 0 : index
    %swap3A_17 = arith.constant 0 : index
    %swap3A_18 = vector.load %arg4[%swap3A, %swap3A_17] : memref<1024x128xf32, #tpu.memory_space<vmem>>, vector<1024x128xf32>
    tpu.vector_store %arg4[%swap3A, %swap3A_17], %mul3A_16 {strides = array<i32>} : memref<1024x128xf32, #tpu.memory_space<vmem>>, vector<1024x128xf32>,
    return
  }
  func.func @transform_0(%arg0: i32) -> (i32, i32) {
    %c0_i32 = arith.constant 0 : i32
    %c0_i32_0 = arith.constant 0 : i32
    return %arg0, %c0_i32 : i32, i32
  }
  func.func @transform_1(%arg0: i32) -> (i32, i32) {
    %c0_i32 = arith.constant 0 : i32
    %c0_i32_0 = arith.constant 0 : i32
    return %arg0, %c0_i32 : i32, i32
  }
  func.func @transform_2(%arg0: i32) -> (i32, i32) {
    %c0_i32 = arith.constant 0 : i32
    %c0_i32_0 = arith.constant 0 : i32
    return %arg0, %c0_i32 : i32, i32
  }
  func.func @transform_3(%arg0: i32) -> (i32, i32) {
    %c0_i32 = arith.constant 0 : i32
    %c0_i32_0 = arith.constant 0 : i32
    return %arg0, %c0_i32 : i32, i32
  }
}

module attributes {stable_mosaic.version = 14 : i64} {
  func.func @_tc_mid_body(%arg0: i32, %arg1: memref<1024x128xf32, #tpu.memory_space<vmem>>, %arg2: memref<1024x128xf32, #tpu.memory_space<vmem>>, %arg3: memref<1024x1xf32, #tpu.memory_space<vmem>>, %arg4: memref<1024x1xf32, #tpu.memory_space<vmem>>, %arg5: memref<1x128xf32, #tpu.memory_space<vmem>>, %arg6: memref<128x128xf32, #tpu.memory_space<vmem>>, %arg7: memref<1024x128xf32, #tpu.memory_space<vmem>>) attributes {dimension_semantics = [#tpu.dimension_semantics<arbitrary>], iteration_bounds = array<i64: 10>, scalar_prefetch = 0 : i64, scratch_operands = 0 : i64, tpu.core_type = #tpu.core_type<tc>, window_params = [{transform_indices = @transform_0, window_bounds = array<i64: 1024, 128>}, {transform_indices = @transform_1, window_bounds = array<i64: 1024, 128>}, {transform_indices = @transform_2, window_bounds = array<i64: 1024, 1>}, {transform_indices = @transform_3, window_bounds = array<i64: 1024, 1>}, {pipeline_mode = #tpu.pipeline_mode<synchronous>, transform_indices = @transform_4, window_bounds = array<i64: 1, 128>}, {pipeline_mode = #tpu.pipeline_mode<synchronous>, transform_indices = @transform_5, window_bounds = array<i64: 128, 128>}, {transform_indices = @transform_6, window_bounds = array<i64: 1024, 128>}]} {
    %get3A = arith.constant 0 : index
    %get3A_0 = arith.constant 0 : index
    %get3A_1 = vector.load %arg3[%get3A, %get3A_0] : memref<1024x1xf32, #tpu.memory_space<vmem>>, vector<1024x1xf32>
    %get3A_2 = arith.constant 0 : index
    %get3A_3 = arith.constant 0 : index
    %get3A_4 = vector.load %arg4[%get3A_2, %get3A_3] : memref<1024x1xf32, #tpu.memory_space<vmem>>, vector<1024x1xf32>
    %add3A = arith.addf %get3A_1, %get3A_4 : vector<1024x1xf32>
    %gt3A = arith.constant 0.000000e+00 : f32
    %gt3A_5 = vector.broadcast %gt3A : f32 to vector<1024x1xf32>
    %gt3A_6 = arith.cmpf ogt, %add3A, %gt3A_5 : vector<1024x1xf32>
    %gt3A_7 = arith.constant 0.000000e+00 : f32
    %gt3A_8 = vector.broadcast %gt3A_7 : f32 to vector<1024x1xf32>
    %gt3A_9 = arith.cmpf ogt, %add3A, %gt3A_8 : vector<1024x1xf32>
    %jit3A = arith.constant 1.000000e+00 : f32
    %broadcast_in_dim3A = vector.broadcast %jit3A : f32 to vector<1024x1xf32>
    %select_n3A = arith.select %gt3A_9, %add3A, %broadcast_in_dim3A : vector<1024x1xi1>, vector<1024x1xf32>
    %rsqrt3A = math.rsqrt %select_n3A : vector<1024x1xf32>
    %jit3A_10 = arith.constant 0.000000e+00 : f32
    %broadcast_in_dim3A_11 = vector.broadcast %jit3A_10 : f32 to vector<1024x1xf32>
    %select_n3A_12 = arith.select %gt3A_6, %rsqrt3A, %broadcast_in_dim3A_11 : vector<1024x1xi1>, vector<1024x1xf32>
    %get3A_13 = arith.constant 0 : index
    %get3A_14 = arith.constant 0 : index
    %get3A_15 = vector.load %arg1[%get3A_13, %get3A_14] : memref<1024x128xf32, #tpu.memory_space<vmem>>, vector<1024x128xf32>
    %get3A_16 = arith.constant 0 : index
    %get3A_17 = arith.constant 0 : index
    %get3A_18 = vector.load %arg2[%get3A_16, %get3A_17] : memref<1024x128xf32, #tpu.memory_space<vmem>>, vector<1024x128xf32>
    %add3A_19 = arith.addf %get3A_15, %get3A_18 : vector<1024x128xf32>
    %mul3A = vector.broadcast %select_n3A_12 : vector<1024x1xf32> to vector<1024x128xf32>
    %mul3A_20 = arith.mulf %add3A_19, %mul3A : vector<1024x128xf32>
    %get3A_21 = arith.constant 0 : index
    %get3A_22 = arith.constant 0 : index
    %get3A_23 = vector.load %arg5[%get3A_21, %get3A_22] : memref<1x128xf32, #tpu.memory_space<vmem>>, vector<1x128xf32>
    %add3A_24 = vector.broadcast %get3A_23 : vector<1x128xf32> to vector<1024x128xf32>
    %add3A_25 = arith.addf %mul3A_20, %add3A_24 : vector<1024x128xf32>
    %get3A_26 = arith.constant 0 : index
    %get3A_27 = arith.constant 0 : index
    %get3A_28 = vector.load %arg6[%get3A_26, %get3A_27] : memref<128x128xf32, #tpu.memory_space<vmem>>, vector<128x128xf32>
    %dot_general3A = arith.constant dense<0.000000e+00> : vector<1024x128xf32>
    %dot_general3A_29 = tpu.matmul %add3A_25, %get3A_28, %dot_general3A {dimension_numbers = #tpu.dot_dimension_numbers<[1], [0], [0], [1], [0, 0, 1, 1], [], []>, transpose_lhs_hint = false} : vector<1024x128xf32>, vector<128x128xf32>, vector<1024x128xf32> -> vector<1024x128xf32>
    %mul3A_30 = vector.broadcast %select_n3A_12 : vector<1024x1xf32> to vector<1024x128xf32>
    %mul3A_31 = arith.mulf %dot_general3A_29, %mul3A_30 : vector<1024x128xf32>
    %swap3A = arith.constant 0 : index
    %swap3A_32 = arith.constant 0 : index
    %swap3A_33 = vector.load %arg7[%swap3A, %swap3A_32] : memref<1024x128xf32, #tpu.memory_space<vmem>>, vector<1024x128xf32>
    tpu.vector_store %arg7[%swap3A, %swap3A_32], %mul3A_31 {strides = array<i32>} : memref<1024x128xf32, #tpu.memory_space<vmem>>, vector<1024x128xf32>,
    return
  }
  func.func @transform_0(%arg0: i32) -> (i32, i32) {
    %c0_i32 = arith.constant 0 : i32
    %c0_i32_0 = arith.constant 0 : i32
    return %arg0, %c0_i32 : i32, i32
  }
  func.func @transform_1(%arg0: i32) -> (i32, i32) {
    %c0_i32 = arith.constant 0 : i32
    %c0_i32_0 = arith.constant 0 : i32
    return %arg0, %c0_i32 : i32, i32
  }
  func.func @transform_2(%arg0: i32) -> (i32, i32) {
    %c0_i32 = arith.constant 0 : i32
    %c0_i32_0 = arith.constant 0 : i32
    return %arg0, %c0_i32 : i32, i32
  }
  func.func @transform_3(%arg0: i32) -> (i32, i32) {
    %c0_i32 = arith.constant 0 : i32
    %c0_i32_0 = arith.constant 0 : i32
    return %arg0, %c0_i32 : i32, i32
  }
  func.func @transform_4(%arg0: i32) -> (i32, i32) {
    %c0_i32 = arith.constant 0 : i32
    %c0_i32_0 = arith.constant 0 : i32
    %c0_i32_1 = arith.constant 0 : i32
    return %c0_i32, %c0_i32_0 : i32, i32
  }
  func.func @transform_5(%arg0: i32) -> (i32, i32) {
    %c0_i32 = arith.constant 0 : i32
    %c0_i32_0 = arith.constant 0 : i32
    %c0_i32_1 = arith.constant 0 : i32
    return %c0_i32, %c0_i32_0 : i32, i32
  }
  func.func @transform_6(%arg0: i32) -> (i32, i32) {
    %c0_i32 = arith.constant 0 : i32
    %c0_i32_0 = arith.constant 0 : i32
    return %arg0, %c0_i32 : i32, i32
  }
}

module attributes {stable_mosaic.version = 14 : i64} {
  func.func @_tc_out_body(%arg0: i32, %arg1: memref<1024x128xf32, #tpu.memory_space<vmem>>, %arg2: memref<1024x128xf32, #tpu.memory_space<vmem>>, %arg3: memref<1024x1xf32, #tpu.memory_space<vmem>>, %arg4: memref<1024x1xf32, #tpu.memory_space<vmem>>, %arg5: memref<1x128xf32, #tpu.memory_space<vmem>>, %arg6: memref<1024x128xf32, #tpu.memory_space<vmem>>) attributes {dimension_semantics = [#tpu.dimension_semantics<arbitrary>], iteration_bounds = array<i64: 10>, scalar_prefetch = 0 : i64, scratch_operands = 0 : i64, tpu.core_type = #tpu.core_type<tc>, window_params = [{transform_indices = @transform_0, window_bounds = array<i64: 1024, 128>}, {transform_indices = @transform_1, window_bounds = array<i64: 1024, 128>}, {transform_indices = @transform_2, window_bounds = array<i64: 1024, 1>}, {transform_indices = @transform_3, window_bounds = array<i64: 1024, 1>}, {pipeline_mode = #tpu.pipeline_mode<synchronous>, transform_indices = @transform_4, window_bounds = array<i64: 1, 128>}, {transform_indices = @transform_5, window_bounds = array<i64: 1024, 128>}]} {
    %get3A = arith.constant 0 : index
    %get3A_0 = arith.constant 0 : index
    %get3A_1 = vector.load %arg3[%get3A, %get3A_0] : memref<1024x1xf32, #tpu.memory_space<vmem>>, vector<1024x1xf32>
    %get3A_2 = arith.constant 0 : index
    %get3A_3 = arith.constant 0 : index
    %get3A_4 = vector.load %arg4[%get3A_2, %get3A_3] : memref<1024x1xf32, #tpu.memory_space<vmem>>, vector<1024x1xf32>
    %add3A = arith.addf %get3A_1, %get3A_4 : vector<1024x1xf32>
    %gt3A = arith.constant 0.000000e+00 : f32
    %gt3A_5 = vector.broadcast %gt3A : f32 to vector<1024x1xf32>
    %gt3A_6 = arith.cmpf ogt, %add3A, %gt3A_5 : vector<1024x1xf32>
    %gt3A_7 = arith.constant 0.000000e+00 : f32
    %gt3A_8 = vector.broadcast %gt3A_7 : f32 to vector<1024x1xf32>
    %gt3A_9 = arith.cmpf ogt, %add3A, %gt3A_8 : vector<1024x1xf32>
    %jit3A = arith.constant 1.000000e+00 : f32
    %broadcast_in_dim3A = vector.broadcast %jit3A : f32 to vector<1024x1xf32>
    %select_n3A = arith.select %gt3A_9, %add3A, %broadcast_in_dim3A : vector<1024x1xi1>, vector<1024x1xf32>
    %rsqrt3A = math.rsqrt %select_n3A : vector<1024x1xf32>
    %jit3A_10 = arith.constant 0.000000e+00 : f32
    %broadcast_in_dim3A_11 = vector.broadcast %jit3A_10 : f32 to vector<1024x1xf32>
    %select_n3A_12 = arith.select %gt3A_6, %rsqrt3A, %broadcast_in_dim3A_11 : vector<1024x1xi1>, vector<1024x1xf32>
    %get3A_13 = arith.constant 0 : index
    %get3A_14 = arith.constant 0 : index
    %get3A_15 = vector.load %arg1[%get3A_13, %get3A_14] : memref<1024x128xf32, #tpu.memory_space<vmem>>, vector<1024x128xf32>
    %get3A_16 = arith.constant 0 : index
    %get3A_17 = arith.constant 0 : index
    %get3A_18 = vector.load %arg2[%get3A_16, %get3A_17] : memref<1024x128xf32, #tpu.memory_space<vmem>>, vector<1024x128xf32>
    %add3A_19 = arith.addf %get3A_15, %get3A_18 : vector<1024x128xf32>
    %mul3A = vector.broadcast %select_n3A_12 : vector<1024x1xf32> to vector<1024x128xf32>
    %mul3A_20 = arith.mulf %add3A_19, %mul3A : vector<1024x128xf32>
    %get3A_21 = arith.constant 0 : index
    %get3A_22 = arith.constant 0 : index
    %get3A_23 = vector.load %arg5[%get3A_21, %get3A_22] : memref<1x128xf32, #tpu.memory_space<vmem>>, vector<1x128xf32>
    %add3A_24 = vector.broadcast %get3A_23 : vector<1x128xf32> to vector<1024x128xf32>
    %add3A_25 = arith.addf %mul3A_20, %add3A_24 : vector<1024x128xf32>
    %swap3A = arith.constant 0 : index
    %swap3A_26 = arith.constant 0 : index
    %swap3A_27 = vector.load %arg6[%swap3A, %swap3A_26] : memref<1024x128xf32, #tpu.memory_space<vmem>>, vector<1024x128xf32>
    tpu.vector_store %arg6[%swap3A, %swap3A_26], %add3A_25 {strides = array<i32>} : memref<1024x128xf32, #tpu.memory_space<vmem>>, vector<1024x128xf32>,
    return
  }
  func.func @transform_0(%arg0: i32) -> (i32, i32) {
    %c0_i32 = arith.constant 0 : i32
    %c0_i32_0 = arith.constant 0 : i32
    return %arg0, %c0_i32 : i32, i32
  }
  func.func @transform_1(%arg0: i32) -> (i32, i32) {
    %c0_i32 = arith.constant 0 : i32
    %c0_i32_0 = arith.constant 0 : i32
    return %arg0, %c0_i32 : i32, i32
  }
  func.func @transform_2(%arg0: i32) -> (i32, i32) {
    %c0_i32 = arith.constant 0 : i32
    %c0_i32_0 = arith.constant 0 : i32
    return %arg0, %c0_i32 : i32, i32
  }
  func.func @transform_3(%arg0: i32) -> (i32, i32) {
    %c0_i32 = arith.constant 0 : i32
    %c0_i32_0 = arith.constant 0 : i32
    return %arg0, %c0_i32 : i32, i32
  }
  func.func @transform_4(%arg0: i32) -> (i32, i32) {
    %c0_i32 = arith.constant 0 : i32
    %c0_i32_0 = arith.constant 0 : i32
    %c0_i32_1 = arith.constant 0 : i32
    return %c0_i32, %c0_i32_0 : i32, i32
  }
  func.func @transform_5(%arg0: i32) -> (i32, i32) {
    %c0_i32 = arith.constant 0 : i32
    %c0_i32_0 = arith.constant 0 : i32
    return %arg0, %c0_i32 : i32, i32
  }
}

</mosaic_0001>

<sc_bundles>
// kernel: kernel.12.cloned.1.call-start
scs
__scs_entry_jumppad:
0x0: {  	(pc) =	sbr.rel $0x88, $3  }
0x1: {  	(tag) =	ssettag $0x0;
	lr =	simm.s32 $0x1  }
0x2: {  	[smem:$0x3F9B] =	sst lr;
	_ =	strace $0xD0000000  }
0x3: {  	_ = 	snop  }
0x4: {  	_ = 	snop  }
0x5: {  	_ = 	snop  }
0x6: {  	_ = 	snop  }
0x7: {  	_ = 	snop  }
__scs_overlays_trampoline_lowered:
0x8: {  	[smem:$0x3FAA] =	sst s0  }
0x9: {  	[smem:$0x3FAB] =	sst s1  }
0xa: {  	[smem:$0x3FAC] =	sst s2  }
0xb: {  	[smem:$0x3FAD] =	sst s3  }
0xc: {  	[smem:$0x3FAE] =	sst s4  }
0xd: {  	[smem:$0x3FAF] =	sst s5  }
0xe: {  	[smem:$0x3FB0] =	sst s6  }
0xf: {  	[smem:$0x3FB1] =	sst s7  }
0x10: {  	[smem:$0x3FB2] =	sst s8  }
0x11: {  	[smem:$0x3FB3] =	sst s9;
	s0 =	simm.s32 @!p0 $0x0  }
0x12: {  	s1 =	sld [smem:$0x3F99];
	s0 =	simm.s32 @p0 $0x1  }
0x13: {  	[smem:$0x3FB4] =	sst s0;
	s0 =	simm.s32 @!p1 $0x0  }
0x14: {  	s2 =	sld [smem:$0x3F98];
	s0 =	simm.s32 @p1 $0x1  }
0x15: {  	[smem:$0x3FB5] =	sst s0;
	s0 =	simm.s32 @!p2 $0x0  }
0x16: {  	s3 =	sld [smem:$0x3FDB];
	s0 =	simm.s32 @p2 $0x1  }
0x17: {  	s4 =	simm.s32 $0x1BF5;
	[smem:$0x3FB7] =	sst s0  }
0x18: {  	s0 =	sld [smem:$0x3F9A];
	_ =	swait.ge [sflag:s4], $0x0  }
0x19: {  	s7 =	sld [smem:$0x3F9B]  }
0x1a: {  	s8 =	sadd.s32 $0xFFFFE003, lr  }
0x1b: {  	s9 =	sadd.s32 $0xFFFFFEF7, lr;
	s5 =	simm.s32 $0xFFFFFFFF;
	p2 =	slt.u32 s8, $0xFFFFF086  }
0x1c: {  	p1 =	slt.u32 s9, $0xF7A;
	s5 =	simm.s32 @!p2 $0x0  }
0x1d: {  	s5 =	simm.s32 @p1 $0x1;
	p0 =	seq.s32 s7, s2  }
0x1e: {  	s7 =	smul.u32 @!p0 $0xF7A, s2;
	p2 =	seq.s32 @!p0 s5, $0x0  }
0x1f: {  	s9 =	smul.u32 $0xF7A, s1;
	s8 =	simm.s32 @!p0 $0x1BF5;
	p2 =	por !p2, p0  }
0x20: {  	[sflag:s8] =	ssyncset.s32 @!p0 $0xFFFFF086;
	s6 =	sadd.s32 @!p0 s3, s7;
	s7 =	simm.s32 @!p0 $0x108  }
0x21: {  	s3 =	sadd.s32 s3, s9;
	s6 =	sadd.s32 @!p0 $0x88, s6;
	s7 =	simm.s32 @p2 $0x1082  }
0x22: {  	[simem:s7], [sflag:s8] =	dma.local @!p0 [hbm:s6], $0xF7A  }
0x23: {  	s9 =	sor.u32 $0xD0000000, s2;
	s6 =	simm.s32 $0x108;
	_ =	swait.ge @!p0 [sflag:s8], $0x0  }
0x24: {  	s3 =	sadd.s32 $0x88, s3;
	s6 =	simm.s32 @!p1 $0x1082;
	[sflag:s4] =	ssyncset.s32 $0xFFFFF086  }
0x25: {  	[simem:s6], [sflag:s4] =	dma.local [hbm:s3], $0xF7A  }
0x26: {  	[smem:$0x3F9B] =	sst s1;
	(tag) =	ssettag s2;
	_ =	strace s9  }
0x27: {  	s1 =	sld [smem:$0x3FAB]  }
0x28: {  	s2 =	sld [smem:$0x3FAC]  }
0x29: {  	s4 =	sld [smem:$0x3FAE]  }
0x2a: {  	p0 =	seq.s32 s5, $0x0;
	s5 =	sld [smem:$0x3FAF]  }
0x2b: {  	s6 =	sld [smem:$0x3FB0]  }
0x2c: {  	s7 =	sld [smem:$0x3FB1]  }
0x2d: {  	s3 =	simm.s32 $0x108;
	s8 =	sld [smem:$0x3FB2]  }
0x2e: {  	s3 =	simm.s32 @!p0 $0x1082;
	s9 =	sld [smem:$0x3FB3]  }
0x2f: {  	lr =	sadd.s32 s0, s3;
	s0 =	sld [smem:$0x3FAA]  }
0x30: {  	s3 =	sld [smem:$0x3FAD]  }
0x31: {  	[smem:$0x3FB6] =	sst s10  }
0x32: {  	s10 =	sld [smem:$0x3FB4];
	_ =	sdelay $0x3  }
0x33: {  	p0 =	seq.s32 s10, $0x1;
	s10 =	sld [smem:$0x3FB6];
	_ =	sdelay $0x3  }
0x34: {  	[smem:$0x3FB6] =	sst s10  }
0x35: {  	s10 =	sld [smem:$0x3FB5];
	_ =	sdelay $0x3  }
0x36: {  	p1 =	seq.s32 s10, $0x1;
	s10 =	sld [smem:$0x3FB6];
	_ =	sdelay $0x3  }
0x37: {  	[smem:$0x3FB6] =	sst s10  }
0x38: {  	s10 =	sld [smem:$0x3FB7]  }
0x39: {  	_ = 	snop;
	(pc) =	sbr.ind lr, $3  }
0x3a: {  	_ = 	snop  }
0x3b: {  	_ = 	snop  }
0x3c: {  	p2 =	seq.s32 s10, $0x1;
	s10 =	sld [smem:$0x3FB6]  }
0x3d: {  	_ =	shalt  }
0x3e: {  	_ =	shalt  }
0x3f: {  	_ =	shalt  }
0x40: {  	_ =	shalt  }
0x41: {  	_ =	shalt  }
0x42: {  	_ =	shalt  }
0x43: {  	_ =	shalt  }
0x44: {  	_ =	shalt  }
0x45: {  	_ =	shalt  }
0x46: {  	_ =	shalt  }
0x47: {  	_ =	shalt  }
0x48: {  	_ =	shalt  }
0x49: {  	_ =	shalt  }
0x4a: {  	_ =	shalt  }
0x4b: {  	_ =	shalt  }
0x4c: {  	_ =	shalt  }
0x4d: {  	_ =	shalt  }
0x4e: {  	_ =	shalt  }
0x4f: {  	_ =	shalt  }
0x50: {  	_ =	shalt  }
0x51: {  	_ =	shalt  }
0x52: {  	_ =	shalt  }
0x53: {  	_ =	shalt  }
0x54: {  	_ =	shalt  }
0x55: {  	_ =	shalt  }
0x56: {  	_ =	shalt  }
0x57: {  	_ =	shalt  }
0x58: {  	_ =	shalt  }
0x59: {  	_ =	shalt  }
0x5a: {  	_ =	shalt  }
0x5b: {  	_ =	shalt  }
0x5c: {  	_ =	shalt  }
0x5d: {  	_ =	shalt  }
0x5e: {  	_ =	shalt  }
0x5f: {  	_ =	shalt  }
0x60: {  	_ =	shalt  }
0x61: {  	_ =	shalt  }
0x62: {  	_ =	shalt  }
0x63: {  	_ =	shalt  }
0x64: {  	_ =	shalt  }
0x65: {  	_ =	shalt  }
0x66: {  	_ =	shalt  }
0x67: {  	_ =	shalt  }
0x68: {  	_ =	shalt  }
0x69: {  	_ =	shalt  }
0x6a: {  	_ =	shalt  }
0x6b: {  	_ =	shalt  }
0x6c: {  	_ =	shalt  }
0x6d: {  	_ =	shalt  }
0x6e: {  	_ =	shalt  }
0x6f: {  	_ =	shalt  }
0x70: {  	_ =	shalt  }
0x71: {  	_ =	shalt  }
0x72: {  	_ =	shalt  }
0x73: {  	_ =	shalt  }
0x74: {  	_ =	shalt  }
0x75: {  	_ =	shalt  }
0x76: {  	_ =	shalt  }
0x77: {  	_ =	shalt  }
0x78: {  	_ =	shalt  }
0x79: {  	_ =	shalt  }
0x7a: {  	_ =	shalt  }
0x7b: {  	_ =	shalt  }
0x7c: {  	_ =	shalt  }
0x7d: {  	_ =	shalt  }
0x7e: {  	_ =	shalt  }
0x7f: {  	_ =	shalt  }
0x80: {  	_ =	shalt  }
0x81: {  	_ =	shalt  }
0x82: {  	_ =	shalt  }
0x83: {  	_ =	shalt  }
0x84: {  	_ =	shalt  }
0x85: {  	_ =	shalt  }
0x86: {  	_ =	shalt  }
0x87: {  	_ =	shalt  }
.Lfunc_end0:
.L_simem_size_0:
called_computation.1_lowered:
.L_overlay_start_0:
0x88: {  	s2 =	sld [smem:$0x3FD9]  }
0x89: {  	s3 =	sld [smem:$0x3FFE];
	_ =	sdelay $0x1  }
0x8a: {  	s1 =	srdreg.scid  }
0x8b: {  	s0 =	sand.u32 $0x1, s1  }
0x8c: {  	s17 =	sshll.u32 s0, $0xA;
	s2 =	sadd.s32 s3, s2  }
0x8d: {  	s2 =	sadd.s32 s2, s17  }
0x8e: {  	[smem:$0x3FC2] =	sst s2  }
0x8f: {  	_ = 	snop  }
0x90: {  	s2 =	sld [smem:$0x3FD0];
	(tm) =	ssettm $0x1  }
0x91: {  	s18 =	sld [smem:$0x3FFB];
	_ =	sdelay $0x3  }
0x92: {  	_ =	strace s18  }
0x93: {  	s3 =	sld [smem:$0x3FFC];
	_ =	sdelay $0x3  }
0x94: {  	_ =	strace s3  }
0x95: {  	s3 =	sld [smem:$0x3FFD];
	_ =	sdelay $0x3  }
0x96: {  	_ =	strace s3  }
0x97: {  	_ =	strace $0x8FFFFFFF  }
0x98: {  	s19 =	sld [smem:$0x3FDB];
	_ =	sdelay $0x1  }
0x99: {  	s4 =	simm.s32 $_scs_section_size  }
0x9a: {  	s5 =	simm.s32 $_size__tile_overlayer_lowered;
	s6 =	simm.s32 $_tile_overlayer_lowered  }
0x9b: {  	s22 =	simm.s32 $0x1BFF;
	s21 =	sshll.u32 s6, $0x1;
	s3 =	sadd.s32 s4, s19  }
0x9c: {  	s7 =	simm.s32 $0x0;
	s20 =	sshll.u32 s5, $0x1;
	s5 =	sadd.s32 s21, s3  }
0x9d: {  	[timem:s7], [sflag:s22] =	dma.local [hbm:s5], s20  }
0x9e: {  	_ =	swait.ge [sflag:s22], s20  }
0x9f: {  	s4 =	ssub.s32 $0x0, s20;
	[sflag:s22] =	ssyncset.done $0x0  }
0xa0: {  	[sflag:s22] =	ssyncadd.s32 s4;
	_ =	sdelay $0x1  }
0xa1: {  	s23 =	simm.s32 $0x1B8B  }
0xa2: {  	_ =	swait.ge [sflag:s23], $0x1  }
0xa3: {  	[sflag:s23] =	ssyncset.done $0x0  }
0xa4: {  	s25 =	simm.s32 $0x1B8E;
	s24 =	sld [smem:$0x3FFE];
	[sflag:s23] =	ssyncadd.s32 $0xFFFFFFFF  }
0xa5: {  	s26 =	simm.s32 $execute0_lowered;
	[smem:$0x3FD2] =	sst s25  }
0xa6: {  	s5 =	sshll.u32 s26, $0x1;
	_ =	strace $0x80000049;
	[dreg:$0x1] =	wrdreg $0xFFFFFFFF  }
0xa7: {  	s28 =	simm.s32 $_size_execute0_lowered;
	s3 =	sadd.s32 s3, s5;
	[dreg:$0x0] =	wrdreg $0x0  }
0xa8: {  	s5 =	sshll.u32 s28, $0x1;
	[dreg:$0x2] =	wrdreg s3  }
0xa9: {  	[dreg:$0x3] =	wrdreg s5  }
0xaa: {  	[dreg:$0x4] =	wrdreg $0xC0  }
0xab: {  	_ =	task [dreg:s7], $0x5FFFF  }
0xac: {  	[dreg:$0x1] =	wrdreg $0xFFFFFFFF  }
0xad: {  	[dreg:$0x0] =	wrdreg $0x60  }
0xae: {  	[dreg:$0x2] =	wrdreg s24  }
0xaf: {  	[dreg:$0x3] =	wrdreg s2  }
0xb0: {  	[dreg:$0x4] =	wrdreg $0x28000  }
0xb1: {  	[dreg:$0x5] =	wrdreg $0x9  }
0xb2: {  	_ =	task.clear_ibuf [dreg:s7], $0x6FFFF;
	_ =	strace $0x90000049  }
0xb3: {  	s29 =	simm.s32 $0x9;
	_ =	strace $0x8000004B  }
0xb4: {  	_ =	swait.ge [sflag:s29], $0x1  }
0xb5: {  	[sflag:s29] =	ssyncadd.s32 $0xFFFFFFFF  }
0xb6: {  	_ =	strace $0x9000004B  }
0xb7: {  	_ =	sfence  }
0xb8: {  	s30 =	sld [smem:$0x0];
	_ =	sdelay $0x2  }
0xb9: {  	s31 =	sshll.u32 s1, $0xD;
	s1 =	sshrl.u32 s1, $0x2  }
0xba: {  	s3 =	sand.u32 $0x4000, s31;
	s1 =	sadd.s32 s1, s30  }
0xbb: {  	s0 =	sor.u32 s3, s0;
	s1 =	sshll.u32 s1, $0x11  }
0xbc: {  	s0 =	sor.u32 s1, s0  }
0xbd: {  	s0 =	sadd.s32 $0x8F2B, s0  }
0xbe: {  	[sflag:s0] =	ssyncadd.remote.s32 $0x1  }
0xbf: {  	_ =	sfence.sel $0xFFFF  }
0xc0: {  	[dreg:$0x0] =	wrdreg $0xFFFFFFFF;
	(pc) =	sbr.abs _section_cstart, $3  }
0xc1: {  	[dreg:$0x1] =	wrdreg $0xFFFFFFFF  }
0xc2: {  	_ =	task.clear_ibuf [dreg:s7], $0x2FFFF;
	_ =	strace $0x9FFFFFFF  }
0xc3: {  	(tm) =	ssettm $0x7FFFFFFF  }
tec
execute0_lowered:
.L_overlay_start_1:
0x0: {  	(tag) =	ssettag $0x1  }
0x1: {  	s0 =	rddreg [dreg:$0x0];
	s1 =	simm.s32 $0x0;
	s3 =	srdreg.scid  }
0x2: {  	s13 =	stileid.u32;
	[smem:$0x7FF] =	sst s1;
	s2 =	sadd.s32 $0x3800, s0  }
0x3: {  	s4 =	sadd.s32 $0xD800, s0;
	s3 =	sand.u32 $0x1, s3;
	s5 =	smul.u32 $0x2800, s13  }
0x4: {  	s6 =	sadd.s32 $0x42000, s0;
	s7 =	sadd.s32 $0x6A000, s0;
	s10 =	smul.u32 $0x280, s13  }
0x5: {  	s12 =	smul.u32 $0x500, s13;
	s29 =	sshll.u32 s13, $0x6;
	s8 =	ssub.s32 $0x2, s3  }
0x6: {  	p0 =	sne.s32 s3, $0x0;
	s3 =	simm.s32 $0x80;
	s9 =	sshrl.u32 s8, $0x1  }
0x7: {  	s11 =	sshrl.u32 s5, $0x3;
	s17 =	sadd.s32 s2, s12;
	s18 =	sadd.s32 s4, s12  }
0x8: {  	s22 =	sadd.s32 s7, s5;
	s26 =	sadd.s32 $0x5000, s11;
	[dreg:$0x8] =	wrdreg s17  }
0x9: {  	s15 =	sadd.s32 $0x5280, s11;
	[dreg:$0x9] =	wrdreg s18;
	s19 =	sadd.s32 $0x280, s11  }
0xa: {  	[dreg:$0xc] =	wrdreg s22;
	s14 =	sadd.s32 s2, s26;
	s16 =	sadd.s32 s2, s15  }
0xb: {  	s2 =	sadd.s32 s2, s19;
	s20 =	sadd.s32 s4, s19;
	s19 =	rddreg [dreg:$0x1]  }
0xc: {  	s8 =	ssub.s32 s8, s9;
	s9 =	sadd.s32 s4, s26;
	[dreg:$0x4] =	wrdreg s14  }
0xd: {  	s12 =	sadd.s32 $0x180, s10;
	s11 =	sadd.s32 $0x80, s10;
	[dreg:$0x5] =	wrdreg s9  }
0xe: {  	s18 =	sshll.u32 s12, $0x4;
	s12 =	sshll.u32 s12, $0x7;
	[dreg:$0x6] =	wrdreg s16  }
0xf: {  	s21 =	sshll.u32 s11, $0x4;
	s26 =	sadd.s32 s7, s18;
	[dreg:$0xa] =	wrdreg s2  }
0x10: {  	s9 =	sadd.s32 s4, s15;
	[dreg:$0xb] =	wrdreg s20;
	s23 =	sadd.s32 s7, s21  }
0x11: {  	s4 =	sadd.s32 $0x100, s10;
	s10 =	sadd.s32 $0x200, s10;
	[dreg:$0xf] =	wrdreg s26  }
0x12: {  	s15 =	sadd.s32 s6, s5;
	s16 =	sadd.s32 s6, s21;
	s21 =	rddreg [dreg:$0x2]  }
0x13: {  	s20 =	sadd.s32 s6, s18;
	s5 =	smul.u32 $0x50000, s13;
	[dreg:$0x7] =	wrdreg s9  }
0x14: {  	s2 =	simm.s32 $0x1400;
	[dreg:$0xd] =	wrdreg s23;
	s24 =	sshll.u32 s4, $0x4  }
0x15: {  	s22 =	sshll.u32 s10, $0x4;
	s23 =	sadd.s32 $0x3F800, s0;
	s9 =	sshll.u32 s11, $0x7  }
0x16: {  	s11 =	sshll.u32 s4, $0x7;
	s18 =	sshll.u32 s10, $0x7;
	s30 =	sadd.s32 s12, s21  }
0x17: {  	s0 =	simm.s32 $0x3;
	s4 =	simm.s32 $0x16800;
	s25 =	sadd.s32 s7, s24  }
0x18: {  	s14 =	sadd.s32 s7, s22;
	s17 =	sadd.s32 s6, s24;
	s22 =	sadd.s32 s6, s22  }
.Ltmp0:
0x19: {  	s7 =	sshrl.u32 s5, $0x2;
	s26 =	sadd.s32 s9, s21;
	(pc) =	sbr.rel .LBB2_1-.Ltmp0, $4  }
0x1a: {  	s28 =	sadd.s32 s11, s21;
	s31 =	sadd.s32 s18, s21;
	s18 =	sor.u32 $0x1C03, s29  }
0x1b: {  	s5 =	simm.s32 $0x1A800;
	s6 =	simm.s32 $0x1;
	s9 =	simm.s32 $0x2780  }
0x1c: {  	[dreg:$0xe] =	wrdreg s25;
	s24 =	sadd.s32 s7, s21;
	s25 =	smax.u32 s8, $0x1  }
0x1d: {  	s7 =	simm.s32 $0x2;
	s8 =	simm.s32 $0x2700;
	_ =	strace $0x8000004A  }
.LBB2_11:
0x1e: {  	[tilespmem:s5], [sflag:$0x2] =	stream.indirect.gather [hbm4b:s19+s3], $0x80, s12, s3, $0xb8;
	[tilespmem:$0x1E800] =	vst v63  }
0x1f: {  	_ =	swait.ge [sflag:s6], $0x4000  }
0x20: {  	[sflag:s6] =	ssyncset.done $0x0  }
0x21: {  	s11 =	simm.s32 $0x3;
	[sflag:s6] =	ssyncadd.s32 $0xFFFFC000  }
0x22: {  	[spmem:s21] =	stream.indirect.scatter.add.f32 [tilespmem:s4], [sflag:$0x3], $0x80, s8, s3, $0xb8;
	[tilespmem:$0x1E800] =	vst v63  }
0x23: {  	_ =	swait.ge [sflag:s11], $0x4000  }
0x24: {  	[sflag:s11] =	ssyncset.done $0x0  }
0x25: {  	[sflag:s11] =	ssyncadd.s32 $0xFFFFC000  }
0x26: {  	_ =	swait.ge [sflag:s7], $0x4000  }
0x27: {  	[sflag:s7] =	ssyncset.done $0x0  }
0x28: {  	[sflag:s7] =	ssyncadd.s32 $0xFFFFC000  }
0x29: {  	[spmem:s21] =	stream.indirect.scatter.add.f32 [tilespmem:s5], [sflag:$0x3], $0x80, s9, s3, $0xb8;
	[tilespmem:$0x1E800] =	vst v63  }
0x2a: {  	_ =	swait.ge [sflag:s11], $0x4000  }
0x2b: {  	[sflag:s11] =	ssyncset.done $0x0  }
0x2c: {  	[sflag:s11] =	ssyncadd.s32 $0xFFFFC000  }
0x2d: {  	[bflag:$0x0] =	sbarrier.arrive $0xFFFF  }
0x2e: {  	s13 =	rddreg [dreg:$0xc]  }
0x2f: {  	[hbm:s13], [sflag:s18] =	dma.local [spmem:s10], $0x800  }
0x30: {  	_ =	swait.ge [sflag:s11], $0x800  }
0x31: {  	[sflag:s11] =	ssyncset.done $0x0  }
0x32: {  	s12 =	sshrl.u32 s26, $0x3;
	s13 =	rddreg [dreg:$0xd];
	[sflag:s11] =	ssyncadd.s32 $0xFFFFF800  }
0x33: {  	[hbm:s13], [sflag:s18] =	dma.local [spmem:s12], $0x800  }
0x34: {  	_ =	swait.ge [sflag:s11], $0x800  }
0x35: {  	[sflag:s11] =	ssyncset.done $0x0  }
0x36: {  	s12 =	sshrl.u32 s28, $0x3;
	s13 =	rddreg [dreg:$0xe];
	[sflag:s11] =	ssyncadd.s32 $0xFFFFF800  }
0x37: {  	[hbm:s13], [sflag:s18] =	dma.local [spmem:s12], $0x800  }
0x38: {  	_ =	swait.ge [sflag:s11], $0x800  }
0x39: {  	[sflag:s11] =	ssyncset.done $0x0  }
0x3a: {  	s12 =	sshrl.u32 s30, $0x3;
	s13 =	rddreg [dreg:$0xf];
	[sflag:s11] =	ssyncadd.s32 $0xFFFFF800  }
0x3b: {  	[hbm:s13], [sflag:s18] =	dma.local [spmem:s12], $0x800  }
0x3c: {  	_ =	swait.ge [sflag:s11], $0x800  }
0x3d: {  	[sflag:s11] =	ssyncset.done $0x0  }
0x3e: {  	s13 =	sshrl.u32 s31, $0x3;
	[sflag:s11] =	ssyncadd.s32 $0xFFFFF800  }
0x3f: {  	[hbm:s14], [sflag:s18] =	dma.local [spmem:s13], $0x800  }
.LBB2_12:
0x40: {  	s1 =	sadd.s32 $0x1, s1  }
0x41: {  	p1 =	sne.s32 s1, s25  }
.Ltmp1:
0x42: {  	_ = 	snop;
	(pc) =	sbr.rel @!p1 .LBB2_13-.Ltmp1, $4  }
0x43: {  	_ = 	snop  }
0x44: {  	_ =	swait.ge [sflag:s11], $0x800  }
0x45: {  	[sflag:s11] =	ssyncset.done $0x0  }
0x46: {  	[sflag:s11] =	ssyncadd.s32 $0xFFFFF800  }
.LBB2_1:
0x47: {  	s10 =	sshrl.u32 s24, $0x3  }
0x48: {  	[spmem:s10], [sflag:s18] =	dma.local [hbm:s23], $0x2800  }
.Ltmp2:
0x49: {  	_ =	swait.ge [sflag:s0], $0x2800;
	(pc) =	sbr.rel @p0 .LBB2_7-.Ltmp2, $4  }
0x4a: {  	[sflag:s0] =	ssyncset.done $0x0  }
0x4b: {  	[sflag:s0] =	ssyncadd.s32 $0xFFFFD800  }
0x4c: {  	[bflag:$0x0] =	sbarrier.arrive $0xFFFF  }
0x4d: {  	s11 =	simm.s32 $0x0  }
0x4e: {  	s12 =	rddreg [dreg:$0x8]  }
0x4f: {  	[tilespmem:s11], [sflag:$0x3] =	stream.linear.gather [hbm4b:s12+s11], $0x1400, $0x38;
	[tilespmem:$0x1E800] =	vst v63  }
0x50: {  	_ =	swait.ge [sflag:s0], $0x1400  }
0x51: {  	[sflag:s0] =	ssyncset.done $0x0  }
0x52: {  	s13 =	rddreg [dreg:$0x9];
	[sflag:s0] =	ssyncadd.s32 $0xFFFFEC00  }
0x53: {  	[tilespmem:s2], [sflag:$0x3] =	stream.linear.gather [hbm4b:s13+s11], $0x1400, $0x38;
	[tilespmem:$0x1E800] =	vst v63  }
0x54: {  	_ =	swait.ge [sflag:s0], $0x1400  }
0x55: {  	[sflag:s0] =	ssyncset.done $0x0  }
0x56: {  	[sflag:s0] =	ssyncadd.s32 $0xFFFFEC00  }
0x57: {  	[tilespmem:s4], [sflag:$0x1] =	stream.indirect.gather [hbm4b:s19+s3], $0x80, s11, s3, $0xb8;
	[tilespmem:$0x1E800] =	vst v63  }
0x58: {  	_ = 	snop  }
0x59: {  	[tilespmem:s5], [sflag:$0x2] =	stream.indirect.gather [hbm4b:s19+s3], $0x80, s3, s3, $0xb8;
	[tilespmem:$0x1E800] =	vst v63  }
0x5a: {  	_ =	swait.ge [sflag:s6], $0x4000  }
0x5b: {  	[sflag:s6] =	ssyncset.done $0x0  }
0x5c: {  	s13 =	simm.s32 $0x1400;
	[sflag:s6] =	ssyncadd.s32 $0xFFFFC000  }
0x5d: {  	[spmem:s21] =	stream.indirect.scatter.add.f32 [tilespmem:s4], [sflag:$0x3], $0x80, s13, s3, $0xb8;
	[tilespmem:$0x1E800] =	vst v63  }
0x5e: {  	_ =	swait.ge [sflag:s0], $0x4000  }
0x5f: {  	[sflag:s0] =	ssyncset.done $0x0  }
0x60: {  	s12 =	simm.s32 $0x100;
	[sflag:s0] =	ssyncadd.s32 $0xFFFFC000  }
0x61: {  	[tilespmem:s4], [sflag:$0x1] =	stream.indirect.gather [hbm4b:s19+s3], $0x80, s12, s3, $0xb8;
	[tilespmem:$0x1E800] =	vst v63  }
0x62: {  	_ =	swait.ge [sflag:s7], $0x4000  }
0x63: {  	[sflag:s7] =	ssyncset.done $0x0  }
0x64: {  	s13 =	simm.s32 $0x1480;
	[sflag:s7] =	ssyncadd.s32 $0xFFFFC000  }
0x65: {  	[spmem:s21] =	stream.indirect.scatter.add.f32 [tilespmem:s5], [sflag:$0x3], $0x80, s13, s3, $0xb8;
	[tilespmem:$0x1E800] =	vst v63  }
0x66: {  	_ =	swait.ge [sflag:s0], $0x4000  }
0x67: {  	[sflag:s0] =	ssyncset.done $0x0  }
0x68: {  	s11 =	simm.s32 $0x400;
	s12 =	simm.s32 $0x180;
	[sflag:s0] =	ssyncadd.s32 $0xFFFFC000  }
.LBB2_3:
0x69: {  	[tilespmem:s5], [sflag:$0x2] =	stream.indirect.gather [hbm4b:s19+s3], $0x80, s12, s3, $0xb8;
	[tilespmem:$0x1E800] =	vst v63  }
0x6a: {  	s12 =	smov.u32 s11  }
0x6b: {  	p1 =	sne.s32 s11, $0x4800;
	s11 =	sadd.s32 $0x400, s11;
	_ =	swait.ge [sflag:s6], $0x4000  }
0x6c: {  	s12 =	sshra.s32 s12, $0x2;
	[sflag:s6] =	ssyncset.done $0x0  }
0x6d: {  	s13 =	sadd.s32 $0x1400, s12;
	[sflag:s6] =	ssyncadd.s32 $0xFFFFC000  }
0x6e: {  	[spmem:s21] =	stream.indirect.scatter.add.f32 [tilespmem:s4], [sflag:$0x3], $0x80, s13, s3, $0xb8;
	[tilespmem:$0x1E800] =	vst v63  }
0x6f: {  	_ =	swait.ge [sflag:s0], $0x4000  }
0x70: {  	[sflag:s0] =	ssyncset.done $0x0  }
0x71: {  	s13 =	sadd.s32 $0x100, s12;
	[sflag:s0] =	ssyncadd.s32 $0xFFFFC000  }
0x72: {  	[tilespmem:s4], [sflag:$0x1] =	stream.indirect.gather [hbm4b:s19+s3], $0x80, s13, s3, $0xb8;
	[tilespmem:$0x1E800] =	vst v63  }
0x73: {  	_ =	swait.ge [sflag:s7], $0x4000  }
0x74: {  	[sflag:s7] =	ssyncset.done $0x0  }
.Ltmp3:
0x75: {  	s13 =	sadd.s32 $0x1480, s12;
	[sflag:s7] =	ssyncadd.s32 $0xFFFFC000;
	(pc) =	sbr.rel @p1 .LBB2_3-.Ltmp3, $4  }
0x76: {  	[spmem:s21] =	stream.indirect.scatter.add.f32 [tilespmem:s5], [sflag:$0x3], $0x80, s13, s3, $0xb8;
	[tilespmem:$0x1E800] =	vst v63  }
0x77: {  	_ =	swait.ge [sflag:s0], $0x4000  }
0x78: {  	[sflag:s0] =	ssyncset.done $0x0  }
0x79: {  	s12 =	sadd.s32 $0x180, s12;
	[sflag:s0] =	ssyncadd.s32 $0xFFFFC000  }
0x7a: {  	[tilespmem:s5], [sflag:$0x2] =	stream.indirect.gather [hbm4b:s19+s3], $0x80, s12, s3, $0xb8;
	[tilespmem:$0x1E800] =	vst v63  }
0x7b: {  	_ =	swait.ge [sflag:s6], $0x4000  }
0x7c: {  	[sflag:s6] =	ssyncset.done $0x0  }
0x7d: {  	[sflag:s6] =	ssyncadd.s32 $0xFFFFC000  }
0x7e: {  	[spmem:s21] =	stream.indirect.scatter.add.f32 [tilespmem:s4], [sflag:$0x3], $0x80, s8, s3, $0xb8;
	[tilespmem:$0x1E800] =	vst v63  }
0x7f: {  	_ =	swait.ge [sflag:s0], $0x4000  }
0x80: {  	[sflag:s0] =	ssyncset.done $0x0  }
0x81: {  	[sflag:s0] =	ssyncadd.s32 $0xFFFFC000  }
0x82: {  	_ =	swait.ge [sflag:s7], $0x4000  }
0x83: {  	[sflag:s7] =	ssyncset.done $0x0  }
0x84: {  	[sflag:s7] =	ssyncadd.s32 $0xFFFFC000  }
0x85: {  	[spmem:s21] =	stream.indirect.scatter.add.f32 [tilespmem:s5], [sflag:$0x3], $0x80, s9, s3, $0xb8;
	[tilespmem:$0x1E800] =	vst v63  }
0x86: {  	_ =	swait.ge [sflag:s0], $0x4000  }
0x87: {  	[sflag:s0] =	ssyncset.done $0x0  }
0x88: {  	s11 =	simm.s32 $0x0;
	s13 =	rddreg [dreg:$0xa];
	[sflag:s0] =	ssyncadd.s32 $0xFFFFC000  }
0x89: {  	[tilespmem:s11], [sflag:$0x3] =	stream.linear.gather [hbm4b:s13+s11], $0x1400, $0x38;
	[tilespmem:$0x1E800] =	vst v63  }
0x8a: {  	_ =	swait.ge [sflag:s0], $0x1400  }
0x8b: {  	[sflag:s0] =	ssyncset.done $0x0  }
0x8c: {  	s13 =	rddreg [dreg:$0xb];
	[sflag:s0] =	ssyncadd.s32 $0xFFFFEC00  }
0x8d: {  	[tilespmem:s2], [sflag:$0x3] =	stream.linear.gather [hbm4b:s13+s11], $0x1400, $0x38;
	[tilespmem:$0x1E800] =	vst v63  }
0x8e: {  	_ =	swait.ge [sflag:s0], $0x1400  }
0x8f: {  	[sflag:s0] =	ssyncset.done $0x0  }
0x90: {  	[sflag:s0] =	ssyncadd.s32 $0xFFFFEC00  }
0x91: {  	[tilespmem:s4], [sflag:$0x1] =	stream.indirect.gather [hbm4b:s19+s3], $0x80, s11, s3, $0xb8;
	[tilespmem:$0x1E800] =	vst v63  }
0x92: {  	_ = 	snop  }
0x93: {  	[tilespmem:s5], [sflag:$0x2] =	stream.indirect.gather [hbm4b:s19+s3], $0x80, s3, s3, $0xb8;
	[tilespmem:$0x1E800] =	vst v63  }
0x94: {  	_ =	swait.ge [sflag:s6], $0x4000  }
0x95: {  	[sflag:s6] =	ssyncset.done $0x0  }
0x96: {  	s13 =	simm.s32 $0x1400;
	[sflag:s6] =	ssyncadd.s32 $0xFFFFC000  }
0x97: {  	[spmem:s21] =	stream.indirect.scatter.add.f32 [tilespmem:s4], [sflag:$0x3], $0x80, s13, s3, $0xb8;
	[tilespmem:$0x1E800] =	vst v63  }
0x98: {  	_ =	swait.ge [sflag:s0], $0x4000  }
0x99: {  	[sflag:s0] =	ssyncset.done $0x0  }
0x9a: {  	s12 =	simm.s32 $0x100;
	[sflag:s0] =	ssyncadd.s32 $0xFFFFC000  }
0x9b: {  	[tilespmem:s4], [sflag:$0x1] =	stream.indirect.gather [hbm4b:s19+s3], $0x80, s12, s3, $0xb8;
	[tilespmem:$0x1E800] =	vst v63  }
0x9c: {  	_ =	swait.ge [sflag:s7], $0x4000  }
0x9d: {  	[sflag:s7] =	ssyncset.done $0x0  }
0x9e: {  	s13 =	simm.s32 $0x1480;
	[sflag:s7] =	ssyncadd.s32 $0xFFFFC000  }
0x9f: {  	[spmem:s21] =	stream.indirect.scatter.add.f32 [tilespmem:s5], [sflag:$0x3], $0x80, s13, s3, $0xb8;
	[tilespmem:$0x1E800] =	vst v63  }
0xa0: {  	_ =	swait.ge [sflag:s0], $0x4000  }
0xa1: {  	[sflag:s0] =	ssyncset.done $0x0  }
0xa2: {  	s11 =	simm.s32 $0x400;
	s12 =	simm.s32 $0x180;
	[sflag:s0] =	ssyncadd.s32 $0xFFFFC000  }
.LBB2_5:
0xa3: {  	[tilespmem:s5], [sflag:$0x2] =	stream.indirect.gather [hbm4b:s19+s3], $0x80, s12, s3, $0xb8;
	[tilespmem:$0x1E800] =	vst v63  }
0xa4: {  	s12 =	smov.u32 s11  }
0xa5: {  	p1 =	seq.s32 s11, $0x4800;
	s11 =	sadd.s32 $0x400, s11;
	_ =	swait.ge [sflag:s6], $0x4000  }
0xa6: {  	s12 =	sshra.s32 s12, $0x2;
	[sflag:s6] =	ssyncset.done $0x0  }
0xa7: {  	s13 =	sadd.s32 $0x1400, s12;
	[sflag:s6] =	ssyncadd.s32 $0xFFFFC000  }
0xa8: {  	[spmem:s21] =	stream.indirect.scatter.add.f32 [tilespmem:s4], [sflag:$0x3], $0x80, s13, s3, $0xb8;
	[tilespmem:$0x1E800] =	vst v63  }
0xa9: {  	_ =	swait.ge [sflag:s0], $0x4000  }
0xaa: {  	[sflag:s0] =	ssyncset.done $0x0  }
0xab: {  	s13 =	sadd.s32 $0x100, s12;
	[sflag:s0] =	ssyncadd.s32 $0xFFFFC000  }
0xac: {  	[tilespmem:s4], [sflag:$0x1] =	stream.indirect.gather [hbm4b:s19+s3], $0x80, s13, s3, $0xb8;
	[tilespmem:$0x1E800] =	vst v63  }
0xad: {  	_ =	swait.ge [sflag:s7], $0x4000  }
0xae: {  	[sflag:s7] =	ssyncset.done $0x0  }
.Ltmp4:
0xaf: {  	s13 =	sadd.s32 $0x1480, s12;
	[sflag:s7] =	ssyncadd.s32 $0xFFFFC000;
	(pc) =	sbr.rel @!p1 .LBB2_5-.Ltmp4, $4  }
0xb0: {  	[spmem:s21] =	stream.indirect.scatter.add.f32 [tilespmem:s5], [sflag:$0x3], $0x80, s13, s3, $0xb8;
	[tilespmem:$0x1E800] =	vst v63  }
0xb1: {  	_ =	swait.ge [sflag:s0], $0x4000  }
0xb2: {  	[sflag:s0] =	ssyncset.done $0x0  }
0xb3: {  	s12 =	sadd.s32 $0x180, s12;
	[sflag:s0] =	ssyncadd.s32 $0xFFFFC000  }
0xb4: {  	[tilespmem:s5], [sflag:$0x2] =	stream.indirect.gather [hbm4b:s19+s3], $0x80, s12, s3, $0xb8;
	[tilespmem:$0x1E800] =	vst v63  }
0xb5: {  	_ =	swait.ge [sflag:s6], $0x4000  }
0xb6: {  	[sflag:s6] =	ssyncset.done $0x0  }
0xb7: {  	[sflag:s6] =	ssyncadd.s32 $0xFFFFC000  }
0xb8: {  	[spmem:s21] =	stream.indirect.scatter.add.f32 [tilespmem:s4], [sflag:$0x3], $0x80, s8, s3, $0xb8;
	[tilespmem:$0x1E800] =	vst v63  }
0xb9: {  	_ =	swait.ge [sflag:s0], $0x4000  }
0xba: {  	[sflag:s0] =	ssyncset.done $0x0  }
0xbb: {  	[sflag:s0] =	ssyncadd.s32 $0xFFFFC000  }
0xbc: {  	_ =	swait.ge [sflag:s7], $0x4000  }
0xbd: {  	[sflag:s7] =	ssyncset.done $0x0  }
0xbe: {  	[sflag:s7] =	ssyncadd.s32 $0xFFFFC000  }
0xbf: {  	[spmem:s21] =	stream.indirect.scatter.add.f32 [tilespmem:s5], [sflag:$0x3], $0x80, s9, s3, $0xb8;
	[tilespmem:$0x1E800] =	vst v63  }
0xc0: {  	_ =	swait.ge [sflag:s0], $0x4000  }
0xc1: {  	[sflag:s0] =	ssyncset.done $0x0  }
0xc2: {  	[sflag:s0] =	ssyncadd.s32 $0xFFFFC000  }
0xc3: {  	s12 =	sor.u32 $0x1C04, s29;
	s11 =	simm.s32 $0x4;
	[bflag:$0x0] =	sbarrier.arrive $0xFFFF  }
0xc4: {  	[hbm:s15], [sflag:s12] =	dma.local [spmem:s10], $0x800  }
0xc5: {  	_ =	swait.ge [sflag:s11], $0x800  }
0xc6: {  	[sflag:s11] =	ssyncset.done $0x0  }
0xc7: {  	s13 =	sshrl.u32 s26, $0x3;
	[sflag:s11] =	ssyncadd.s32 $0xFFFFF800  }
0xc8: {  	[hbm:s16], [sflag:s12] =	dma.local [spmem:s13], $0x800  }
0xc9: {  	_ =	swait.ge [sflag:s11], $0x800  }
0xca: {  	[sflag:s11] =	ssyncset.done $0x0  }
0xcb: {  	s13 =	sshrl.u32 s28, $0x3;
	[sflag:s11] =	ssyncadd.s32 $0xFFFFF800  }
0xcc: {  	[hbm:s17], [sflag:s12] =	dma.local [spmem:s13], $0x800  }
0xcd: {  	_ =	swait.ge [sflag:s11], $0x800  }
0xce: {  	[sflag:s11] =	ssyncset.done $0x0  }
0xcf: {  	s13 =	sshrl.u32 s30, $0x3;
	[sflag:s11] =	ssyncadd.s32 $0xFFFFF800  }
0xd0: {  	[hbm:s20], [sflag:s12] =	dma.local [spmem:s13], $0x800  }
.Ltmp5:
0xd1: {  	_ = 	snop;
	(pc) =	sbr.rel .LBB2_12-.Ltmp5, $4  }
0xd2: {  	_ =	swait.ge [sflag:s11], $0x800  }
0xd3: {  	[sflag:s11] =	ssyncset.done $0x0  }
0xd4: {  	s13 =	sshrl.u32 s31, $0x3;
	[sflag:s11] =	ssyncadd.s32 $0xFFFFF800  }
0xd5: {  	[hbm:s22], [sflag:s12] =	dma.local [spmem:s13], $0x800  }
.LBB2_7:
0xd6: {  	s12 =	rddreg [dreg:$0x4]  }
0xd7: {  	[tilespmem:s11], [sflag:$0x3] =	stream.linear.gather [hbm4b:s12+s11], $0x1400, $0x38;
	[tilespmem:$0x1E800] =	vst v63  }
0xd8: {  	_ =	swait.ge [sflag:s0], $0x1400  }
0xd9: {  	[sflag:s0] =	ssyncset.done $0x0  }
0xda: {  	s13 =	rddreg [dreg:$0x5];
	[sflag:s0] =	ssyncadd.s32 $0xFFFFEC00  }
0xdb: {  	[tilespmem:s2], [sflag:$0x3] =	stream.linear.gather [hbm4b:s13+s11], $0x1400, $0x38;
	[tilespmem:$0x1E800] =	vst v63  }
0xdc: {  	_ =	swait.ge [sflag:s0], $0x1400  }
0xdd: {  	[sflag:s0] =	ssyncset.done $0x0  }
0xde: {  	[sflag:s0] =	ssyncadd.s32 $0xFFFFEC00  }
0xdf: {  	[tilespmem:s4], [sflag:$0x1] =	stream.indirect.gather [hbm4b:s19+s3], $0x80, s11, s3, $0xb8;
	[tilespmem:$0x1E800] =	vst v63  }
0xe0: {  	_ = 	snop  }
0xe1: {  	[tilespmem:s5], [sflag:$0x2] =	stream.indirect.gather [hbm4b:s19+s3], $0x80, s3, s3, $0xb8;
	[tilespmem:$0x1E800] =	vst v63  }
0xe2: {  	_ =	swait.ge [sflag:s6], $0x4000  }
0xe3: {  	[sflag:s6] =	ssyncset.done $0x0  }
0xe4: {  	s13 =	simm.s32 $0x1400;
	[sflag:s6] =	ssyncadd.s32 $0xFFFFC000  }
0xe5: {  	[spmem:s21] =	stream.indirect.scatter.add.f32 [tilespmem:s4], [sflag:$0x3], $0x80, s13, s3, $0xb8;
	[tilespmem:$0x1E800] =	vst v63  }
0xe6: {  	_ =	swait.ge [sflag:s0], $0x4000  }
0xe7: {  	[sflag:s0] =	ssyncset.done $0x0  }
0xe8: {  	s12 =	simm.s32 $0x100;
	[sflag:s0] =	ssyncadd.s32 $0xFFFFC000  }
0xe9: {  	[tilespmem:s4], [sflag:$0x1] =	stream.indirect.gather [hbm4b:s19+s3], $0x80, s12, s3, $0xb8;
	[tilespmem:$0x1E800] =	vst v63  }
0xea: {  	_ =	swait.ge [sflag:s7], $0x4000  }
0xeb: {  	[sflag:s7] =	ssyncset.done $0x0  }
0xec: {  	s13 =	simm.s32 $0x1480;
	[sflag:s7] =	ssyncadd.s32 $0xFFFFC000  }
0xed: {  	[spmem:s21] =	stream.indirect.scatter.add.f32 [tilespmem:s5], [sflag:$0x3], $0x80, s13, s3, $0xb8;
	[tilespmem:$0x1E800] =	vst v63  }
0xee: {  	_ =	swait.ge [sflag:s0], $0x4000  }
0xef: {  	[sflag:s0] =	ssyncset.done $0x0  }
0xf0: {  	s11 =	simm.s32 $0x400;
	s12 =	simm.s32 $0x180;
	[sflag:s0] =	ssyncadd.s32 $0xFFFFC000  }
.LBB2_8:
0xf1: {  	[tilespmem:s5], [sflag:$0x2] =	stream.indirect.gather [hbm4b:s19+s3], $0x80, s12, s3, $0xb8;
	[tilespmem:$0x1E800] =	vst v63  }
0xf2: {  	s12 =	smov.u32 s11  }
0xf3: {  	p1 =	sne.s32 s11, $0x4800;
	s11 =	sadd.s32 $0x400, s11;
	_ =	swait.ge [sflag:s6], $0x4000  }
0xf4: {  	s12 =	sshra.s32 s12, $0x2;
	[sflag:s6] =	ssyncset.done $0x0  }
0xf5: {  	s13 =	sadd.s32 $0x1400, s12;
	[sflag:s6] =	ssyncadd.s32 $0xFFFFC000  }
0xf6: {  	[spmem:s21] =	stream.indirect.scatter.add.f32 [tilespmem:s4], [sflag:$0x3], $0x80, s13, s3, $0xb8;
	[tilespmem:$0x1E800] =	vst v63  }
0xf7: {  	_ =	swait.ge [sflag:s0], $0x4000  }
0xf8: {  	[sflag:s0] =	ssyncset.done $0x0  }
0xf9: {  	s13 =	sadd.s32 $0x100, s12;
	[sflag:s0] =	ssyncadd.s32 $0xFFFFC000  }
0xfa: {  	[tilespmem:s4], [sflag:$0x1] =	stream.indirect.gather [hbm4b:s19+s3], $0x80, s13, s3, $0xb8;
	[tilespmem:$0x1E800] =	vst v63  }
0xfb: {  	_ =	swait.ge [sflag:s7], $0x4000  }
0xfc: {  	[sflag:s7] =	ssyncset.done $0x0  }
.Ltmp6:
0xfd: {  	s13 =	sadd.s32 $0x1480, s12;
	[sflag:s7] =	ssyncadd.s32 $0xFFFFC000;
	(pc) =	sbr.rel @p1 .LBB2_8-.Ltmp6, $4  }
0xfe: {  	[spmem:s21] =	stream.indirect.scatter.add.f32 [tilespmem:s5], [sflag:$0x3], $0x80, s13, s3, $0xb8;
	[tilespmem:$0x1E800] =	vst v63  }
0xff: {  	_ =	swait.ge [sflag:s0], $0x4000  }
0x100: {  	[sflag:s0] =	ssyncset.done $0x0  }
0x101: {  	s12 =	sadd.s32 $0x180, s12;
	[sflag:s0] =	ssyncadd.s32 $0xFFFFC000  }
0x102: {  	[tilespmem:s5], [sflag:$0x2] =	stream.indirect.gather [hbm4b:s19+s3], $0x80, s12, s3, $0xb8;
	[tilespmem:$0x1E800] =	vst v63  }
0x103: {  	_ =	swait.ge [sflag:s6], $0x4000  }
0x104: {  	[sflag:s6] =	ssyncset.done $0x0  }
0x105: {  	[sflag:s6] =	ssyncadd.s32 $0xFFFFC000  }
0x106: {  	[spmem:s21] =	stream.indirect.scatter.add.f32 [tilespmem:s4], [sflag:$0x3], $0x80, s8, s3, $0xb8;
	[tilespmem:$0x1E800] =	vst v63  }
0x107: {  	_ =	swait.ge [sflag:s0], $0x4000  }
0x108: {  	[sflag:s0] =	ssyncset.done $0x0  }
0x109: {  	[sflag:s0] =	ssyncadd.s32 $0xFFFFC000  }
0x10a: {  	_ =	swait.ge [sflag:s7], $0x4000  }
0x10b: {  	[sflag:s7] =	ssyncset.done $0x0  }
0x10c: {  	[sflag:s7] =	ssyncadd.s32 $0xFFFFC000  }
0x10d: {  	[spmem:s21] =	stream.indirect.scatter.add.f32 [tilespmem:s5], [sflag:$0x3], $0x80, s9, s3, $0xb8;
	[tilespmem:$0x1E800] =	vst v63  }
0x10e: {  	_ =	swait.ge [sflag:s0], $0x4000  }
0x10f: {  	[sflag:s0] =	ssyncset.done $0x0  }
0x110: {  	s11 =	simm.s32 $0x0;
	s13 =	rddreg [dreg:$0x6];
	[sflag:s0] =	ssyncadd.s32 $0xFFFFC000  }
0x111: {  	[tilespmem:s11], [sflag:$0x3] =	stream.linear.gather [hbm4b:s13+s11], $0x1400, $0x38;
	[tilespmem:$0x1E800] =	vst v63  }
0x112: {  	_ =	swait.ge [sflag:s0], $0x1400  }
0x113: {  	[sflag:s0] =	ssyncset.done $0x0  }
0x114: {  	s13 =	rddreg [dreg:$0x7];
	[sflag:s0] =	ssyncadd.s32 $0xFFFFEC00  }
0x115: {  	[tilespmem:s2], [sflag:$0x3] =	stream.linear.gather [hbm4b:s13+s11], $0x1400, $0x38;
	[tilespmem:$0x1E800] =	vst v63  }
0x116: {  	_ =	swait.ge [sflag:s0], $0x1400  }
0x117: {  	[sflag:s0] =	ssyncset.done $0x0  }
0x118: {  	[sflag:s0] =	ssyncadd.s32 $0xFFFFEC00  }
0x119: {  	[tilespmem:s4], [sflag:$0x1] =	stream.indirect.gather [hbm4b:s19+s3], $0x80, s11, s3, $0xb8;
	[tilespmem:$0x1E800] =	vst v63  }
0x11a: {  	_ = 	snop  }
0x11b: {  	[tilespmem:s5], [sflag:$0x2] =	stream.indirect.gather [hbm4b:s19+s3], $0x80, s3, s3, $0xb8;
	[tilespmem:$0x1E800] =	vst v63  }
0x11c: {  	_ =	swait.ge [sflag:s6], $0x4000  }
0x11d: {  	[sflag:s6] =	ssyncset.done $0x0  }
0x11e: {  	s13 =	simm.s32 $0x1400;
	[sflag:s6] =	ssyncadd.s32 $0xFFFFC000  }
0x11f: {  	[spmem:s21] =	stream.indirect.scatter.add.f32 [tilespmem:s4], [sflag:$0x3], $0x80, s13, s3, $0xb8;
	[tilespmem:$0x1E800] =	vst v63  }
0x120: {  	_ =	swait.ge [sflag:s0], $0x4000  }
0x121: {  	[sflag:s0] =	ssyncset.done $0x0  }
0x122: {  	s12 =	simm.s32 $0x100;
	[sflag:s0] =	ssyncadd.s32 $0xFFFFC000  }
0x123: {  	[tilespmem:s4], [sflag:$0x1] =	stream.indirect.gather [hbm4b:s19+s3], $0x80, s12, s3, $0xb8;
	[tilespmem:$0x1E800] =	vst v63  }
0x124: {  	_ =	swait.ge [sflag:s7], $0x4000  }
0x125: {  	[sflag:s7] =	ssyncset.done $0x0  }
0x126: {  	s13 =	simm.s32 $0x1480;
	[sflag:s7] =	ssyncadd.s32 $0xFFFFC000  }
0x127: {  	[spmem:s21] =	stream.indirect.scatter.add.f32 [tilespmem:s5], [sflag:$0x3], $0x80, s13, s3, $0xb8;
	[tilespmem:$0x1E800] =	vst v63  }
0x128: {  	_ =	swait.ge [sflag:s0], $0x4000  }
0x129: {  	[sflag:s0] =	ssyncset.done $0x0  }
0x12a: {  	s11 =	simm.s32 $0x400;
	s12 =	simm.s32 $0x180;
	[sflag:s0] =	ssyncadd.s32 $0xFFFFC000  }
.LBB2_10:
0x12b: {  	[tilespmem:s5], [sflag:$0x2] =	stream.indirect.gather [hbm4b:s19+s3], $0x80, s12, s3, $0xb8;
	[tilespmem:$0x1E800] =	vst v63  }
0x12c: {  	s12 =	smov.u32 s11  }
0x12d: {  	p1 =	sne.s32 s11, $0x4800;
	s11 =	sadd.s32 $0x400, s11;
	_ =	swait.ge [sflag:s6], $0x4000  }
0x12e: {  	s12 =	sshra.s32 s12, $0x2;
	[sflag:s6] =	ssyncset.done $0x0  }
0x12f: {  	s13 =	sadd.s32 $0x1400, s12;
	[sflag:s6] =	ssyncadd.s32 $0xFFFFC000  }
0x130: {  	[spmem:s21] =	stream.indirect.scatter.add.f32 [tilespmem:s4], [sflag:$0x3], $0x80, s13, s3, $0xb8;
	[tilespmem:$0x1E800] =	vst v63  }
0x131: {  	_ =	swait.ge [sflag:s0], $0x4000  }
0x132: {  	[sflag:s0] =	ssyncset.done $0x0  }
0x133: {  	s13 =	sadd.s32 $0x100, s12;
	[sflag:s0] =	ssyncadd.s32 $0xFFFFC000  }
0x134: {  	[tilespmem:s4], [sflag:$0x1] =	stream.indirect.gather [hbm4b:s19+s3], $0x80, s13, s3, $0xb8;
	[tilespmem:$0x1E800] =	vst v63  }
0x135: {  	_ =	swait.ge [sflag:s7], $0x4000  }
0x136: {  	[sflag:s7] =	ssyncset.done $0x0  }
.Ltmp7:
0x137: {  	s13 =	sadd.s32 $0x1480, s12;
	[sflag:s7] =	ssyncadd.s32 $0xFFFFC000;
	(pc) =	sbr.rel @p1 .LBB2_10-.Ltmp7, $4  }
0x138: {  	[spmem:s21] =	stream.indirect.scatter.add.f32 [tilespmem:s5], [sflag:$0x3], $0x80, s13, s3, $0xb8;
	[tilespmem:$0x1E800] =	vst v63  }
0x139: {  	_ =	swait.ge [sflag:s0], $0x4000  }
0x13a: {  	[sflag:s0] =	ssyncset.done $0x0  }
0x13b: {  	s12 =	sadd.s32 $0x180, s12;
	[sflag:s0] =	ssyncadd.s32 $0xFFFFC000  }
.Ltmp8:
0x13c: {  	_ = 	snop;
	(pc) =	sbr.rel .LBB2_11-.Ltmp8, $1  }
0x13d: {  	_ =	sdelay $0x3  }
.LBB2_13:
0x13e: {  	_ =	sfence.sel $0x180000  }
0x13f: {  	[bflag:$0x0] =	sbarrier.arrive $0xFFFF  }
0x140: {  	_ =	strace $0x9000004A  }
0x141: {  	s0 =	stileid.u32;
	[bflag:$0x2] =	sbarrier.arrive $0xFFFF  }
0x142: {  	p0 =	sne.s32 s0, $0x0;
	s0 =	rddreg [dreg:$0x3]  }
0x143: {  	s0 =	sadd.s32 @!p0 $0x100000, s0  }
0x144: {  	[sflag:s0] =	ssyncadd.tile.s32 @!p0 $0x1;
	_ =	shalt  }
.Lfunc_end2:
_tile_overlayer_lowered:
.L_overlay_start_2:
0x145: {  	(tag) =	ssettag $0x2  }
0x146: {  	s0 =	rddreg [dreg:$0x0];
	s2 =	stileid.u32  }
0x147: {  	s1 =	rddreg [dreg:$0x1];
	p0 =	sne.s32 s2, $0x0  }
0x148: {  	s3 =	rddreg [dreg:$0x2];
	[bflag:$0x3] =	sbarrier.arrive $0xFFFF;
	s2 =	simm.s32 @!p0 $0x1C03  }
0x149: {  	[timem:s3], [sflag:s2] =	dma.local @!p0 [hbm:s0], s1  }
0x14a: {  	s0 =	simm.s32 @!p0 $0x3  }
0x14b: {  	_ =	swait.ge @!p0 [sflag:s0], s1  }
0x14c: {  	s1 =	ssub.s32 @!p0 $0x0, s1;
	[sflag:s0] =	ssyncset.done @!p0 $0x0  }
0x14d: {  	[sflag:s0] =	ssyncadd.s32 @!p0 s1  }
0x14e: {  	[bflag:$0x3] =	sbarrier.arrive $0xFFFF  }
0x14f: {  	_ =	shalt  }

// kernel: kernel.15.cloned.1.call-start
scs
__scs_entry_jumppad:
0x0: {  	(pc) =	sbr.rel $0x88, $3  }
0x1: {  	(tag) =	ssettag $0x0;
	lr =	simm.s32 $0x1  }
0x2: {  	[smem:$0x3F9B] =	sst lr;
	_ =	strace $0xD0000000  }
0x3: {  	_ = 	snop  }
0x4: {  	_ = 	snop  }
0x5: {  	_ = 	snop  }
0x6: {  	_ = 	snop  }
0x7: {  	_ = 	snop  }
__scs_overlays_trampoline_lowered:
0x8: {  	[smem:$0x3FAA] =	sst s0  }
0x9: {  	[smem:$0x3FAB] =	sst s1  }
0xa: {  	[smem:$0x3FAC] =	sst s2  }
0xb: {  	[smem:$0x3FAD] =	sst s3  }
0xc: {  	[smem:$0x3FAE] =	sst s4  }
0xd: {  	[smem:$0x3FAF] =	sst s5  }
0xe: {  	[smem:$0x3FB0] =	sst s6  }
0xf: {  	[smem:$0x3FB1] =	sst s7  }
0x10: {  	[smem:$0x3FB2] =	sst s8  }
0x11: {  	[smem:$0x3FB3] =	sst s9;
	s0 =	simm.s32 @!p0 $0x0  }
0x12: {  	s1 =	sld [smem:$0x3F99];
	s0 =	simm.s32 @p0 $0x1  }
0x13: {  	[smem:$0x3FB4] =	sst s0;
	s0 =	simm.s32 @!p1 $0x0  }
0x14: {  	s2 =	sld [smem:$0x3F98];
	s0 =	simm.s32 @p1 $0x1  }
0x15: {  	[smem:$0x3FB5] =	sst s0;
	s0 =	simm.s32 @!p2 $0x0  }
0x16: {  	s3 =	sld [smem:$0x3FDB];
	s0 =	simm.s32 @p2 $0x1  }
0x17: {  	s4 =	simm.s32 $0x1BF5;
	[smem:$0x3FB7] =	sst s0  }
0x18: {  	s0 =	sld [smem:$0x3F9A];
	_ =	swait.ge [sflag:s4], $0x0  }
0x19: {  	s7 =	sld [smem:$0x3F9B]  }
0x1a: {  	s8 =	sadd.s32 $0xFFFFE003, lr  }
0x1b: {  	s9 =	sadd.s32 $0xFFFFFEF7, lr;
	s5 =	simm.s32 $0xFFFFFFFF;
	p2 =	slt.u32 s8, $0xFFFFF086  }
0x1c: {  	p1 =	slt.u32 s9, $0xF7A;
	s5 =	simm.s32 @!p2 $0x0  }
0x1d: {  	s5 =	simm.s32 @p1 $0x1;
	p0 =	seq.s32 s7, s2  }
0x1e: {  	s7 =	smul.u32 @!p0 $0xF7A, s2;
	p2 =	seq.s32 @!p0 s5, $0x0  }
0x1f: {  	s9 =	smul.u32 $0xF7A, s1;
	s8 =	simm.s32 @!p0 $0x1BF5;
	p2 =	por !p2, p0  }
0x20: {  	[sflag:s8] =	ssyncset.s32 @!p0 $0xFFFFF086;
	s6 =	sadd.s32 @!p0 s3, s7;
	s7 =	simm.s32 @!p0 $0x108  }
0x21: {  	s3 =	sadd.s32 s3, s9;
	s6 =	sadd.s32 @!p0 $0x88, s6;
	s7 =	simm.s32 @p2 $0x1082  }
0x22: {  	[simem:s7], [sflag:s8] =	dma.local @!p0 [hbm:s6], $0xF7A  }
0x23: {  	s9 =	sor.u32 $0xD0000000, s2;
	s6 =	simm.s32 $0x108;
	_ =	swait.ge @!p0 [sflag:s8], $0x0  }
0x24: {  	s3 =	sadd.s32 $0x88, s3;
	s6 =	simm.s32 @!p1 $0x1082;
	[sflag:s4] =	ssyncset.s32 $0xFFFFF086  }
0x25: {  	[simem:s6], [sflag:s4] =	dma.local [hbm:s3], $0xF7A  }
0x26: {  	[smem:$0x3F9B] =	sst s1;
	(tag) =	ssettag s2;
	_ =	strace s9  }
0x27: {  	s1 =	sld [smem:$0x3FAB]  }
0x28: {  	s2 =	sld [smem:$0x3FAC]  }
0x29: {  	s4 =	sld [smem:$0x3FAE]  }
0x2a: {  	p0 =	seq.s32 s5, $0x0;
	s5 =	sld [smem:$0x3FAF]  }
0x2b: {  	s6 =	sld [smem:$0x3FB0]  }
0x2c: {  	s7 =	sld [smem:$0x3FB1]  }
0x2d: {  	s3 =	simm.s32 $0x108;
	s8 =	sld [smem:$0x3FB2]  }
0x2e: {  	s3 =	simm.s32 @!p0 $0x1082;
	s9 =	sld [smem:$0x3FB3]  }
0x2f: {  	lr =	sadd.s32 s0, s3;
	s0 =	sld [smem:$0x3FAA]  }
0x30: {  	s3 =	sld [smem:$0x3FAD]  }
0x31: {  	[smem:$0x3FB6] =	sst s10  }
0x32: {  	s10 =	sld [smem:$0x3FB4];
	_ =	sdelay $0x3  }
0x33: {  	p0 =	seq.s32 s10, $0x1;
	s10 =	sld [smem:$0x3FB6];
	_ =	sdelay $0x3  }
0x34: {  	[smem:$0x3FB6] =	sst s10  }
0x35: {  	s10 =	sld [smem:$0x3FB5];
	_ =	sdelay $0x3  }
0x36: {  	p1 =	seq.s32 s10, $0x1;
	s10 =	sld [smem:$0x3FB6];
	_ =	sdelay $0x3  }
0x37: {  	[smem:$0x3FB6] =	sst s10  }
0x38: {  	s10 =	sld [smem:$0x3FB7]  }
0x39: {  	_ = 	snop;
	(pc) =	sbr.ind lr, $3  }
0x3a: {  	_ = 	snop  }
0x3b: {  	_ = 	snop  }
0x3c: {  	p2 =	seq.s32 s10, $0x1;
	s10 =	sld [smem:$0x3FB6]  }
0x3d: {  	_ =	shalt  }
0x3e: {  	_ =	shalt  }
0x3f: {  	_ =	shalt  }
0x40: {  	_ =	shalt  }
0x41: {  	_ =	shalt  }
0x42: {  	_ =	shalt  }
0x43: {  	_ =	shalt  }
0x44: {  	_ =	shalt  }
0x45: {  	_ =	shalt  }
0x46: {  	_ =	shalt  }
0x47: {  	_ =	shalt  }
0x48: {  	_ =	shalt  }
0x49: {  	_ =	shalt  }
0x4a: {  	_ =	shalt  }
0x4b: {  	_ =	shalt  }
0x4c: {  	_ =	shalt  }
0x4d: {  	_ =	shalt  }
0x4e: {  	_ =	shalt  }
0x4f: {  	_ =	shalt  }
0x50: {  	_ =	shalt  }
0x51: {  	_ =	shalt  }
0x52: {  	_ =	shalt  }
0x53: {  	_ =	shalt  }
0x54: {  	_ =	shalt  }
0x55: {  	_ =	shalt  }
0x56: {  	_ =	shalt  }
0x57: {  	_ =	shalt  }
0x58: {  	_ =	shalt  }
0x59: {  	_ =	shalt  }
0x5a: {  	_ =	shalt  }
0x5b: {  	_ =	shalt  }
0x5c: {  	_ =	shalt  }
0x5d: {  	_ =	shalt  }
0x5e: {  	_ =	shalt  }
0x5f: {  	_ =	shalt  }
0x60: {  	_ =	shalt  }
0x61: {  	_ =	shalt  }
0x62: {  	_ =	shalt  }
0x63: {  	_ =	shalt  }
0x64: {  	_ =	shalt  }
0x65: {  	_ =	shalt  }
0x66: {  	_ =	shalt  }
0x67: {  	_ =	shalt  }
0x68: {  	_ =	shalt  }
0x69: {  	_ =	shalt  }
0x6a: {  	_ =	shalt  }
0x6b: {  	_ =	shalt  }
0x6c: {  	_ =	shalt  }
0x6d: {  	_ =	shalt  }
0x6e: {  	_ =	shalt  }
0x6f: {  	_ =	shalt  }
0x70: {  	_ =	shalt  }
0x71: {  	_ =	shalt  }
0x72: {  	_ =	shalt  }
0x73: {  	_ =	shalt  }
0x74: {  	_ =	shalt  }
0x75: {  	_ =	shalt  }
0x76: {  	_ =	shalt  }
0x77: {  	_ =	shalt  }
0x78: {  	_ =	shalt  }
0x79: {  	_ =	shalt  }
0x7a: {  	_ =	shalt  }
0x7b: {  	_ =	shalt  }
0x7c: {  	_ =	shalt  }
0x7d: {  	_ =	shalt  }
0x7e: {  	_ =	shalt  }
0x7f: {  	_ =	shalt  }
0x80: {  	_ =	shalt  }
0x81: {  	_ =	shalt  }
0x82: {  	_ =	shalt  }
0x83: {  	_ =	shalt  }
0x84: {  	_ =	shalt  }
0x85: {  	_ =	shalt  }
0x86: {  	_ =	shalt  }
0x87: {  	_ =	shalt  }
.Lfunc_end0:
.L_simem_size_0:
called_computation.2_lowered:
.L_overlay_start_0:
0x88: {  	s2 =	sld [smem:$0x3FD9]  }
0x89: {  	s3 =	sld [smem:$0x3FFE];
	_ =	sdelay $0x1  }
0x8a: {  	s1 =	srdreg.scid  }
0x8b: {  	s0 =	sand.u32 $0x1, s1  }
0x8c: {  	s17 =	sshll.u32 s0, $0xA;
	s2 =	sadd.s32 s3, s2  }
0x8d: {  	s2 =	sadd.s32 s2, s17  }
0x8e: {  	[smem:$0x3FC2] =	sst s2  }
0x8f: {  	_ = 	snop  }
0x90: {  	s2 =	sld [smem:$0x3FD0];
	(tm) =	ssettm $0x1  }
0x91: {  	s18 =	sld [smem:$0x3FFB];
	_ =	sdelay $0x3  }
0x92: {  	_ =	strace s18  }
0x93: {  	s3 =	sld [smem:$0x3FFC];
	_ =	sdelay $0x3  }
0x94: {  	_ =	strace s3  }
0x95: {  	s3 =	sld [smem:$0x3FFD];
	_ =	sdelay $0x3  }
0x96: {  	_ =	strace s3  }
0x97: {  	_ =	strace $0x8FFFFFFF  }
0x98: {  	s19 =	sld [smem:$0x3FDB];
	_ =	sdelay $0x1  }
0x99: {  	s4 =	simm.s32 $_scs_section_size  }
0x9a: {  	s5 =	simm.s32 $_size__tile_overlayer_lowered;
	s6 =	simm.s32 $_tile_overlayer_lowered  }
0x9b: {  	s22 =	simm.s32 $0x1BFF;
	s21 =	sshll.u32 s6, $0x1;
	s3 =	sadd.s32 s4, s19  }
0x9c: {  	s7 =	simm.s32 $0x0;
	s20 =	sshll.u32 s5, $0x1;
	s5 =	sadd.s32 s21, s3  }
0x9d: {  	[timem:s7], [sflag:s22] =	dma.local [hbm:s5], s20  }
0x9e: {  	_ =	swait.ge [sflag:s22], s20  }
0x9f: {  	s4 =	ssub.s32 $0x0, s20;
	[sflag:s22] =	ssyncset.done $0x0  }
0xa0: {  	[sflag:s22] =	ssyncadd.s32 s4;
	_ =	sdelay $0x1  }
0xa1: {  	s23 =	simm.s32 $0x1B8B  }
0xa2: {  	_ =	swait.ge [sflag:s23], $0x1  }
0xa3: {  	[sflag:s23] =	ssyncset.done $0x0  }
0xa4: {  	s25 =	simm.s32 $0x1B8E;
	s24 =	sld [smem:$0x3FFE];
	[sflag:s23] =	ssyncadd.s32 $0xFFFFFFFF  }
0xa5: {  	s26 =	simm.s32 $execute0_lowered;
	[smem:$0x3FD2] =	sst s25  }
0xa6: {  	s5 =	sshll.u32 s26, $0x1;
	_ =	strace $0x8000004C;
	[dreg:$0x1] =	wrdreg $0xFFFFFFFF  }
0xa7: {  	s28 =	simm.s32 $_size_execute0_lowered;
	s3 =	sadd.s32 s3, s5;
	[dreg:$0x0] =	wrdreg $0x0  }
0xa8: {  	s5 =	sshll.u32 s28, $0x1;
	[dreg:$0x2] =	wrdreg s3  }
0xa9: {  	[dreg:$0x3] =	wrdreg s5  }
0xaa: {  	[dreg:$0x4] =	wrdreg $0xC0  }
0xab: {  	_ =	task [dreg:s7], $0x5FFFF  }
0xac: {  	[dreg:$0x1] =	wrdreg $0xFFFFFFFF  }
0xad: {  	[dreg:$0x0] =	wrdreg $0x60  }
0xae: {  	[dreg:$0x2] =	wrdreg s24  }
0xaf: {  	[dreg:$0x3] =	wrdreg s2  }
0xb0: {  	[dreg:$0x4] =	wrdreg $0x28000  }
0xb1: {  	[dreg:$0x5] =	wrdreg $0x9  }
0xb2: {  	_ =	task.clear_ibuf [dreg:s7], $0x6FFFF;
	_ =	strace $0x9000004C  }
0xb3: {  	s29 =	simm.s32 $0x9;
	_ =	strace $0x8000004E  }
0xb4: {  	_ =	swait.ge [sflag:s29], $0x1  }
0xb5: {  	[sflag:s29] =	ssyncadd.s32 $0xFFFFFFFF  }
0xb6: {  	_ =	strace $0x9000004E  }
0xb7: {  	_ =	sfence  }
0xb8: {  	s30 =	sld [smem:$0x0];
	_ =	sdelay $0x2  }
0xb9: {  	s31 =	sshll.u32 s1, $0xD;
	s1 =	sshrl.u32 s1, $0x2  }
0xba: {  	s3 =	sand.u32 $0x4000, s31;
	s1 =	sadd.s32 s1, s30  }
0xbb: {  	s0 =	sor.u32 s3, s0;
	s1 =	sshll.u32 s1, $0x11  }
0xbc: {  	s0 =	sor.u32 s1, s0  }
0xbd: {  	s0 =	sadd.s32 $0x8F2B, s0  }
0xbe: {  	[sflag:s0] =	ssyncadd.remote.s32 $0x1  }
0xbf: {  	_ =	sfence.sel $0xFFFF  }
0xc0: {  	[dreg:$0x0] =	wrdreg $0xFFFFFFFF;
	(pc) =	sbr.abs _section_cstart, $3  }
0xc1: {  	[dreg:$0x1] =	wrdreg $0xFFFFFFFF  }
0xc2: {  	_ =	task.clear_ibuf [dreg:s7], $0x2FFFF;
	_ =	strace $0x9FFFFFFF  }
0xc3: {  	(tm) =	ssettm $0x7FFFFFFF  }
tec
execute0_lowered:
.L_overlay_start_1:
0x0: {  	(tag) =	ssettag $0x1  }
0x1: {  	s0 =	rddreg [dreg:$0x0];
	s1 =	simm.s32 $0x0;
	s3 =	srdreg.scid  }
0x2: {  	s13 =	stileid.u32;
	[smem:$0x7FF] =	sst s1;
	s2 =	sadd.s32 $0x3800, s0  }
0x3: {  	s4 =	sadd.s32 $0xD800, s0;
	s3 =	sand.u32 $0x1, s3;
	s5 =	smul.u32 $0x2800, s13  }
0x4: {  	s6 =	sadd.s32 $0x42000, s0;
	s7 =	sadd.s32 $0x6A000, s0;
	s10 =	smul.u32 $0x280, s13  }
0x5: {  	s12 =	smul.u32 $0x500, s13;
	s29 =	sshll.u32 s13, $0x6;
	s8 =	ssub.s32 $0x2, s3  }
0x6: {  	p0 =	sne.s32 s3, $0x0;
	s3 =	simm.s32 $0x80;
	s9 =	sshrl.u32 s8, $0x1  }
0x7: {  	s11 =	sshrl.u32 s5, $0x3;
	s17 =	sadd.s32 s2, s12;
	s18 =	sadd.s32 s4, s12  }
0x8: {  	s22 =	sadd.s32 s7, s5;
	s26 =	sadd.s32 $0x5000, s11;
	[dreg:$0x8] =	wrdreg s17  }
0x9: {  	s15 =	sadd.s32 $0x5280, s11;
	[dreg:$0x9] =	wrdreg s18;
	s19 =	sadd.s32 $0x280, s11  }
0xa: {  	[dreg:$0xc] =	wrdreg s22;
	s14 =	sadd.s32 s2, s26;
	s16 =	sadd.s32 s2, s15  }
0xb: {  	s2 =	sadd.s32 s2, s19;
	s20 =	sadd.s32 s4, s19;
	s19 =	rddreg [dreg:$0x1]  }
0xc: {  	s8 =	ssub.s32 s8, s9;
	s9 =	sadd.s32 s4, s26;
	[dreg:$0x4] =	wrdreg s14  }
0xd: {  	s12 =	sadd.s32 $0x180, s10;
	s11 =	sadd.s32 $0x80, s10;
	[dreg:$0x5] =	wrdreg s9  }
0xe: {  	s18 =	sshll.u32 s12, $0x4;
	s12 =	sshll.u32 s12, $0x7;
	[dreg:$0x6] =	wrdreg s16  }
0xf: {  	s21 =	sshll.u32 s11, $0x4;
	s26 =	sadd.s32 s7, s18;
	[dreg:$0xa] =	wrdreg s2  }
0x10: {  	s9 =	sadd.s32 s4, s15;
	[dreg:$0xb] =	wrdreg s20;
	s23 =	sadd.s32 s7, s21  }
0x11: {  	s4 =	sadd.s32 $0x100, s10;
	s10 =	sadd.s32 $0x200, s10;
	[dreg:$0xf] =	wrdreg s26  }
0x12: {  	s15 =	sadd.s32 s6, s5;
	s16 =	sadd.s32 s6, s21;
	s21 =	rddreg [dreg:$0x2]  }
0x13: {  	s20 =	sadd.s32 s6, s18;
	s5 =	smul.u32 $0x50000, s13;
	[dreg:$0x7] =	wrdreg s9  }
0x14: {  	s2 =	simm.s32 $0x1400;
	[dreg:$0xd] =	wrdreg s23;
	s24 =	sshll.u32 s4, $0x4  }
0x15: {  	s22 =	sshll.u32 s10, $0x4;
	s23 =	sadd.s32 $0x3F800, s0;
	s9 =	sshll.u32 s11, $0x7  }
0x16: {  	s11 =	sshll.u32 s4, $0x7;
	s18 =	sshll.u32 s10, $0x7;
	s30 =	sadd.s32 s12, s21  }
0x17: {  	s0 =	simm.s32 $0x3;
	s4 =	simm.s32 $0x16800;
	s25 =	sadd.s32 s7, s24  }
0x18: {  	s14 =	sadd.s32 s7, s22;
	s17 =	sadd.s32 s6, s24;
	s22 =	sadd.s32 s6, s22  }
.Ltmp0:
0x19: {  	s7 =	sshrl.u32 s5, $0x2;
	s26 =	sadd.s32 s9, s21;
	(pc) =	sbr.rel .LBB2_1-.Ltmp0, $4  }
0x1a: {  	s28 =	sadd.s32 s11, s21;
	s31 =	sadd.s32 s18, s21;
	s18 =	sor.u32 $0x1C03, s29  }
0x1b: {  	s5 =	simm.s32 $0x1A800;
	s6 =	simm.s32 $0x1;
	s9 =	simm.s32 $0x2780  }
0x1c: {  	[dreg:$0xe] =	wrdreg s25;
	s24 =	sadd.s32 s7, s21;
	s25 =	smax.u32 s8, $0x1  }
0x1d: {  	s7 =	simm.s32 $0x2;
	s8 =	simm.s32 $0x2700;
	_ =	strace $0x8000004D  }
.LBB2_11:
0x1e: {  	[tilespmem:s5], [sflag:$0x2] =	stream.indirect.gather [hbm4b:s19+s3], $0x80, s12, s3, $0xb8;
	[tilespmem:$0x1E800] =	vst v63  }
0x1f: {  	_ =	swait.ge [sflag:s6], $0x4000  }
0x20: {  	[sflag:s6] =	ssyncset.done $0x0  }
0x21: {  	s11 =	simm.s32 $0x3;
	[sflag:s6] =	ssyncadd.s32 $0xFFFFC000  }
0x22: {  	[spmem:s21] =	stream.indirect.scatter.add.f32 [tilespmem:s4], [sflag:$0x3], $0x80, s8, s3, $0xb8;
	[tilespmem:$0x1E800] =	vst v63  }
0x23: {  	_ =	swait.ge [sflag:s11], $0x4000  }
0x24: {  	[sflag:s11] =	ssyncset.done $0x0  }
0x25: {  	[sflag:s11] =	ssyncadd.s32 $0xFFFFC000  }
0x26: {  	_ =	swait.ge [sflag:s7], $0x4000  }
0x27: {  	[sflag:s7] =	ssyncset.done $0x0  }
0x28: {  	[sflag:s7] =	ssyncadd.s32 $0xFFFFC000  }
0x29: {  	[spmem:s21] =	stream.indirect.scatter.add.f32 [tilespmem:s5], [sflag:$0x3], $0x80, s9, s3, $0xb8;
	[tilespmem:$0x1E800] =	vst v63  }
0x2a: {  	_ =	swait.ge [sflag:s11], $0x4000  }
0x2b: {  	[sflag:s11] =	ssyncset.done $0x0  }
0x2c: {  	[sflag:s11] =	ssyncadd.s32 $0xFFFFC000  }
0x2d: {  	[bflag:$0x0] =	sbarrier.arrive $0xFFFF  }
0x2e: {  	s13 =	rddreg [dreg:$0xc]  }
0x2f: {  	[hbm:s13], [sflag:s18] =	dma.local [spmem:s10], $0x800  }
0x30: {  	_ =	swait.ge [sflag:s11], $0x800  }
0x31: {  	[sflag:s11] =	ssyncset.done $0x0  }
0x32: {  	s12 =	sshrl.u32 s26, $0x3;
	s13 =	rddreg [dreg:$0xd];
	[sflag:s11] =	ssyncadd.s32 $0xFFFFF800  }
0x33: {  	[hbm:s13], [sflag:s18] =	dma.local [spmem:s12], $0x800  }
0x34: {  	_ =	swait.ge [sflag:s11], $0x800  }
0x35: {  	[sflag:s11] =	ssyncset.done $0x0  }
0x36: {  	s12 =	sshrl.u32 s28, $0x3;
	s13 =	rddreg [dreg:$0xe];
	[sflag:s11] =	ssyncadd.s32 $0xFFFFF800  }
0x37: {  	[hbm:s13], [sflag:s18] =	dma.local [spmem:s12], $0x800  }
0x38: {  	_ =	swait.ge [sflag:s11], $0x800  }
0x39: {  	[sflag:s11] =	ssyncset.done $0x0  }
0x3a: {  	s12 =	sshrl.u32 s30, $0x3;
	s13 =	rddreg [dreg:$0xf];
	[sflag:s11] =	ssyncadd.s32 $0xFFFFF800  }
0x3b: {  	[hbm:s13], [sflag:s18] =	dma.local [spmem:s12], $0x800  }
0x3c: {  	_ =	swait.ge [sflag:s11], $0x800  }
0x3d: {  	[sflag:s11] =	ssyncset.done $0x0  }
0x3e: {  	s13 =	sshrl.u32 s31, $0x3;
	[sflag:s11] =	ssyncadd.s32 $0xFFFFF800  }
0x3f: {  	[hbm:s14], [sflag:s18] =	dma.local [spmem:s13], $0x800  }
.LBB2_12:
0x40: {  	s1 =	sadd.s32 $0x1, s1  }
0x41: {  	p1 =	sne.s32 s1, s25  }
.Ltmp1:
0x42: {  	_ = 	snop;
	(pc) =	sbr.rel @!p1 .LBB2_13-.Ltmp1, $4  }
0x43: {  	_ = 	snop  }
0x44: {  	_ =	swait.ge [sflag:s11], $0x800  }
0x45: {  	[sflag:s11] =	ssyncset.done $0x0  }
0x46: {  	[sflag:s11] =	ssyncadd.s32 $0xFFFFF800  }
.LBB2_1:
0x47: {  	s10 =	sshrl.u32 s24, $0x3  }
0x48: {  	[spmem:s10], [sflag:s18] =	dma.local [hbm:s23], $0x2800  }
.Ltmp2:
0x49: {  	_ =	swait.ge [sflag:s0], $0x2800;
	(pc) =	sbr.rel @p0 .LBB2_7-.Ltmp2, $4  }
0x4a: {  	[sflag:s0] =	ssyncset.done $0x0  }
0x4b: {  	[sflag:s0] =	ssyncadd.s32 $0xFFFFD800  }
0x4c: {  	[bflag:$0x0] =	sbarrier.arrive $0xFFFF  }
0x4d: {  	s11 =	simm.s32 $0x0  }
0x4e: {  	s12 =	rddreg [dreg:$0x8]  }
0x4f: {  	[tilespmem:s11], [sflag:$0x3] =	stream.linear.gather [hbm4b:s12+s11], $0x1400, $0x38;
	[tilespmem:$0x1E800] =	vst v63  }
0x50: {  	_ =	swait.ge [sflag:s0], $0x1400  }
0x51: {  	[sflag:s0] =	ssyncset.done $0x0  }
0x52: {  	s13 =	rddreg [dreg:$0x9];
	[sflag:s0] =	ssyncadd.s32 $0xFFFFEC00  }
0x53: {  	[tilespmem:s2], [sflag:$0x3] =	stream.linear.gather [hbm4b:s13+s11], $0x1400, $0x38;
	[tilespmem:$0x1E800] =	vst v63  }
0x54: {  	_ =	swait.ge [sflag:s0], $0x1400  }
0x55: {  	[sflag:s0] =	ssyncset.done $0x0  }
0x56: {  	[sflag:s0] =	ssyncadd.s32 $0xFFFFEC00  }
0x57: {  	[tilespmem:s4], [sflag:$0x1] =	stream.indirect.gather [hbm4b:s19+s3], $0x80, s11, s3, $0xb8;
	[tilespmem:$0x1E800] =	vst v63  }
0x58: {  	_ = 	snop  }
0x59: {  	[tilespmem:s5], [sflag:$0x2] =	stream.indirect.gather [hbm4b:s19+s3], $0x80, s3, s3, $0xb8;
	[tilespmem:$0x1E800] =	vst v63  }
0x5a: {  	_ =	swait.ge [sflag:s6], $0x4000  }
0x5b: {  	[sflag:s6] =	ssyncset.done $0x0  }
0x5c: {  	s13 =	simm.s32 $0x1400;
	[sflag:s6] =	ssyncadd.s32 $0xFFFFC000  }
0x5d: {  	[spmem:s21] =	stream.indirect.scatter.add.f32 [tilespmem:s4], [sflag:$0x3], $0x80, s13, s3, $0xb8;
	[tilespmem:$0x1E800] =	vst v63  }
0x5e: {  	_ =	swait.ge [sflag:s0], $0x4000  }
0x5f: {  	[sflag:s0] =	ssyncset.done $0x0  }
0x60: {  	s12 =	simm.s32 $0x100;
	[sflag:s0] =	ssyncadd.s32 $0xFFFFC000  }
0x61: {  	[tilespmem:s4], [sflag:$0x1] =	stream.indirect.gather [hbm4b:s19+s3], $0x80, s12, s3, $0xb8;
	[tilespmem:$0x1E800] =	vst v63  }
0x62: {  	_ =	swait.ge [sflag:s7], $0x4000  }
0x63: {  	[sflag:s7] =	ssyncset.done $0x0  }
0x64: {  	s13 =	simm.s32 $0x1480;
	[sflag:s7] =	ssyncadd.s32 $0xFFFFC000  }
0x65: {  	[spmem:s21] =	stream.indirect.scatter.add.f32 [tilespmem:s5], [sflag:$0x3], $0x80, s13, s3, $0xb8;
	[tilespmem:$0x1E800] =	vst v63  }
0x66: {  	_ =	swait.ge [sflag:s0], $0x4000  }
0x67: {  	[sflag:s0] =	ssyncset.done $0x0  }
0x68: {  	s11 =	simm.s32 $0x400;
	s12 =	simm.s32 $0x180;
	[sflag:s0] =	ssyncadd.s32 $0xFFFFC000  }
.LBB2_3:
0x69: {  	[tilespmem:s5], [sflag:$0x2] =	stream.indirect.gather [hbm4b:s19+s3], $0x80, s12, s3, $0xb8;
	[tilespmem:$0x1E800] =	vst v63  }
0x6a: {  	s12 =	smov.u32 s11  }
0x6b: {  	p1 =	sne.s32 s11, $0x4800;
	s11 =	sadd.s32 $0x400, s11;
	_ =	swait.ge [sflag:s6], $0x4000  }
0x6c: {  	s12 =	sshra.s32 s12, $0x2;
	[sflag:s6] =	ssyncset.done $0x0  }
0x6d: {  	s13 =	sadd.s32 $0x1400, s12;
	[sflag:s6] =	ssyncadd.s32 $0xFFFFC000  }
0x6e: {  	[spmem:s21] =	stream.indirect.scatter.add.f32 [tilespmem:s4], [sflag:$0x3], $0x80, s13, s3, $0xb8;
	[tilespmem:$0x1E800] =	vst v63  }
0x6f: {  	_ =	swait.ge [sflag:s0], $0x4000  }
0x70: {  	[sflag:s0] =	ssyncset.done $0x0  }
0x71: {  	s13 =	sadd.s32 $0x100, s12;
	[sflag:s0] =	ssyncadd.s32 $0xFFFFC000  }
0x72: {  	[tilespmem:s4], [sflag:$0x1] =	stream.indirect.gather [hbm4b:s19+s3], $0x80, s13, s3, $0xb8;
	[tilespmem:$0x1E800] =	vst v63  }
0x73: {  	_ =	swait.ge [sflag:s7], $0x4000  }
0x74: {  	[sflag:s7] =	ssyncset.done $0x0  }
.Ltmp3:
0x75: {  	s13 =	sadd.s32 $0x1480, s12;
	[sflag:s7] =	ssyncadd.s32 $0xFFFFC000;
	(pc) =	sbr.rel @p1 .LBB2_3-.Ltmp3, $4  }
0x76: {  	[spmem:s21] =	stream.indirect.scatter.add.f32 [tilespmem:s5], [sflag:$0x3], $0x80, s13, s3, $0xb8;
	[tilespmem:$0x1E800] =	vst v63  }
0x77: {  	_ =	swait.ge [sflag:s0], $0x4000  }
0x78: {  	[sflag:s0] =	ssyncset.done $0x0  }
0x79: {  	s12 =	sadd.s32 $0x180, s12;
	[sflag:s0] =	ssyncadd.s32 $0xFFFFC000  }
0x7a: {  	[tilespmem:s5], [sflag:$0x2] =	stream.indirect.gather [hbm4b:s19+s3], $0x80, s12, s3, $0xb8;
	[tilespmem:$0x1E800] =	vst v63  }
0x7b: {  	_ =	swait.ge [sflag:s6], $0x4000  }
0x7c: {  	[sflag:s6] =	ssyncset.done $0x0  }
0x7d: {  	[sflag:s6] =	ssyncadd.s32 $0xFFFFC000  }
0x7e: {  	[spmem:s21] =	stream.indirect.scatter.add.f32 [tilespmem:s4], [sflag:$0x3], $0x80, s8, s3, $0xb8;
	[tilespmem:$0x1E800] =	vst v63  }
0x7f: {  	_ =	swait.ge [sflag:s0], $0x4000  }
0x80: {  	[sflag:s0] =	ssyncset.done $0x0  }
0x81: {  	[sflag:s0] =	ssyncadd.s32 $0xFFFFC000  }
0x82: {  	_ =	swait.ge [sflag:s7], $0x4000  }
0x83: {  	[sflag:s7] =	ssyncset.done $0x0  }
0x84: {  	[sflag:s7] =	ssyncadd.s32 $0xFFFFC000  }
0x85: {  	[spmem:s21] =	stream.indirect.scatter.add.f32 [tilespmem:s5], [sflag:$0x3], $0x80, s9, s3, $0xb8;
	[tilespmem:$0x1E800] =	vst v63  }
0x86: {  	_ =	swait.ge [sflag:s0], $0x4000  }
0x87: {  	[sflag:s0] =	ssyncset.done $0x0  }
0x88: {  	s11 =	simm.s32 $0x0;
	s13 =	rddreg [dreg:$0xa];
	[sflag:s0] =	ssyncadd.s32 $0xFFFFC000  }
0x89: {  	[tilespmem:s11], [sflag:$0x3] =	stream.linear.gather [hbm4b:s13+s11], $0x1400, $0x38;
	[tilespmem:$0x1E800] =	vst v63  }
0x8a: {  	_ =	swait.ge [sflag:s0], $0x1400  }
0x8b: {  	[sflag:s0] =	ssyncset.done $0x0  }
0x8c: {  	s13 =	rddreg [dreg:$0xb];
	[sflag:s0] =	ssyncadd.s32 $0xFFFFEC00  }
0x8d: {  	[tilespmem:s2], [sflag:$0x3] =	stream.linear.gather [hbm4b:s13+s11], $0x1400, $0x38;
	[tilespmem:$0x1E800] =	vst v63  }
0x8e: {  	_ =	swait.ge [sflag:s0], $0x1400  }
0x8f: {  	[sflag:s0] =	ssyncset.done $0x0  }
0x90: {  	[sflag:s0] =	ssyncadd.s32 $0xFFFFEC00  }
0x91: {  	[tilespmem:s4], [sflag:$0x1] =	stream.indirect.gather [hbm4b:s19+s3], $0x80, s11, s3, $0xb8;
	[tilespmem:$0x1E800] =	vst v63  }
0x92: {  	_ = 	snop  }
0x93: {  	[tilespmem:s5], [sflag:$0x2] =	stream.indirect.gather [hbm4b:s19+s3], $0x80, s3, s3, $0xb8;
	[tilespmem:$0x1E800] =	vst v63  }
0x94: {  	_ =	swait.ge [sflag:s6], $0x4000  }
0x95: {  	[sflag:s6] =	ssyncset.done $0x0  }
0x96: {  	s13 =	simm.s32 $0x1400;
	[sflag:s6] =	ssyncadd.s32 $0xFFFFC000  }
0x97: {  	[spmem:s21] =	stream.indirect.scatter.add.f32 [tilespmem:s4], [sflag:$0x3], $0x80, s13, s3, $0xb8;
	[tilespmem:$0x1E800] =	vst v63  }
0x98: {  	_ =	swait.ge [sflag:s0], $0x4000  }
0x99: {  	[sflag:s0] =	ssyncset.done $0x0  }
0x9a: {  	s12 =	simm.s32 $0x100;
	[sflag:s0] =	ssyncadd.s32 $0xFFFFC000  }
0x9b: {  	[tilespmem:s4], [sflag:$0x1] =	stream.indirect.gather [hbm4b:s19+s3], $0x80, s12, s3, $0xb8;
	[tilespmem:$0x1E800] =	vst v63  }
0x9c: {  	_ =	swait.ge [sflag:s7], $0x4000  }
0x9d: {  	[sflag:s7] =	ssyncset.done $0x0  }
0x9e: {  	s13 =	simm.s32 $0x1480;
	[sflag:s7] =	ssyncadd.s32 $0xFFFFC000  }
0x9f: {  	[spmem:s21] =	stream.indirect.scatter.add.f32 [tilespmem:s5], [sflag:$0x3], $0x80, s13, s3, $0xb8;
	[tilespmem:$0x1E800] =	vst v63  }
0xa0: {  	_ =	swait.ge [sflag:s0], $0x4000  }
0xa1: {  	[sflag:s0] =	ssyncset.done $0x0  }
0xa2: {  	s11 =	simm.s32 $0x400;
	s12 =	simm.s32 $0x180;
	[sflag:s0] =	ssyncadd.s32 $0xFFFFC000  }
.LBB2_5:
0xa3: {  	[tilespmem:s5], [sflag:$0x2] =	stream.indirect.gather [hbm4b:s19+s3], $0x80, s12, s3, $0xb8;
	[tilespmem:$0x1E800] =	vst v63  }
0xa4: {  	s12 =	smov.u32 s11  }
0xa5: {  	p1 =	seq.s32 s11, $0x4800;
	s11 =	sadd.s32 $0x400, s11;
	_ =	swait.ge [sflag:s6], $0x4000  }
0xa6: {  	s12 =	sshra.s32 s12, $0x2;
	[sflag:s6] =	ssyncset.done $0x0  }
0xa7: {  	s13 =	sadd.s32 $0x1400, s12;
	[sflag:s6] =	ssyncadd.s32 $0xFFFFC000  }
0xa8: {  	[spmem:s21] =	stream.indirect.scatter.add.f32 [tilespmem:s4], [sflag:$0x3], $0x80, s13, s3, $0xb8;
	[tilespmem:$0x1E800] =	vst v63  }
0xa9: {  	_ =	swait.ge [sflag:s0], $0x4000  }
0xaa: {  	[sflag:s0] =	ssyncset.done $0x0  }
0xab: {  	s13 =	sadd.s32 $0x100, s12;
	[sflag:s0] =	ssyncadd.s32 $0xFFFFC000  }
0xac: {  	[tilespmem:s4], [sflag:$0x1] =	stream.indirect.gather [hbm4b:s19+s3], $0x80, s13, s3, $0xb8;
	[tilespmem:$0x1E800] =	vst v63  }
0xad: {  	_ =	swait.ge [sflag:s7], $0x4000  }
0xae: {  	[sflag:s7] =	ssyncset.done $0x0  }
.Ltmp4:
0xaf: {  	s13 =	sadd.s32 $0x1480, s12;
	[sflag:s7] =	ssyncadd.s32 $0xFFFFC000;
	(pc) =	sbr.rel @!p1 .LBB2_5-.Ltmp4, $4  }
0xb0: {  	[spmem:s21] =	stream.indirect.scatter.add.f32 [tilespmem:s5], [sflag:$0x3], $0x80, s13, s3, $0xb8;
	[tilespmem:$0x1E800] =	vst v63  }
0xb1: {  	_ =	swait.ge [sflag:s0], $0x4000  }
0xb2: {  	[sflag:s0] =	ssyncset.done $0x0  }
0xb3: {  	s12 =	sadd.s32 $0x180, s12;
	[sflag:s0] =	ssyncadd.s32 $0xFFFFC000  }
0xb4: {  	[tilespmem:s5], [sflag:$0x2] =	stream.indirect.gather [hbm4b:s19+s3], $0x80, s12, s3, $0xb8;
	[tilespmem:$0x1E800] =	vst v63  }
0xb5: {  	_ =	swait.ge [sflag:s6], $0x4000  }
0xb6: {  	[sflag:s6] =	ssyncset.done $0x0  }
0xb7: {  	[sflag:s6] =	ssyncadd.s32 $0xFFFFC000  }
0xb8: {  	[spmem:s21] =	stream.indirect.scatter.add.f32 [tilespmem:s4], [sflag:$0x3], $0x80, s8, s3, $0xb8;
	[tilespmem:$0x1E800] =	vst v63  }
0xb9: {  	_ =	swait.ge [sflag:s0], $0x4000  }
0xba: {  	[sflag:s0] =	ssyncset.done $0x0  }
0xbb: {  	[sflag:s0] =	ssyncadd.s32 $0xFFFFC000  }
0xbc: {  	_ =	swait.ge [sflag:s7], $0x4000  }
0xbd: {  	[sflag:s7] =	ssyncset.done $0x0  }
0xbe: {  	[sflag:s7] =	ssyncadd.s32 $0xFFFFC000  }
0xbf: {  	[spmem:s21] =	stream.indirect.scatter.add.f32 [tilespmem:s5], [sflag:$0x3], $0x80, s9, s3, $0xb8;
	[tilespmem:$0x1E800] =	vst v63  }
0xc0: {  	_ =	swait.ge [sflag:s0], $0x4000  }
0xc1: {  	[sflag:s0] =	ssyncset.done $0x0  }
0xc2: {  	[sflag:s0] =	ssyncadd.s32 $0xFFFFC000  }
0xc3: {  	s12 =	sor.u32 $0x1C04, s29;
	s11 =	simm.s32 $0x4;
	[bflag:$0x0] =	sbarrier.arrive $0xFFFF  }
0xc4: {  	[hbm:s15], [sflag:s12] =	dma.local [spmem:s10], $0x800  }
0xc5: {  	_ =	swait.ge [sflag:s11], $0x800  }
0xc6: {  	[sflag:s11] =	ssyncset.done $0x0  }
0xc7: {  	s13 =	sshrl.u32 s26, $0x3;
	[sflag:s11] =	ssyncadd.s32 $0xFFFFF800  }
0xc8: {  	[hbm:s16], [sflag:s12] =	dma.local [spmem:s13], $0x800  }
0xc9: {  	_ =	swait.ge [sflag:s11], $0x800  }
0xca: {  	[sflag:s11] =	ssyncset.done $0x0  }
0xcb: {  	s13 =	sshrl.u32 s28, $0x3;
	[sflag:s11] =	ssyncadd.s32 $0xFFFFF800  }
0xcc: {  	[hbm:s17], [sflag:s12] =	dma.local [spmem:s13], $0x800  }
0xcd: {  	_ =	swait.ge [sflag:s11], $0x800  }
0xce: {  	[sflag:s11] =	ssyncset.done $0x0  }
0xcf: {  	s13 =	sshrl.u32 s30, $0x3;
	[sflag:s11] =	ssyncadd.s32 $0xFFFFF800  }
0xd0: {  	[hbm:s20], [sflag:s12] =	dma.local [spmem:s13], $0x800  }
.Ltmp5:
0xd1: {  	_ = 	snop;
	(pc) =	sbr.rel .LBB2_12-.Ltmp5, $4  }
0xd2: {  	_ =	swait.ge [sflag:s11], $0x800  }
0xd3: {  	[sflag:s11] =	ssyncset.done $0x0  }
0xd4: {  	s13 =	sshrl.u32 s31, $0x3;
	[sflag:s11] =	ssyncadd.s32 $0xFFFFF800  }
0xd5: {  	[hbm:s22], [sflag:s12] =	dma.local [spmem:s13], $0x800  }
.LBB2_7:
0xd6: {  	s12 =	rddreg [dreg:$0x4]  }
0xd7: {  	[tilespmem:s11], [sflag:$0x3] =	stream.linear.gather [hbm4b:s12+s11], $0x1400, $0x38;
	[tilespmem:$0x1E800] =	vst v63  }
0xd8: {  	_ =	swait.ge [sflag:s0], $0x1400  }
0xd9: {  	[sflag:s0] =	ssyncset.done $0x0  }
0xda: {  	s13 =	rddreg [dreg:$0x5];
	[sflag:s0] =	ssyncadd.s32 $0xFFFFEC00  }
0xdb: {  	[tilespmem:s2], [sflag:$0x3] =	stream.linear.gather [hbm4b:s13+s11], $0x1400, $0x38;
	[tilespmem:$0x1E800] =	vst v63  }
0xdc: {  	_ =	swait.ge [sflag:s0], $0x1400  }
0xdd: {  	[sflag:s0] =	ssyncset.done $0x0  }
0xde: {  	[sflag:s0] =	ssyncadd.s32 $0xFFFFEC00  }
0xdf: {  	[tilespmem:s4], [sflag:$0x1] =	stream.indirect.gather [hbm4b:s19+s3], $0x80, s11, s3, $0xb8;
	[tilespmem:$0x1E800] =	vst v63  }
0xe0: {  	_ = 	snop  }
0xe1: {  	[tilespmem:s5], [sflag:$0x2] =	stream.indirect.gather [hbm4b:s19+s3], $0x80, s3, s3, $0xb8;
	[tilespmem:$0x1E800] =	vst v63  }
0xe2: {  	_ =	swait.ge [sflag:s6], $0x4000  }
0xe3: {  	[sflag:s6] =	ssyncset.done $0x0  }
0xe4: {  	s13 =	simm.s32 $0x1400;
	[sflag:s6] =	ssyncadd.s32 $0xFFFFC000  }
0xe5: {  	[spmem:s21] =	stream.indirect.scatter.add.f32 [tilespmem:s4], [sflag:$0x3], $0x80, s13, s3, $0xb8;
	[tilespmem:$0x1E800] =	vst v63  }
0xe6: {  	_ =	swait.ge [sflag:s0], $0x4000  }
0xe7: {  	[sflag:s0] =	ssyncset.done $0x0  }
0xe8: {  	s12 =	simm.s32 $0x100;
	[sflag:s0] =	ssyncadd.s32 $0xFFFFC000  }
0xe9: {  	[tilespmem:s4], [sflag:$0x1] =	stream.indirect.gather [hbm4b:s19+s3], $0x80, s12, s3, $0xb8;
	[tilespmem:$0x1E800] =	vst v63  }
0xea: {  	_ =	swait.ge [sflag:s7], $0x4000  }
0xeb: {  	[sflag:s7] =	ssyncset.done $0x0  }
0xec: {  	s13 =	simm.s32 $0x1480;
	[sflag:s7] =	ssyncadd.s32 $0xFFFFC000  }
0xed: {  	[spmem:s21] =	stream.indirect.scatter.add.f32 [tilespmem:s5], [sflag:$0x3], $0x80, s13, s3, $0xb8;
	[tilespmem:$0x1E800] =	vst v63  }
0xee: {  	_ =	swait.ge [sflag:s0], $0x4000  }
0xef: {  	[sflag:s0] =	ssyncset.done $0x0  }
0xf0: {  	s11 =	simm.s32 $0x400;
	s12 =	simm.s32 $0x180;
	[sflag:s0] =	ssyncadd.s32 $0xFFFFC000  }
.LBB2_8:
0xf1: {  	[tilespmem:s5], [sflag:$0x2] =	stream.indirect.gather [hbm4b:s19+s3], $0x80, s12, s3, $0xb8;
	[tilespmem:$0x1E800] =	vst v63  }
0xf2: {  	s12 =	smov.u32 s11  }
0xf3: {  	p1 =	sne.s32 s11, $0x4800;
	s11 =	sadd.s32 $0x400, s11;
	_ =	swait.ge [sflag:s6], $0x4000  }
0xf4: {  	s12 =	sshra.s32 s12, $0x2;
	[sflag:s6] =	ssyncset.done $0x0  }
0xf5: {  	s13 =	sadd.s32 $0x1400, s12;
	[sflag:s6] =	ssyncadd.s32 $0xFFFFC000  }
0xf6: {  	[spmem:s21] =	stream.indirect.scatter.add.f32 [tilespmem:s4], [sflag:$0x3], $0x80, s13, s3, $0xb8;
	[tilespmem:$0x1E800] =	vst v63  }
0xf7: {  	_ =	swait.ge [sflag:s0], $0x4000  }
0xf8: {  	[sflag:s0] =	ssyncset.done $0x0  }
0xf9: {  	s13 =	sadd.s32 $0x100, s12;
	[sflag:s0] =	ssyncadd.s32 $0xFFFFC000  }
0xfa: {  	[tilespmem:s4], [sflag:$0x1] =	stream.indirect.gather [hbm4b:s19+s3], $0x80, s13, s3, $0xb8;
	[tilespmem:$0x1E800] =	vst v63  }
0xfb: {  	_ =	swait.ge [sflag:s7], $0x4000  }
0xfc: {  	[sflag:s7] =	ssyncset.done $0x0  }
.Ltmp6:
0xfd: {  	s13 =	sadd.s32 $0x1480, s12;
	[sflag:s7] =	ssyncadd.s32 $0xFFFFC000;
	(pc) =	sbr.rel @p1 .LBB2_8-.Ltmp6, $4  }
0xfe: {  	[spmem:s21] =	stream.indirect.scatter.add.f32 [tilespmem:s5], [sflag:$0x3], $0x80, s13, s3, $0xb8;
	[tilespmem:$0x1E800] =	vst v63  }
0xff: {  	_ =	swait.ge [sflag:s0], $0x4000  }
0x100: {  	[sflag:s0] =	ssyncset.done $0x0  }
0x101: {  	s12 =	sadd.s32 $0x180, s12;
	[sflag:s0] =	ssyncadd.s32 $0xFFFFC000  }
0x102: {  	[tilespmem:s5], [sflag:$0x2] =	stream.indirect.gather [hbm4b:s19+s3], $0x80, s12, s3, $0xb8;
	[tilespmem:$0x1E800] =	vst v63  }
0x103: {  	_ =	swait.ge [sflag:s6], $0x4000  }
0x104: {  	[sflag:s6] =	ssyncset.done $0x0  }
0x105: {  	[sflag:s6] =	ssyncadd.s32 $0xFFFFC000  }
0x106: {  	[spmem:s21] =	stream.indirect.scatter.add.f32 [tilespmem:s4], [sflag:$0x3], $0x80, s8, s3, $0xb8;
	[tilespmem:$0x1E800] =	vst v63  }
0x107: {  	_ =	swait.ge [sflag:s0], $0x4000  }
0x108: {  	[sflag:s0] =	ssyncset.done $0x0  }
0x109: {  	[sflag:s0] =	ssyncadd.s32 $0xFFFFC000  }
0x10a: {  	_ =	swait.ge [sflag:s7], $0x4000  }
0x10b: {  	[sflag:s7] =	ssyncset.done $0x0  }
0x10c: {  	[sflag:s7] =	ssyncadd.s32 $0xFFFFC000  }
0x10d: {  	[spmem:s21] =	stream.indirect.scatter.add.f32 [tilespmem:s5], [sflag:$0x3], $0x80, s9, s3, $0xb8;
	[tilespmem:$0x1E800] =	vst v63  }
0x10e: {  	_ =	swait.ge [sflag:s0], $0x4000  }
0x10f: {  	[sflag:s0] =	ssyncset.done $0x0  }
0x110: {  	s11 =	simm.s32 $0x0;
	s13 =	rddreg [dreg:$0x6];
	[sflag:s0] =	ssyncadd.s32 $0xFFFFC000  }
0x111: {  	[tilespmem:s11], [sflag:$0x3] =	stream.linear.gather [hbm4b:s13+s11], $0x1400, $0x38;
	[tilespmem:$0x1E800] =	vst v63  }
0x112: {  	_ =	swait.ge [sflag:s0], $0x1400  }
0x113: {  	[sflag:s0] =	ssyncset.done $0x0  }
0x114: {  	s13 =	rddreg [dreg:$0x7];
	[sflag:s0] =	ssyncadd.s32 $0xFFFFEC00  }
0x115: {  	[tilespmem:s2], [sflag:$0x3] =	stream.linear.gather [hbm4b:s13+s11], $0x1400, $0x38;
	[tilespmem:$0x1E800] =	vst v63  }
0x116: {  	_ =	swait.ge [sflag:s0], $0x1400  }
0x117: {  	[sflag:s0] =	ssyncset.done $0x0  }
0x118: {  	[sflag:s0] =	ssyncadd.s32 $0xFFFFEC00  }
0x119: {  	[tilespmem:s4], [sflag:$0x1] =	stream.indirect.gather [hbm4b:s19+s3], $0x80, s11, s3, $0xb8;
	[tilespmem:$0x1E800] =	vst v63  }
0x11a: {  	_ = 	snop  }
0x11b: {  	[tilespmem:s5], [sflag:$0x2] =	stream.indirect.gather [hbm4b:s19+s3], $0x80, s3, s3, $0xb8;
	[tilespmem:$0x1E800] =	vst v63  }
0x11c: {  	_ =	swait.ge [sflag:s6], $0x4000  }
0x11d: {  	[sflag:s6] =	ssyncset.done $0x0  }
0x11e: {  	s13 =	simm.s32 $0x1400;
	[sflag:s6] =	ssyncadd.s32 $0xFFFFC000  }
0x11f: {  	[spmem:s21] =	stream.indirect.scatter.add.f32 [tilespmem:s4], [sflag:$0x3], $0x80, s13, s3, $0xb8;
	[tilespmem:$0x1E800] =	vst v63  }
0x120: {  	_ =	swait.ge [sflag:s0], $0x4000  }
0x121: {  	[sflag:s0] =	ssyncset.done $0x0  }
0x122: {  	s12 =	simm.s32 $0x100;
	[sflag:s0] =	ssyncadd.s32 $0xFFFFC000  }
0x123: {  	[tilespmem:s4], [sflag:$0x1] =	stream.indirect.gather [hbm4b:s19+s3], $0x80, s12, s3, $0xb8;
	[tilespmem:$0x1E800] =	vst v63  }
0x124: {  	_ =	swait.ge [sflag:s7], $0x4000  }
0x125: {  	[sflag:s7] =	ssyncset.done $0x0  }
0x126: {  	s13 =	simm.s32 $0x1480;
	[sflag:s7] =	ssyncadd.s32 $0xFFFFC000  }
0x127: {  	[spmem:s21] =	stream.indirect.scatter.add.f32 [tilespmem:s5], [sflag:$0x3], $0x80, s13, s3, $0xb8;
	[tilespmem:$0x1E800] =	vst v63  }
0x128: {  	_ =	swait.ge [sflag:s0], $0x4000  }
0x129: {  	[sflag:s0] =	ssyncset.done $0x0  }
0x12a: {  	s11 =	simm.s32 $0x400;
	s12 =	simm.s32 $0x180;
	[sflag:s0] =	ssyncadd.s32 $0xFFFFC000  }
.LBB2_10:
0x12b: {  	[tilespmem:s5], [sflag:$0x2] =	stream.indirect.gather [hbm4b:s19+s3], $0x80, s12, s3, $0xb8;
	[tilespmem:$0x1E800] =	vst v63  }
0x12c: {  	s12 =	smov.u32 s11  }
0x12d: {  	p1 =	sne.s32 s11, $0x4800;
	s11 =	sadd.s32 $0x400, s11;
	_ =	swait.ge [sflag:s6], $0x4000  }
0x12e: {  	s12 =	sshra.s32 s12, $0x2;
	[sflag:s6] =	ssyncset.done $0x0  }
0x12f: {  	s13 =	sadd.s32 $0x1400, s12;
	[sflag:s6] =	ssyncadd.s32 $0xFFFFC000  }
0x130: {  	[spmem:s21] =	stream.indirect.scatter.add.f32 [tilespmem:s4], [sflag:$0x3], $0x80, s13, s3, $0xb8;
	[tilespmem:$0x1E800] =	vst v63  }
0x131: {  	_ =	swait.ge [sflag:s0], $0x4000  }
0x132: {  	[sflag:s0] =	ssyncset.done $0x0  }
0x133: {  	s13 =	sadd.s32 $0x100, s12;
	[sflag:s0] =	ssyncadd.s32 $0xFFFFC000  }
0x134: {  	[tilespmem:s4], [sflag:$0x1] =	stream.indirect.gather [hbm4b:s19+s3], $0x80, s13, s3, $0xb8;
	[tilespmem:$0x1E800] =	vst v63  }
0x135: {  	_ =	swait.ge [sflag:s7], $0x4000  }
0x136: {  	[sflag:s7] =	ssyncset.done $0x0  }
.Ltmp7:
0x137: {  	s13 =	sadd.s32 $0x1480, s12;
	[sflag:s7] =	ssyncadd.s32 $0xFFFFC000;
	(pc) =	sbr.rel @p1 .LBB2_10-.Ltmp7, $4  }
0x138: {  	[spmem:s21] =	stream.indirect.scatter.add.f32 [tilespmem:s5], [sflag:$0x3], $0x80, s13, s3, $0xb8;
	[tilespmem:$0x1E800] =	vst v63  }
0x139: {  	_ =	swait.ge [sflag:s0], $0x4000  }
0x13a: {  	[sflag:s0] =	ssyncset.done $0x0  }
0x13b: {  	s12 =	sadd.s32 $0x180, s12;
	[sflag:s0] =	ssyncadd.s32 $0xFFFFC000  }
.Ltmp8:
0x13c: {  	_ = 	snop;
	(pc) =	sbr.rel .LBB2_11-.Ltmp8, $1  }
0x13d: {  	_ =	sdelay $0x3  }
.LBB2_13:
0x13e: {  	_ =	sfence.sel $0x180000  }
0x13f: {  	[bflag:$0x0] =	sbarrier.arrive $0xFFFF  }
0x140: {  	_ =	strace $0x9000004D  }
0x141: {  	s0 =	stileid.u32;
	[bflag:$0x2] =	sbarrier.arrive $0xFFFF  }
0x142: {  	p0 =	sne.s32 s0, $0x0;
	s0 =	rddreg [dreg:$0x3]  }
0x143: {  	s0 =	sadd.s32 @!p0 $0x100000, s0  }
0x144: {  	[sflag:s0] =	ssyncadd.tile.s32 @!p0 $0x1;
	_ =	shalt  }
.Lfunc_end2:
_tile_overlayer_lowered:
.L_overlay_start_2:
0x145: {  	(tag) =	ssettag $0x2  }
0x146: {  	s0 =	rddreg [dreg:$0x0];
	s2 =	stileid.u32  }
0x147: {  	s1 =	rddreg [dreg:$0x1];
	p0 =	sne.s32 s2, $0x0  }
0x148: {  	s3 =	rddreg [dreg:$0x2];
	[bflag:$0x3] =	sbarrier.arrive $0xFFFF;
	s2 =	simm.s32 @!p0 $0x1C03  }
0x149: {  	[timem:s3], [sflag:s2] =	dma.local @!p0 [hbm:s0], s1  }
0x14a: {  	s0 =	simm.s32 @!p0 $0x3  }
0x14b: {  	_ =	swait.ge @!p0 [sflag:s0], s1  }
0x14c: {  	s1 =	ssub.s32 @!p0 $0x0, s1;
	[sflag:s0] =	ssyncset.done @!p0 $0x0  }
0x14d: {  	[sflag:s0] =	ssyncadd.s32 @!p0 s1  }
0x14e: {  	[bflag:$0x3] =	sbarrier.arrive $0xFFFF  }
0x14f: {  	_ =	shalt  }

// kernel: kernel.9.cloned.1.call-start
scs
__scs_entry_jumppad:
0x0: {  	(pc) =	sbr.rel $0x88, $3  }
0x1: {  	(tag) =	ssettag $0x0;
	lr =	simm.s32 $0x1  }
0x2: {  	[smem:$0x3F9B] =	sst lr;
	_ =	strace $0xD0000000  }
0x3: {  	_ = 	snop  }
0x4: {  	_ = 	snop  }
0x5: {  	_ = 	snop  }
0x6: {  	_ = 	snop  }
0x7: {  	_ = 	snop  }
__scs_overlays_trampoline_lowered:
0x8: {  	[smem:$0x3FAA] =	sst s0  }
0x9: {  	[smem:$0x3FAB] =	sst s1  }
0xa: {  	[smem:$0x3FAC] =	sst s2  }
0xb: {  	[smem:$0x3FAD] =	sst s3  }
0xc: {  	[smem:$0x3FAE] =	sst s4  }
0xd: {  	[smem:$0x3FAF] =	sst s5  }
0xe: {  	[smem:$0x3FB0] =	sst s6  }
0xf: {  	[smem:$0x3FB1] =	sst s7  }
0x10: {  	[smem:$0x3FB2] =	sst s8  }
0x11: {  	[smem:$0x3FB3] =	sst s9;
	s0 =	simm.s32 @!p0 $0x0  }
0x12: {  	s1 =	sld [smem:$0x3F99];
	s0 =	simm.s32 @p0 $0x1  }
0x13: {  	[smem:$0x3FB4] =	sst s0;
	s0 =	simm.s32 @!p1 $0x0  }
0x14: {  	s2 =	sld [smem:$0x3F98];
	s0 =	simm.s32 @p1 $0x1  }
0x15: {  	[smem:$0x3FB5] =	sst s0;
	s0 =	simm.s32 @!p2 $0x0  }
0x16: {  	s3 =	sld [smem:$0x3FDB];
	s0 =	simm.s32 @p2 $0x1  }
0x17: {  	s4 =	simm.s32 $0x1BF5;
	[smem:$0x3FB7] =	sst s0  }
0x18: {  	s0 =	sld [smem:$0x3F9A];
	_ =	swait.ge [sflag:s4], $0x0  }
0x19: {  	s7 =	sld [smem:$0x3F9B]  }
0x1a: {  	s8 =	sadd.s32 $0xFFFFE003, lr  }
0x1b: {  	s9 =	sadd.s32 $0xFFFFFEF7, lr;
	s5 =	simm.s32 $0xFFFFFFFF;
	p2 =	slt.u32 s8, $0xFFFFF086  }
0x1c: {  	p1 =	slt.u32 s9, $0xF7A;
	s5 =	simm.s32 @!p2 $0x0  }
0x1d: {  	s5 =	simm.s32 @p1 $0x1;
	p0 =	seq.s32 s7, s2  }
0x1e: {  	s7 =	smul.u32 @!p0 $0xF7A, s2;
	p2 =	seq.s32 @!p0 s5, $0x0  }
0x1f: {  	s9 =	smul.u32 $0xF7A, s1;
	s8 =	simm.s32 @!p0 $0x1BF5;
	p2 =	por !p2, p0  }
0x20: {  	[sflag:s8] =	ssyncset.s32 @!p0 $0xFFFFF086;
	s6 =	sadd.s32 @!p0 s3, s7;
	s7 =	simm.s32 @!p0 $0x108  }
0x21: {  	s3 =	sadd.s32 s3, s9;
	s6 =	sadd.s32 @!p0 $0x88, s6;
	s7 =	simm.s32 @p2 $0x1082  }
0x22: {  	[simem:s7], [sflag:s8] =	dma.local @!p0 [hbm:s6], $0xF7A  }
0x23: {  	s9 =	sor.u32 $0xD0000000, s2;
	s6 =	simm.s32 $0x108;
	_ =	swait.ge @!p0 [sflag:s8], $0x0  }
0x24: {  	s3 =	sadd.s32 $0x88, s3;
	s6 =	simm.s32 @!p1 $0x1082;
	[sflag:s4] =	ssyncset.s32 $0xFFFFF086  }
0x25: {  	[simem:s6], [sflag:s4] =	dma.local [hbm:s3], $0xF7A  }
0x26: {  	[smem:$0x3F9B] =	sst s1;
	(tag) =	ssettag s2;
	_ =	strace s9  }
0x27: {  	s1 =	sld [smem:$0x3FAB]  }
0x28: {  	s2 =	sld [smem:$0x3FAC]  }
0x29: {  	s4 =	sld [smem:$0x3FAE]  }
0x2a: {  	p0 =	seq.s32 s5, $0x0;
	s5 =	sld [smem:$0x3FAF]  }
0x2b: {  	s6 =	sld [smem:$0x3FB0]  }
0x2c: {  	s7 =	sld [smem:$0x3FB1]  }
0x2d: {  	s3 =	simm.s32 $0x108;
	s8 =	sld [smem:$0x3FB2]  }
0x2e: {  	s3 =	simm.s32 @!p0 $0x1082;
	s9 =	sld [smem:$0x3FB3]  }
0x2f: {  	lr =	sadd.s32 s0, s3;
	s0 =	sld [smem:$0x3FAA]  }
0x30: {  	s3 =	sld [smem:$0x3FAD]  }
0x31: {  	[smem:$0x3FB6] =	sst s10  }
0x32: {  	s10 =	sld [smem:$0x3FB4];
	_ =	sdelay $0x3  }
0x33: {  	p0 =	seq.s32 s10, $0x1;
	s10 =	sld [smem:$0x3FB6];
	_ =	sdelay $0x3  }
0x34: {  	[smem:$0x3FB6] =	sst s10  }
0x35: {  	s10 =	sld [smem:$0x3FB5];
	_ =	sdelay $0x3  }
0x36: {  	p1 =	seq.s32 s10, $0x1;
	s10 =	sld [smem:$0x3FB6];
	_ =	sdelay $0x3  }
0x37: {  	[smem:$0x3FB6] =	sst s10  }
0x38: {  	s10 =	sld [smem:$0x3FB7]  }
0x39: {  	_ = 	snop;
	(pc) =	sbr.ind lr, $3  }
0x3a: {  	_ = 	snop  }
0x3b: {  	_ = 	snop  }
0x3c: {  	p2 =	seq.s32 s10, $0x1;
	s10 =	sld [smem:$0x3FB6]  }
0x3d: {  	_ =	shalt  }
0x3e: {  	_ =	shalt  }
0x3f: {  	_ =	shalt  }
0x40: {  	_ =	shalt  }
0x41: {  	_ =	shalt  }
0x42: {  	_ =	shalt  }
0x43: {  	_ =	shalt  }
0x44: {  	_ =	shalt  }
0x45: {  	_ =	shalt  }
0x46: {  	_ =	shalt  }
0x47: {  	_ =	shalt  }
0x48: {  	_ =	shalt  }
0x49: {  	_ =	shalt  }
0x4a: {  	_ =	shalt  }
0x4b: {  	_ =	shalt  }
0x4c: {  	_ =	shalt  }
0x4d: {  	_ =	shalt  }
0x4e: {  	_ =	shalt  }
0x4f: {  	_ =	shalt  }
0x50: {  	_ =	shalt  }
0x51: {  	_ =	shalt  }
0x52: {  	_ =	shalt  }
0x53: {  	_ =	shalt  }
0x54: {  	_ =	shalt  }
0x55: {  	_ =	shalt  }
0x56: {  	_ =	shalt  }
0x57: {  	_ =	shalt  }
0x58: {  	_ =	shalt  }
0x59: {  	_ =	shalt  }
0x5a: {  	_ =	shalt  }
0x5b: {  	_ =	shalt  }
0x5c: {  	_ =	shalt  }
0x5d: {  	_ =	shalt  }
0x5e: {  	_ =	shalt  }
0x5f: {  	_ =	shalt  }
0x60: {  	_ =	shalt  }
0x61: {  	_ =	shalt  }
0x62: {  	_ =	shalt  }
0x63: {  	_ =	shalt  }
0x64: {  	_ =	shalt  }
0x65: {  	_ =	shalt  }
0x66: {  	_ =	shalt  }
0x67: {  	_ =	shalt  }
0x68: {  	_ =	shalt  }
0x69: {  	_ =	shalt  }
0x6a: {  	_ =	shalt  }
0x6b: {  	_ =	shalt  }
0x6c: {  	_ =	shalt  }
0x6d: {  	_ =	shalt  }
0x6e: {  	_ =	shalt  }
0x6f: {  	_ =	shalt  }
0x70: {  	_ =	shalt  }
0x71: {  	_ =	shalt  }
0x72: {  	_ =	shalt  }
0x73: {  	_ =	shalt  }
0x74: {  	_ =	shalt  }
0x75: {  	_ =	shalt  }
0x76: {  	_ =	shalt  }
0x77: {  	_ =	shalt  }
0x78: {  	_ =	shalt  }
0x79: {  	_ =	shalt  }
0x7a: {  	_ =	shalt  }
0x7b: {  	_ =	shalt  }
0x7c: {  	_ =	shalt  }
0x7d: {  	_ =	shalt  }
0x7e: {  	_ =	shalt  }
0x7f: {  	_ =	shalt  }
0x80: {  	_ =	shalt  }
0x81: {  	_ =	shalt  }
0x82: {  	_ =	shalt  }
0x83: {  	_ =	shalt  }
0x84: {  	_ =	shalt  }
0x85: {  	_ =	shalt  }
0x86: {  	_ =	shalt  }
0x87: {  	_ =	shalt  }
.Lfunc_end0:
.L_simem_size_0:
called_computation_lowered:
.L_overlay_start_0:
0x88: {  	s2 =	sld [smem:$0x3FD9]  }
0x89: {  	s3 =	sld [smem:$0x3FFE];
	_ =	sdelay $0x1  }
0x8a: {  	s1 =	srdreg.scid  }
0x8b: {  	s0 =	sand.u32 $0x1, s1  }
0x8c: {  	s17 =	sshll.u32 s0, $0xA;
	s2 =	sadd.s32 s3, s2  }
0x8d: {  	s2 =	sadd.s32 s2, s17  }
0x8e: {  	[smem:$0x3FC2] =	sst s2  }
0x8f: {  	_ = 	snop  }
0x90: {  	s2 =	sld [smem:$0x3FD0];
	(tm) =	ssettm $0x1  }
0x91: {  	s18 =	sld [smem:$0x3FFB];
	_ =	sdelay $0x3  }
0x92: {  	_ =	strace s18  }
0x93: {  	s3 =	sld [smem:$0x3FFC];
	_ =	sdelay $0x3  }
0x94: {  	_ =	strace s3  }
0x95: {  	s3 =	sld [smem:$0x3FFD];
	_ =	sdelay $0x3  }
0x96: {  	_ =	strace s3  }
0x97: {  	_ =	strace $0x8FFFFFFF  }
0x98: {  	s19 =	sld [smem:$0x3FDB];
	_ =	sdelay $0x1  }
0x99: {  	s4 =	simm.s32 $_scs_section_size  }
0x9a: {  	s5 =	simm.s32 $_size__tile_overlayer_lowered;
	s6 =	simm.s32 $_tile_overlayer_lowered  }
0x9b: {  	s22 =	simm.s32 $0x1BFF;
	s21 =	sshll.u32 s6, $0x1;
	s3 =	sadd.s32 s4, s19  }
0x9c: {  	s7 =	simm.s32 $0x0;
	s20 =	sshll.u32 s5, $0x1;
	s5 =	sadd.s32 s21, s3  }
0x9d: {  	[timem:s7], [sflag:s22] =	dma.local [hbm:s5], s20  }
0x9e: {  	_ =	swait.ge [sflag:s22], s20  }
0x9f: {  	s4 =	ssub.s32 $0x0, s20;
	[sflag:s22] =	ssyncset.done $0x0  }
0xa0: {  	[sflag:s22] =	ssyncadd.s32 s4;
	_ =	sdelay $0x1  }
0xa1: {  	s23 =	simm.s32 $0x1B8B  }
0xa2: {  	_ =	swait.ge [sflag:s23], $0x1  }
0xa3: {  	[sflag:s23] =	ssyncset.done $0x0  }
0xa4: {  	s25 =	simm.s32 $0x1B8E;
	s24 =	sld [smem:$0x3FFE];
	[sflag:s23] =	ssyncadd.s32 $0xFFFFFFFF  }
0xa5: {  	s26 =	simm.s32 $execute0_lowered;
	[smem:$0x3FD2] =	sst s25  }
0xa6: {  	s5 =	sshll.u32 s26, $0x1;
	_ =	strace $0x80000046;
	[dreg:$0x1] =	wrdreg $0xFFFFFFFF  }
0xa7: {  	s28 =	simm.s32 $_size_execute0_lowered;
	s3 =	sadd.s32 s3, s5;
	[dreg:$0x0] =	wrdreg $0x0  }
0xa8: {  	s5 =	sshll.u32 s28, $0x1;
	[dreg:$0x2] =	wrdreg s3  }
0xa9: {  	[dreg:$0x3] =	wrdreg s5  }
0xaa: {  	[dreg:$0x4] =	wrdreg $0xC0  }
0xab: {  	_ =	task [dreg:s7], $0x5FFFF  }
0xac: {  	[dreg:$0x1] =	wrdreg $0xFFFFFFFF  }
0xad: {  	[dreg:$0x0] =	wrdreg $0x60  }
0xae: {  	[dreg:$0x2] =	wrdreg s24  }
0xaf: {  	[dreg:$0x3] =	wrdreg s2  }
0xb0: {  	[dreg:$0x4] =	wrdreg $0x28800  }
0xb1: {  	[dreg:$0x5] =	wrdreg $0x9  }
0xb2: {  	_ =	task.clear_ibuf [dreg:s7], $0x6FFFF;
	_ =	strace $0x90000046  }
0xb3: {  	s29 =	simm.s32 $0x9;
	_ =	strace $0x80000048  }
0xb4: {  	_ =	swait.ge [sflag:s29], $0x1  }
0xb5: {  	[sflag:s29] =	ssyncadd.s32 $0xFFFFFFFF  }
0xb6: {  	_ =	strace $0x90000048  }
0xb7: {  	_ =	sfence  }
0xb8: {  	s30 =	sld [smem:$0x0];
	_ =	sdelay $0x2  }
0xb9: {  	s31 =	sshll.u32 s1, $0xD;
	s1 =	sshrl.u32 s1, $0x2  }
0xba: {  	s3 =	sand.u32 $0x4000, s31;
	s1 =	sadd.s32 s1, s30  }
0xbb: {  	s0 =	sor.u32 s3, s0;
	s1 =	sshll.u32 s1, $0x11  }
0xbc: {  	s0 =	sor.u32 s1, s0  }
0xbd: {  	s0 =	sadd.s32 $0x8F2B, s0  }
0xbe: {  	[sflag:s0] =	ssyncadd.remote.s32 $0x1  }
0xbf: {  	_ =	sfence.sel $0xFFFF  }
0xc0: {  	[dreg:$0x0] =	wrdreg $0xFFFFFFFF;
	(pc) =	sbr.abs _section_cstart, $3  }
0xc1: {  	[dreg:$0x1] =	wrdreg $0xFFFFFFFF  }
0xc2: {  	_ =	task.clear_ibuf [dreg:s7], $0x2FFFF;
	_ =	strace $0x9FFFFFFF  }
0xc3: {  	(tm) =	ssettm $0x7FFFFFFF  }
tec
execute0_lowered:
.L_overlay_start_1:
0x0: {  	(tag) =	ssettag $0x1  }
0x1: {  	s5 =	rddreg [dreg:$0x0]  }
0x2: {  	s1 =	srdreg.scid;
	s7 =	rddreg [dreg:$0x1]  }
0x3: {  	s0 =	stileid.u32;
	s2 =	rddreg [dreg:$0x2]  }
0x4: {  	s3 =	simm.s32 $0x0;
	s13 =	simm.s32 $0x80;
	s14 =	simm.s32 $0x20  }
0x5: {  	s15 =	simm.s32 $0x10;
	s16 =	simm.s32 $0x0;
	s6 =	sand.u32 $0x1, s1  }
0x6: {  	s29 =	sshll.u32 s0, $0x1;
	s1 =	rddreg [dreg:$0x3];
	s10 =	smul.u32 $0x500, s0  }
0x7: {  	[smem:$0x7FF] =	sst s3;
	s12 =	smul.u32 $0xA00, s0;
	s31 =	sshll.u32 s0, $0x6  }
0x8: {  	s4 =	sor.u32 s6, s29;
	_ =	strace $0x80000047;
	s9 =	ssub.s32 $0x2, s6  }
0x9: {  	s6 =	sshll.u32 s6, $0x7;
	s4 =	smul.u32 $0x500, s4;
	s11 =	sshrl.u32 s9, $0x1  }
0xa: {  	s10 =	sor.u32 s6, s10;
	s30 =	sshrl.u32 s12, $0x2;
	s9 =	ssub.s32 s9, s11  }
0xb: {  	s10 =	sshrl.u32 s10, $0x3;
	s12 =	sadd.s32 s30, s2;
	s11 =	sor.u32 $0x1C01, s31  }
0xc: {  	s8 =	sadd.s32 s4, s5;
	s4 =	sadd.s32 $0x17800, s5;
	s5 =	sadd.s32 $0x17A00, s5  }
0xd: {  	s7 =	sadd.s32 s7, s10;
	s10 =	simm.s32 $0x2800;
	s12 =	sshrl.u32 s12, $0x3  }
0xe: {  	s6 =	sadd.s32 $0xD800, s8;
	s8 =	smax.u32 s9, $0x1;
	s9 =	simm.s32 $0x1  }
.LBB2_1:
0xf: {  	[tilespmem:s3], [sflag:$0x1] =	stream.linear.gather [hbm4b:s6+s3], $0x2800, $0x38;
	[tilespmem:$0x2B00] =	vst v63  }
0x10: {  	_ =	swait.ge [sflag:s9], $0x2800  }
0x11: {  	[sflag:s9] =	ssyncset.done $0x0  }
0x12: {  	[sflag:s9] =	ssyncadd.s32 $0xFFFFD800  }
0x13: {  	[tilespmem:s10], [sflag:$0x1] =	stream.linear.gather [hbm4b:s4+s3], $0x80, $0x38;
	[tilespmem:$0x2B00] =	vst v63  }
0x14: {  	_ =	swait.ge [sflag:s9], $0x80  }
0x15: {  	[sflag:s9] =	ssyncset.done $0x0  }
0x16: {  	[sflag:s9] =	ssyncadd.s32 $0xFFFFFF80  }
0x17: {  	[spmem:s12], [sflag:s11] =	dma.local [hbm:s5], $0x50  }
0x18: {  	_ =	swait.ge [sflag:s9], $0x50  }
0x19: {  	[sflag:s9] =	ssyncset.done $0x0  }
0x1a: {  	[sflag:s9] =	ssyncadd.s32 $0xFFFFFFB0  }
0x1b: {  	s17 =	simm.s32 $0x0;
	[bflag:$0x0] =	sbarrier.arrive $0xFFFF  }
0x1c: {  	[spmem:s2] =	stream.indirect.scatter.add.f32 [tilespmem:s10], [sflag:$0x1], $0x1, s17, s13, $0xb8;
	[tilespmem:$0x2B00] =	vst v63  }
0x1d: {  	_ =	swait.ge [sflag:s9], $0x80  }
0x1e: {  	s17 =	simm.s32 $0x200;
	[sflag:s9] =	ssyncset.done $0x0  }
.LBB2_2:
0x1f: {  	s18 =	sshra.s32 s17, $0x2;
	[sflag:s9] =	ssyncadd.s32 $0xFFFFFF80;
	p0 =	sne.s32 s17, $0x9E00  }
0x20: {  	[spmem:s2] =	stream.indirect.scatter.add.f32 [tilespmem:s10], [sflag:$0x1], $0x1, s18, s13, $0xb8;
	[tilespmem:$0x2B00] =	vst v63  }
.Ltmp0:
0x21: {  	_ = 	snop;
	(pc) =	sbr.rel @p0 .LBB2_2-.Ltmp0, $4  }
0x22: {  	_ = 	snop  }
0x23: {  	s17 =	sadd.s32 $0x200, s17  }
0x24: {  	_ =	swait.ge [sflag:s9], $0x80  }
0x25: {  	[sflag:s9] =	ssyncset.done $0x0  }
0x26: {  	s16 =	sadd.s32 $0x1, s16  }
0x27: {  	[sflag:s9] =	ssyncadd.s32 $0xFFFFFF80;
	p0 =	sne.s32 s16, s8  }
.Ltmp1:
0x28: {  	[bflag:$0x0] =	sbarrier.arrive $0xFFFF;
	(pc) =	sbr.rel @p0 .LBB2_1-.Ltmp1, $4  }
0x29: {  	[hbm:s7@s14], [sflag:s11] =	dma.strided [spmem:s12@s15], $0x50, s9, $0x10   }
0x2a: {  	_ =	swait.ge [sflag:s9], $0x50  }
0x2b: {  	[sflag:s9] =	ssyncset.done $0x0  }
0x2c: {  	[sflag:s9] =	ssyncadd.s32 $0xFFFFFFB0  }
0x2d: {  	_ =	sfence.sel $0x180000  }
0x2e: {  	[bflag:$0x0] =	sbarrier.arrive $0xFFFF  }
0x2f: {  	p0 =	sne.s32 s0, $0x0;
	_ =	strace $0x90000047  }
0x30: {  	s0 =	sadd.s32 @!p0 $0x100000, s1;
	[bflag:$0x2] =	sbarrier.arrive $0xFFFF  }
0x31: {  	[sflag:s0] =	ssyncadd.tile.s32 @!p0 $0x1;
	_ =	shalt  }
.Lfunc_end2:
_tile_overlayer_lowered:
.L_overlay_start_2:
0x32: {  	(tag) =	ssettag $0x2  }
0x33: {  	s0 =	rddreg [dreg:$0x0];
	s2 =	stileid.u32  }
0x34: {  	s1 =	rddreg [dreg:$0x1];
	p0 =	sne.s32 s2, $0x0  }
0x35: {  	s3 =	rddreg [dreg:$0x2];
	[bflag:$0x3] =	sbarrier.arrive $0xFFFF;
	s2 =	simm.s32 @!p0 $0x1C01  }
0x36: {  	[timem:s3], [sflag:s2] =	dma.local @!p0 [hbm:s0], s1  }
0x37: {  	s0 =	simm.s32 @!p0 $0x1  }
0x38: {  	_ =	swait.ge @!p0 [sflag:s0], s1  }
0x39: {  	s1 =	ssub.s32 @!p0 $0x0, s1;
	[sflag:s0] =	ssyncset.done @!p0 $0x0  }
0x3a: {  	[sflag:s0] =	ssyncadd.s32 @!p0 s1  }
0x3b: {  	[bflag:$0x3] =	sbarrier.arrive $0xFFFF  }
0x3c: {  	_ =	shalt  }

</sc_bundles>
